<compile_context>
chip_gen: v7x
topology: tpu7x:2x2x1
jax: 0.10.2.dev20260603
libtpu: 0.0.44.dev20260713+nightly
codegen_flags: <defaults>
</compile_context>

<pallas_src>
import functools

import jax
import jax.numpy as jnp
from jax.experimental import pallas as pl
from jax.experimental.pallas import tpu as pltpu
from jax.experimental.pallas import tpu_sc as plsc

D_WORD = 64
LANES = 16
N_CHUNKS = D_WORD // LANES
GCHUNK = 128
NW = 32

ANS_WINDOW = 256
SEG_LEN = 20
SEG_BLOCK = 32
CTX_WINDOW = SEG_BLOCK * SEG_LEN
CBLK = CTX_WINDOW // GCHUNK


def _emb_kernel(table, ans_idx, ctx_idx, mask_pad):
    n_ans = ans_idx.shape[0] * GCHUNK
    n_ctx = ctx_idx.shape[0] * GCHUNK
    n_seg = n_ctx // SEG_LEN
    steps = n_ctx // CTX_WINDOW // NW
    assert n_ans % (ANS_WINDOW * NW) == 0 and n_ctx % (CTX_WINDOW * NW) == 0

    mesh = plsc.VectorSubcoreMesh(core_axis_name="c", subcore_axis_name="s")

    @functools.partial(
        pl.kernel,
        out_type=(
            jax.ShapeDtypeStruct((n_ans, D_WORD), jnp.float32),
            jax.ShapeDtypeStruct((n_seg // 2, 2 * D_WORD), jnp.float32),
        ),
        mesh=mesh,
        scratch_types=[
            pltpu.VMEM((2, CTX_WINDOW, D_WORD), jnp.float32),
            pltpu.VMEM((2, CTX_WINDOW), jnp.int32),
            pltpu.SMEM((1,), jnp.int32),
            pltpu.SemaphoreType.DMA,
        ],
        compiler_params=pltpu.CompilerParams(use_tc_tiling_on_sc=False),
    )
    def k(aidx_hbm, cidx_hbm, mask_hbm, table_hbm, ans_hbm, ctx_hbm,
          rows_v, idx_v, cnt_ref, sem):
        def ans_body(i_vmem, o_vmem):
            for j in range(ANS_WINDOW // GCHUNK):
                pltpu.sync_copy(
                    table_hbm.at[i_vmem.at[j]],
                    o_vmem.at[pl.ds(j * GCHUNK, GCHUNK)],
                )

        pltpu.emit_pipeline(
            ans_body,
            grid=(n_ans // ANS_WINDOW,),
            in_specs=[pl.BlockSpec((ANS_WINDOW // GCHUNK, GCHUNK), lambda i: (i, 0))],
            out_specs=[pl.BlockSpec((ANS_WINDOW, D_WORD), lambda i: (i, 0))],
            core_axis_name=("c", "s"),
            dimension_semantics=(pltpu.PARALLEL,),
        )(aidx_hbm, ans_hbm)

        cnt_ref[0] = 0

        def gather_descs(src_idx, buf):
            return [
                pltpu.make_async_copy(
                    table_hbm.at[src_idx.at[pl.ds(j * GCHUNK, GCHUNK)]],
                    rows_v.at[buf, pl.ds(j * GCHUNK, GCHUNK)],
                    sem,
                )
                for j in range(CBLK)
            ]

        def ctx_body(iA, iB, m_vmem, o_vmem):
            c = cnt_ref[0]
            parity = jax.lax.rem(c, 2)
            first = c == 0
            last = c == steps - 1

            @pl.loop(0, CBLK)
            def _(j):
                for q in range(GCHUNK // LANES):
                    idx_v[1 - parity, pl.ds(j * GCHUNK + q * LANES, LANES)] = (
                        iB[j, pl.ds(q * LANES, LANES)]
                    )

            @pl.when(first)
            def _():
                @pl.loop(0, CBLK)
                def _(j):
                    for q in range(GCHUNK // LANES):
                        idx_v[0, pl.ds(j * GCHUNK + q * LANES, LANES)] = (
                            iA[j, pl.ds(q * LANES, LANES)]
                        )
                for d in gather_descs(idx_v.at[0], 0):
                    d.start()
                    d.wait()

            @pl.when(jnp.logical_not(first))
            def _():
                for d in gather_descs(idx_v.at[parity], parity):
                    d.wait()

            @pl.when(jnp.logical_not(last))
            def _():
                for d in gather_descs(idx_v.at[1 - parity], 1 - parity):
                    d.start()

            @pl.loop(0, SEG_BLOCK)
            def _(s):
                base = s * SEG_LEN
                m_vecs = [m_vmem[s, pl.ds(0, LANES)], m_vmem[s, pl.ds(LANES, LANES)]]
                accs = [jnp.zeros((LANES,), jnp.float32) for _ in range(N_CHUNKS)]
                for w in range(SEG_LEN):
                    m = m_vecs[w // LANES][w % LANES]
                    for ch in range(N_CHUNKS):
                        accs[ch] = accs[ch] + rows_v[parity, base + w,
                                                     pl.ds(ch * LANES, LANES)] * m
                half = jax.lax.rem(s, 2) * D_WORD
                for ch in range(N_CHUNKS):
                    o_vmem[jax.lax.div(s, 2),
                           pl.ds(half + ch * LANES, LANES)] = accs[ch]

            cnt_ref[0] = c + 1

        pltpu.emit_pipeline(
            ctx_body,
            grid=(NW, steps),
            in_specs=[
                pl.BlockSpec((CBLK, GCHUNK),
                             lambda w, t: (w * steps + t, 0)),
                pl.BlockSpec((CBLK, GCHUNK),
                             lambda w, t: (w * steps + jnp.minimum(t + 1, steps - 1), 0)),
                pl.BlockSpec((SEG_BLOCK, 2 * LANES),
                             lambda w, t: (w * steps + t, 0)),
            ],
            out_specs=[pl.BlockSpec((SEG_BLOCK // 2, 2 * D_WORD),
                                    lambda w, t: (w * steps + t, 0))],
            core_axis_name=("c", "s"),
            dimension_semantics=(pltpu.PARALLEL, pltpu.ARBITRARY),
        )(cidx_hbm, cidx_hbm, mask_hbm, ctx_hbm)

    return k(ans_idx, ctx_idx, mask_pad, table)


def kernel(in_context_fc7, in_context_bb, in_bb_mask, in_context, in_c_mask,
           in_answer_fc7, in_answer_bb, in_answers, in_a_mask, emb_table):
    B, A, W = in_answers.shape
    _, C, NB, _ = in_context.shape
    n_ans = B * A * W
    n_seg = B * C * NB

    ans_idx = in_answers.reshape(n_ans // GCHUNK, GCHUNK).astype(jnp.int32)
    ctx_idx = in_context.reshape(n_seg * W // GCHUNK, GCHUNK).astype(jnp.int32)
    ctx_mask = in_c_mask.reshape(n_seg, W)
    mask_pad = jnp.pad(ctx_mask, ((0, 0), (0, 2 * LANES - W)))

    answers_emb, context_box_rep = _emb_kernel(emb_table, ans_idx, ctx_idx, mask_pad)
    return (answers_emb.reshape(B, A, W, D_WORD),
            context_box_rep.reshape(B, C, NB, D_WORD))

# --- scband reference (transcript-rebuilt; emitter-appended) ---
"""Pipeline reference for scband-image-text-network-66486093742223 (READ-ONLY COPY).

The authoritative reference and input builder live on the scoring server;
editing this copy changes nothing except your own understanding.
"""

import jax, jax.numpy as jnp
import numpy as np

VOCAB_LEN = 1000000
D_WORD = 64


def setup_inputs(seed: int = 0) -> dict:
    key = jax.random.key(seed)
    ks = jax.random.split(key, 10)
    B, C, NB, W, A = 1024, 10, 5, 20, 4
    inp = {}
    inp["in_context_fc7"] = jax.random.normal(ks[0], (B, C, NB, 128), dtype=jnp.float32)
    inp["in_context_bb"] = jax.random.normal(ks[1], (B, C, NB, 4), dtype=jnp.float32)
    inp["in_bb_mask"] = jax.random.uniform(ks[2], (B, C, NB), dtype=jnp.float32)
    inp["in_context"] = jax.random.randint(ks[3], (B, C, NB, W), 0, VOCAB_LEN, dtype=jnp.int32)
    inp["in_c_mask"] = jax.random.uniform(ks[4], (B, C, NB, W), dtype=jnp.float32)
    inp["in_answer_fc7"] = jax.random.normal(ks[5], (B, A, NB, 128), dtype=jnp.float32)
    inp["in_answer_bb"] = jax.random.normal(ks[6], (B, A, NB, 4), dtype=jnp.float32)
    inp["in_answers"] = jax.random.randint(ks[7], (B, A, W), 0, VOCAB_LEN, dtype=jnp.int32)
    inp["in_a_mask"] = jax.random.uniform(ks[8], (B, A, W), dtype=jnp.float32)
    # learned parameter: nn.Embedding(vocab_len, d_word)
    inp["emb_table"] = jax.random.normal(ks[9], (VOCAB_LEN, D_WORD), dtype=jnp.float32) * 0.02
    return inp


def reference(in_context_fc7, in_context_bb, in_bb_mask, in_context, in_c_mask,
              in_answer_fc7, in_answer_bb, in_answers, in_a_mask, emb_table):
    # in_context = in_context.long()
    in_context = in_context.astype(jnp.int32)
    assert in_context_fc7.ndim == 4
    # answers_emb = self.l_context_answers_emb(in_answers)
    answers_emb = jnp.take(emb_table, in_answers, axis=0)
    # context_emb = self.l_context_answers_emb(in_context)
    context_emb = jnp.take(emb_table, in_context, axis=0)
    # c_mask = in_c_mask[:, :, :, :, None]
    c_mask = in_c_mask[:, :, :, :, None]
    # context_box_rep = torch.sum(context_emb * c_mask, dim=3)
    context_box_rep = jnp.sum(context_emb * c_mask, axis=3)
    return (answers_emb, context_box_rep)

if __name__ == "__main__":
    import jax
    _d = setup_inputs()
    print(jax.jit(kernel)(*tuple(_d.values())))

</pallas_src>

<mosaic_0001>
#map = affine_map<(d0, d1) -> (0, 0)>
module attributes {stable_mosaic.version = 14 : i64} {
  func.func @k(%arg0: i32, %arg1: i32, %arg2: memref<640x128xi32, #tpu.memory_space<hbm>>, %arg3: memref<8000x128xi32, #tpu.memory_space<hbm>>, %arg4: memref<51200x32xf32, #tpu.memory_space<hbm>>, %arg5: memref<1000000x64xf32, #tpu.memory_space<hbm>>, %arg6: memref<81920x64xf32, #tpu.memory_space<hbm>>, %arg7: memref<25600x128xf32, #tpu.memory_space<hbm>>, %arg8: memref<2x640x64xf32, #tpu.memory_space<vmem>>, %arg9: memref<2x640xi32, #tpu.memory_space<vmem>>, %arg10: memref<1xi32, #tpu.memory_space<smem>>, %arg11: memref<!tpu.dma_semaphore, #tpu.memory_space<semaphore_mem>>) attributes {dimension_semantics = [#tpu.dimension_semantics<core_parallel>, #tpu.dimension_semantics<subcore_parallel>], iteration_bounds = array<i64: 2, 16>, scalar_prefetch = 0 : i64, scratch_operands = 4 : i64, tpu.core_type = #tpu.core_type<sc_vector_subcore>, window_params = [{transform_indices = #map}, {transform_indices = #map}, {transform_indices = #map}, {transform_indices = #map}, {transform_indices = #map}, {transform_indices = #map}]} {
    %mul3A = arith.constant 1 : i32
    %mul3A_0 = arith.muli %arg1, %mul3A : i32
    %add3A = arith.constant 0 : i32
    %add3A_1 = arith.addi %add3A, %mul3A_0 : i32
    %mul3A_2 = arith.constant 16 : i32
    %mul3A_3 = arith.muli %arg0, %mul3A_2 : i32
    %add3A_4 = arith.addi %add3A_1, %mul3A_3 : i32
    %mul3A_5 = arith.constant 10 : i32
    %mul3A_6 = arith.muli %add3A_4, %mul3A_5 : i32
    "tpu.region"() ({
      %run_scoped3A = memref.alloca() : memref<2x2x128xi32, #tpu.memory_space<vmem>>
      %run_scoped3A_19 = tpu.sem_alloc : memref<2x!tpu.dma_semaphore, #tpu.memory_space<semaphore_mem>>
      %run_scoped3A_20 = memref.alloca() : memref<2x256x64xf32, #tpu.memory_space<vmem>>
      %run_scoped3A_21 = tpu.sem_alloc : memref<2x!tpu.dma_semaphore, #tpu.memory_space<semaphore_mem>>
      %add3A_22 = arith.constant 0 : i32
      %add3A_23 = arith.addi %add3A_22, %mul3A_6 : i32
      %select_n3A = arith.constant true
      %select_n3A_24 = arith.constant 0 : i32
      %select_n3A_25 = arith.constant -1 : i32
      %select_n3A_26 = arith.select %select_n3A, %select_n3A_25, %select_n3A_24 : i32
      %eq3A = arith.constant -1 : i32
      %eq3A_27 = arith.cmpi eq, %select_n3A_26, %eq3A : i32
      %select_n3A_28 = arith.constant 9 : i32
      %select_n3A_29 = arith.select %eq3A_27, %select_n3A_28, %select_n3A_26 : i32
      %add3A_30 = arith.addi %select_n3A_29, %mul3A_6 : i32
      %select_n3A_31 = arith.constant true
      %select_n3A_32 = arith.constant 0 : i32
      %select_n3A_33 = arith.constant 1 : i32
      %select_n3A_34 = arith.select %select_n3A_31, %select_n3A_33, %select_n3A_32 : i32
      %eq3A_35 = arith.constant 10 : i32
      %eq3A_36 = arith.cmpi eq, %select_n3A_34, %eq3A_35 : i32
      %select_n3A_37 = arith.constant 0 : i32
      %select_n3A_38 = arith.select %eq3A_36, %select_n3A_37, %select_n3A_34 : i32
      %add3A_39 = arith.addi %select_n3A_38, %mul3A_6 : i32
      %add3A_40 = arith.constant 1 : i32
      %add3A_41 = arith.addi %select_n3A_38, %add3A_40 : i32
      %select_n3A_42 = arith.constant true
      %select_n3A_43 = arith.select %select_n3A_42, %add3A_41, %select_n3A_38 : i32
      %eq3A_44 = arith.constant 10 : i32
      %eq3A_45 = arith.cmpi eq, %select_n3A_43, %eq3A_44 : i32
      %select_n3A_46 = arith.constant 0 : i32
      %select_n3A_47 = arith.select %eq3A_45, %select_n3A_46, %select_n3A_43 : i32
      %add3A_48 = arith.addi %select_n3A_47, %mul3A_6 : i32
      "tpu.trace_start"() <{level = 10 : i32, message = "ep_initialize_0"}> : () -> ()
      %rem3A = arith.constant 0 : i32
      %rem3A_49 = arith.constant 2 : i32
      %rem3A_50 = arith.remui %rem3A, %rem3A_49 : i32
      %mul3A_51 = arith.constant 2 : i32
      %mul3A_52 = arith.muli %mul3A_51, %add3A_23 : i32
      %dma_start3A = arith.constant 0 : i32
      %dma_start3A_53 = arith.constant 0 : i32
      %dma_start3A_54 = tpu.memref_slice %run_scoped3A[%rem3A_50, %dma_start3A, %dma_start3A_53] : memref<2x2x128xi32, #tpu.memory_space<vmem>> -> memref<1x2x128xi32, #tpu.memory_space<vmem>>
      %dma_start3A_55 = tpu.memref_squeeze %dma_start3A_54 : memref<1x2x128xi32, #tpu.memory_space<vmem>> -> memref<2x128xi32, #tpu.memory_space<vmem>>
      %dma_start3A_56 = arith.constant 0 : i32
      %dma_start3A_57 = tpu.memref_slice %arg2[%mul3A_52, %dma_start3A_56] : memref<640x128xi32, #tpu.memory_space<hbm>> -> memref<2x128xi32, #tpu.memory_space<hbm>>
      %dma_start3A_58 = tpu.memref_slice %run_scoped3A_19[%rem3A_50] : memref<2x!tpu.dma_semaphore, #tpu.memory_space<semaphore_mem>> -> memref<1x!tpu.dma_semaphore, #tpu.memory_space<semaphore_mem>>
      %dma_start3A_59 = tpu.memref_squeeze %dma_start3A_58 : memref<1x!tpu.dma_semaphore, #tpu.memory_space<semaphore_mem>> -> memref<!tpu.dma_semaphore, #tpu.memory_space<semaphore_mem>>
      %dma_start3A_60 = arith.constant 0 : i32
      %dma_start3A_61 = arith.constant 0 : i32
      %dma_start3A_62 = tpu.memref_slice %run_scoped3A[%rem3A_50, %dma_start3A_60, %dma_start3A_61] : memref<2x2x128xi32, #tpu.memory_space<vmem>> -> memref<1x2x128xi32, #tpu.memory_space<vmem>>
      %dma_start3A_63 = tpu.memref_squeeze %dma_start3A_62 : memref<1x2x128xi32, #tpu.memory_space<vmem>> -> memref<2x128xi32, #tpu.memory_space<vmem>>
      %dma_start3A_64 = arith.constant 0 : i32
      %dma_start3A_65 = tpu.memref_slice %arg2[%mul3A_52, %dma_start3A_64] : memref<640x128xi32, #tpu.memory_space<hbm>> -> memref<2x128xi32, #tpu.memory_space<hbm>>
      tpu.enqueue_dma source(%dma_start3A_65 : memref<2x128xi32, #tpu.memory_space<hbm>>) target(%dma_start3A_63 : memref<2x128xi32, #tpu.memory_space<vmem>>) target_semaphore(%dma_start3A_59 : memref<!tpu.dma_semaphore, #tpu.memory_space<semaphore_mem>>)
      %add3A_66 = arith.constant 0 : i32
      %add3A_67 = arith.constant 1 : i32
      %add3A_68 = arith.addi %add3A_66, %add3A_67 : i32
      %select_n3A_69 = arith.constant true
      %select_n3A_70 = arith.constant 0 : i32
      %select_n3A_71 = arith.select %select_n3A_69, %add3A_68, %select_n3A_70 : i32
      "tpu.trace_stop"() : () -> ()
      %scan3A = arith.constant 0 : i32
      %scan3A_72 = arith.constant 0 : i32
      %scan3A_73 = arith.constant 0 : i32
      %scan3A_74 = arith.constant 0 : i32
      %scan3A_75 = arith.constant 0 : i32
      %scan3A_76 = arith.constant 10 : i32
      %scan3A_77 = arith.addi %scan3A_75, %scan3A_76 : i32
      %scan3A_78 = arith.constant 1 : i32
      %scan3A_79:5 = scf.for %scan3A_133 = %scan3A_75 to %scan3A_77 step %scan3A_78 iter_args(%scan3A_134 = %select_n3A_71, %scan3A_135 = %scan3A, %scan3A_136 = %scan3A_72, %scan3A_137 = %scan3A_73, %scan3A_138 = %scan3A_74) -> (i32, i32, i32, i32, i32)  : i32 {
        %eq3A_139 = arith.constant 0 : i32
        %eq3A_140 = arith.cmpi eq, %scan3A_133, %eq3A_139 : i32
        %eq3A_141 = arith.constant 9 : i32
        %eq3A_142 = arith.cmpi eq, %scan3A_133, %eq3A_141 : i32
        %add3A_143 = arith.addi %scan3A_138, %mul3A_6 : i32
        %sub3A_144 = arith.constant 1 : i32
        %sub3A_145 = arith.subi %scan3A_138, %sub3A_144 : i32
        %select_n3A_146 = arith.constant true
        %select_n3A_147 = arith.select %select_n3A_146, %sub3A_145, %scan3A_138 : i32
        %eq3A_148 = arith.constant -1 : i32
        %eq3A_149 = arith.cmpi eq, %select_n3A_147, %eq3A_148 : i32
        %select_n3A_150 = arith.constant 9 : i32
        %select_n3A_151 = arith.select %eq3A_149, %select_n3A_150, %select_n3A_147 : i32
        %add3A_152 = arith.addi %select_n3A_151, %mul3A_6 : i32
        %add3A_153 = arith.constant 1 : i32
        %add3A_154 = arith.addi %scan3A_138, %add3A_153 : i32
        %select_n3A_155 = arith.constant true
        %select_n3A_156 = arith.select %select_n3A_155, %add3A_154, %scan3A_138 : i32
        %eq3A_157 = arith.constant 10 : i32
        %eq3A_158 = arith.cmpi eq, %select_n3A_156, %eq3A_157 : i32
        %select_n3A_159 = arith.constant 0 : i32
        %select_n3A_160 = arith.select %eq3A_158, %select_n3A_159, %select_n3A_156 : i32
        %add3A_161 = arith.addi %select_n3A_160, %mul3A_6 : i32
        %add3A_162 = arith.constant 1 : i32
        %add3A_163 = arith.addi %select_n3A_160, %add3A_162 : i32
        %select_n3A_164 = arith.constant true
        %select_n3A_165 = arith.select %select_n3A_164, %add3A_163, %select_n3A_160 : i32
        %eq3A_166 = arith.constant 10 : i32
        %eq3A_167 = arith.cmpi eq, %select_n3A_165, %eq3A_166 : i32
        %select_n3A_168 = arith.constant 0 : i32
        %select_n3A_169 = arith.select %eq3A_167, %select_n3A_168, %select_n3A_165 : i32
        %add3A_170 = arith.addi %select_n3A_169, %mul3A_6 : i32
        %ne3A = arith.cmpi ne, %add3A_143, %add3A_161 : i32
        %or3A = arith.constant false
        %or3A_171 = arith.ori %or3A, %ne3A : i1
        %or3A_172 = arith.constant false
        %or3A_173 = arith.ori %or3A_171, %or3A_172 : i1
        %ge3A = arith.constant 9 : i32
        %ge3A_174 = arith.cmpi sge, %scan3A_133, %ge3A : i32
        %not3A = arith.constant true
        %not3A_175 = arith.xori %ge3A_174, %not3A : i1
        %and3A = arith.andi %or3A_173, %not3A_175 : i1
        %convert_element_type3A = arith.extui %and3A : i1 to i32
        %cond3A = arith.constant 0 : i32
        %cond3A_176 = arith.cmpi ne, %convert_element_type3A, %cond3A : i32
        scf.if %cond3A_176 {
          "tpu.trace_start"() <{level = 10 : i32, message = "ep_copy_in"}> : () -> ()
          %rem3A_287 = arith.constant 2 : i32
          %rem3A_288 = arith.remui %scan3A_134, %rem3A_287 : i32
          %mul3A_289 = arith.constant 2 : i32
          %mul3A_290 = arith.muli %mul3A_289, %add3A_161 : i32
          %dma_start3A_291 = arith.constant 0 : i32
          %dma_start3A_292 = arith.constant 0 : i32
          %dma_start3A_293 = tpu.memref_slice %run_scoped3A[%rem3A_288, %dma_start3A_291, %dma_start3A_292] : memref<2x2x128xi32, #tpu.memory_space<vmem>> -> memref<1x2x128xi32, #tpu.memory_space<vmem>>
          %dma_start3A_294 = tpu.memref_squeeze %dma_start3A_293 : memref<1x2x128xi32, #tpu.memory_space<vmem>> -> memref<2x128xi32, #tpu.memory_space<vmem>>
          %dma_start3A_295 = arith.constant 0 : i32
          %dma_start3A_296 = tpu.memref_slice %arg2[%mul3A_290, %dma_start3A_295] : memref<640x128xi32, #tpu.memory_space<hbm>> -> memref<2x128xi32, #tpu.memory_space<hbm>>
          %dma_start3A_297 = tpu.memref_slice %run_scoped3A_19[%rem3A_288] : memref<2x!tpu.dma_semaphore, #tpu.memory_space<semaphore_mem>> -> memref<1x!tpu.dma_semaphore, #tpu.memory_space<semaphore_mem>>
          %dma_start3A_298 = tpu.memref_squeeze %dma_start3A_297 : memref<1x!tpu.dma_semaphore, #tpu.memory_space<semaphore_mem>> -> memref<!tpu.dma_semaphore, #tpu.memory_space<semaphore_mem>>
          %dma_start3A_299 = arith.constant 0 : i32
          %dma_start3A_300 = arith.constant 0 : i32
          %dma_start3A_301 = tpu.memref_slice %run_scoped3A[%rem3A_288, %dma_start3A_299, %dma_start3A_300] : memref<2x2x128xi32, #tpu.memory_space<vmem>> -> memref<1x2x128xi32, #tpu.memory_space<vmem>>
          %dma_start3A_302 = tpu.memref_squeeze %dma_start3A_301 : memref<1x2x128xi32, #tpu.memory_space<vmem>> -> memref<2x128xi32, #tpu.memory_space<vmem>>
          %dma_start3A_303 = arith.constant 0 : i32
          %dma_start3A_304 = tpu.memref_slice %arg2[%mul3A_290, %dma_start3A_303] : memref<640x128xi32, #tpu.memory_space<hbm>> -> memref<2x128xi32, #tpu.memory_space<hbm>>
          tpu.enqueue_dma source(%dma_start3A_304 : memref<2x128xi32, #tpu.memory_space<hbm>>) target(%dma_start3A_302 : memref<2x128xi32, #tpu.memory_space<vmem>>) target_semaphore(%dma_start3A_298 : memref<!tpu.dma_semaphore, #tpu.memory_space<semaphore_mem>>)
          "tpu.trace_stop"() : () -> ()
        } else {
        }
        %and3A_177 = arith.constant true
        %and3A_178 = arith.andi %and3A, %and3A_177 : i1
        %add3A_179 = arith.constant 1 : i32
        %add3A_180 = arith.addi %scan3A_134, %add3A_179 : i32
        %select_n3A_181 = arith.select %and3A_178, %add3A_180, %scan3A_134 : i32
        %ne3A_182 = arith.cmpi ne, %add3A_143, %add3A_161 : i32
        %or3A_183 = arith.constant false
        %or3A_184 = arith.ori %or3A_183, %ne3A_182 : i1
        %or3A_185 = arith.constant false
        %or3A_186 = arith.ori %or3A_184, %or3A_185 : i1
        %ge3A_187 = arith.constant 9 : i32
        %ge3A_188 = arith.cmpi sge, %scan3A_133, %ge3A_187 : i32
        %not3A_189 = arith.constant true
        %not3A_190 = arith.xori %ge3A_188, %not3A_189 : i1
        %and3A_191 = arith.andi %or3A_186, %not3A_190 : i1
        %ne3A_192 = arith.cmpi ne, %add3A_143, %add3A_152 : i32
        %or3A_193 = arith.constant false
        %or3A_194 = arith.ori %or3A_193, %ne3A_192 : i1
        %or3A_195 = arith.constant false
        %or3A_196 = arith.ori %or3A_194, %or3A_195 : i1
        %or3A_197 = arith.ori %or3A_196, %eq3A_140 : i1
        %convert_element_type3A_198 = arith.extui %or3A_197 : i1 to i32
        %cond3A_199 = arith.constant 0 : i32
        %cond3A_200 = arith.cmpi ne, %convert_element_type3A_198, %cond3A_199 : i32
        scf.if %cond3A_200 {
          "tpu.trace_start"() <{level = 10 : i32, message = "ep_wait_in"}> : () -> ()
          %mul3A_287 = arith.constant 2 : i32
          %mul3A_288 = arith.muli %mul3A_287, %add3A_143 : i32
          %rem3A_289 = arith.constant 2 : i32
          %rem3A_290 = arith.remui %scan3A_135, %rem3A_289 : i32
          %dma_wait3A_291 = arith.constant 0 : i32
          %dma_wait3A_292 = arith.constant 0 : i32
          %dma_wait3A_293 = tpu.memref_slice %run_scoped3A[%rem3A_290, %dma_wait3A_291, %dma_wait3A_292] : memref<2x2x128xi32, #tpu.memory_space<vmem>> -> memref<1x2x128xi32, #tpu.memory_space<vmem>>
          %dma_wait3A_294 = tpu.memref_squeeze %dma_wait3A_293 : memref<1x2x128xi32, #tpu.memory_space<vmem>> -> memref<2x128xi32, #tpu.memory_space<vmem>>
          %dma_wait3A_295 = arith.constant 0 : i32
          %dma_wait3A_296 = tpu.memref_slice %arg2[%mul3A_288, %dma_wait3A_295] : memref<640x128xi32, #tpu.memory_space<hbm>> -> memref<2x128xi32, #tpu.memory_space<hbm>>
          %dma_wait3A_297 = tpu.memref_slice %run_scoped3A_19[%rem3A_290] : memref<2x!tpu.dma_semaphore, #tpu.memory_space<semaphore_mem>> -> memref<1x!tpu.dma_semaphore, #tpu.memory_space<semaphore_mem>>
          %dma_wait3A_298 = tpu.memref_squeeze %dma_wait3A_297 : memref<1x!tpu.dma_semaphore, #tpu.memory_space<semaphore_mem>> -> memref<!tpu.dma_semaphore, #tpu.memory_space<semaphore_mem>>
          %dma_wait3A_299 = arith.constant 0 : i32
          %dma_wait3A_300 = arith.constant 0 : i32
          %dma_wait3A_301 = tpu.memref_slice %run_scoped3A[%rem3A_290, %dma_wait3A_299, %dma_wait3A_300] : memref<2x2x128xi32, #tpu.memory_space<vmem>> -> memref<1x2x128xi32, #tpu.memory_space<vmem>>
          %dma_wait3A_302 = tpu.memref_squeeze %dma_wait3A_301 : memref<1x2x128xi32, #tpu.memory_space<vmem>> -> memref<2x128xi32, #tpu.memory_space<vmem>>
          %dma_wait3A_303 = arith.constant 0 : i32
          %dma_wait3A_304 = tpu.memref_slice %arg2[%mul3A_288, %dma_wait3A_303] : memref<640x128xi32, #tpu.memory_space<hbm>> -> memref<2x128xi32, #tpu.memory_space<hbm>>
          tpu.wait_dma2 semaphore(%dma_wait3A_298 : memref<!tpu.dma_semaphore, #tpu.memory_space<semaphore_mem>>) src(%dma_wait3A_304 : memref<2x128xi32, #tpu.memory_space<hbm>>) dst(%dma_wait3A_302 : memref<2x128xi32, #tpu.memory_space<vmem>>)
          "tpu.trace_stop"() : () -> ()
        } else {
        }
        %ne3A_201 = arith.cmpi ne, %add3A_143, %add3A_152 : i32
        %or3A_202 = arith.constant false
        %or3A_203 = arith.ori %or3A_202, %ne3A_201 : i1
        %or3A_204 = arith.constant false
        %or3A_205 = arith.ori %or3A_203, %or3A_204 : i1
        %or3A_206 = arith.ori %or3A_205, %eq3A_140 : i1
        %convert_element_type3A_207 = arith.extui %or3A_206 : i1 to i32
        %cond3A_208 = arith.constant 0 : i32
        %cond3A_209 = arith.cmpi ne, %convert_element_type3A_207, %cond3A_208 : i32
        scf.if %cond3A_209 {
        } else {
        }
        %rem3A_210 = arith.constant 2 : i32
        %rem3A_211 = arith.remui %scan3A_135, %rem3A_210 : i32
        %rem3A_212 = arith.constant 2 : i32
        %rem3A_213 = arith.remui %scan3A_136, %rem3A_212 : i32
        %run_scoped3A_214 = arith.constant 0 : i32
        "tpu.trace_start"() <{level = 10 : i32, message = "ep_run_kernel"}> : () -> ()
        "tpu.region"() ({
          %run_scoped3A_287 = tpu.sem_alloc : memref<!tpu.dma_semaphore, #tpu.memory_space<semaphore_mem>>
          %dma_start3A_288 = arith.constant 0 : i32
          %dma_start3A_289 = arith.constant 0 : i32
          %dma_start3A_290 = tpu.memref_slice %run_scoped3A_20[%rem3A_213, %dma_start3A_288, %dma_start3A_289] : memref<2x256x64xf32, #tpu.memory_space<vmem>> -> memref<1x256x64xf32, #tpu.memory_space<vmem>>
          %dma_start3A_291 = tpu.memref_squeeze %dma_start3A_290 : memref<1x256x64xf32, #tpu.memory_space<vmem>> -> memref<256x64xf32, #tpu.memory_space<vmem>>
          %dma_start3A_292 = arith.constant 0 : i32
          %dma_start3A_293 = arith.constant 0 : i32
          %dma_start3A_294 = tpu.memref_slice %dma_start3A_291[%dma_start3A_292, %dma_start3A_293] : memref<256x64xf32, #tpu.memory_space<vmem>> -> memref<128x64xf32, #tpu.memory_space<vmem>>
          %dma_start3A_295 = arith.constant 0 : i32
          %dma_start3A_296 = arith.constant 0 : i32
          %dma_start3A_297 = tpu.memref_slice %run_scoped3A[%rem3A_211, %dma_start3A_295, %dma_start3A_296] : memref<2x2x128xi32, #tpu.memory_space<vmem>> -> memref<1x2x128xi32, #tpu.memory_space<vmem>>
          %dma_start3A_298 = tpu.memref_squeeze %dma_start3A_297 : memref<1x2x128xi32, #tpu.memory_space<vmem>> -> memref<2x128xi32, #tpu.memory_space<vmem>>
          %dma_start3A_299 = arith.constant 0 : i32
          %dma_start3A_300 = tpu.memref_slice %dma_start3A_298[%run_scoped3A_214, %dma_start3A_299] : memref<2x128xi32, #tpu.memory_space<vmem>> -> memref<1x128xi32, #tpu.memory_space<vmem>>
          %dma_start3A_301 = tpu.memref_squeeze %dma_start3A_300 : memref<1x128xi32, #tpu.memory_space<vmem>> -> memref<128xi32, #tpu.memory_space<vmem>>
          %dma_start3A_302 = arith.constant 0 : i32
          %dma_start3A_303 = arith.constant 0 : i32
          %dma_start3A_304 = tpu.memref_slice %arg5[%dma_start3A_302, %dma_start3A_303] : memref<1000000x64xf32, #tpu.memory_space<hbm>> -> memref<1000000x64xf32, #tpu.memory_space<hbm>>
          tpu.enqueue_indirect_dma source(%dma_start3A_304 : memref<1000000x64xf32, #tpu.memory_space<hbm>>) target(%dma_start3A_294 : memref<128x64xf32, #tpu.memory_space<vmem>>) offsets(%dma_start3A_301 : memref<128xi32, #tpu.memory_space<vmem>>) semaphore(%run_scoped3A_287 : memref<!tpu.dma_semaphore, #tpu.memory_space<semaphore_mem>>)
          %dma_wait3A_305 = arith.constant 0 : i32
          %dma_wait3A_306 = arith.constant 0 : i32
          %dma_wait3A_307 = tpu.memref_slice %run_scoped3A_20[%rem3A_213, %dma_wait3A_305, %dma_wait3A_306] : memref<2x256x64xf32, #tpu.memory_space<vmem>> -> memref<1x256x64xf32, #tpu.memory_space<vmem>>
          %dma_wait3A_308 = tpu.memref_squeeze %dma_wait3A_307 : memref<1x256x64xf32, #tpu.memory_space<vmem>> -> memref<256x64xf32, #tpu.memory_space<vmem>>
          %dma_wait3A_309 = arith.constant 0 : i32
          %dma_wait3A_310 = arith.constant 0 : i32
          %dma_wait3A_311 = tpu.memref_slice %dma_wait3A_308[%dma_wait3A_309, %dma_wait3A_310] : memref<256x64xf32, #tpu.memory_space<vmem>> -> memref<128x64xf32, #tpu.memory_space<vmem>>
          %dma_wait3A_312 = arith.constant 0 : i32
          %dma_wait3A_313 = arith.constant 0 : i32
          %dma_wait3A_314 = tpu.memref_slice %run_scoped3A[%rem3A_211, %dma_wait3A_312, %dma_wait3A_313] : memref<2x2x128xi32, #tpu.memory_space<vmem>> -> memref<1x2x128xi32, #tpu.memory_space<vmem>>
          %dma_wait3A_315 = tpu.memref_squeeze %dma_wait3A_314 : memref<1x2x128xi32, #tpu.memory_space<vmem>> -> memref<2x128xi32, #tpu.memory_space<vmem>>
          %dma_wait3A_316 = arith.constant 0 : i32
          %dma_wait3A_317 = tpu.memref_slice %dma_wait3A_315[%run_scoped3A_214, %dma_wait3A_316] : memref<2x128xi32, #tpu.memory_space<vmem>> -> memref<1x128xi32, #tpu.memory_space<vmem>>
          %dma_wait3A_318 = tpu.memref_squeeze %dma_wait3A_317 : memref<1x128xi32, #tpu.memory_space<vmem>> -> memref<128xi32, #tpu.memory_space<vmem>>
          %dma_wait3A_319 = arith.constant 0 : i32
          %dma_wait3A_320 = arith.constant 0 : i32
          %dma_wait3A_321 = tpu.memref_slice %arg5[%dma_wait3A_319, %dma_wait3A_320] : memref<1000000x64xf32, #tpu.memory_space<hbm>> -> memref<1000000x64xf32, #tpu.memory_space<hbm>>
          tpu.wait_indirect_dma semaphore(%run_scoped3A_287 : memref<!tpu.dma_semaphore, #tpu.memory_space<semaphore_mem>>) src(%dma_wait3A_321 : memref<1000000x64xf32, #tpu.memory_space<hbm>>) dst(%dma_wait3A_311 : memref<128x64xf32, #tpu.memory_space<vmem>>)
          tpu.yield
        }) : () -> ()
        %run_scoped3A_215 = arith.constant 1 : i32
        "tpu.region"() ({
          %run_scoped3A_287 = tpu.sem_alloc : memref<!tpu.dma_semaphore, #tpu.memory_space<semaphore_mem>>
          %dma_start3A_288 = arith.constant 0 : i32
          %dma_start3A_289 = arith.constant 0 : i32
          %dma_start3A_290 = tpu.memref_slice %run_scoped3A_20[%rem3A_213, %dma_start3A_288, %dma_start3A_289] : memref<2x256x64xf32, #tpu.memory_space<vmem>> -> memref<1x256x64xf32, #tpu.memory_space<vmem>>
          %dma_start3A_291 = tpu.memref_squeeze %dma_start3A_290 : memref<1x256x64xf32, #tpu.memory_space<vmem>> -> memref<256x64xf32, #tpu.memory_space<vmem>>
          %dma_start3A_292 = arith.constant 128 : i32
          %dma_start3A_293 = arith.constant 0 : i32
          %dma_start3A_294 = tpu.memref_slice %dma_start3A_291[%dma_start3A_292, %dma_start3A_293] : memref<256x64xf32, #tpu.memory_space<vmem>> -> memref<128x64xf32, #tpu.memory_space<vmem>>
          %dma_start3A_295 = arith.constant 0 : i32
          %dma_start3A_296 = arith.constant 0 : i32
          %dma_start3A_297 = tpu.memref_slice %run_scoped3A[%rem3A_211, %dma_start3A_295, %dma_start3A_296] : memref<2x2x128xi32, #tpu.memory_space<vmem>> -> memref<1x2x128xi32, #tpu.memory_space<vmem>>
          %dma_start3A_298 = tpu.memref_squeeze %dma_start3A_297 : memref<1x2x128xi32, #tpu.memory_space<vmem>> -> memref<2x128xi32, #tpu.memory_space<vmem>>
          %dma_start3A_299 = arith.constant 0 : i32
          %dma_start3A_300 = tpu.memref_slice %dma_start3A_298[%run_scoped3A_215, %dma_start3A_299] : memref<2x128xi32, #tpu.memory_space<vmem>> -> memref<1x128xi32, #tpu.memory_space<vmem>>
          %dma_start3A_301 = tpu.memref_squeeze %dma_start3A_300 : memref<1x128xi32, #tpu.memory_space<vmem>> -> memref<128xi32, #tpu.memory_space<vmem>>
          %dma_start3A_302 = arith.constant 0 : i32
          %dma_start3A_303 = arith.constant 0 : i32
          %dma_start3A_304 = tpu.memref_slice %arg5[%dma_start3A_302, %dma_start3A_303] : memref<1000000x64xf32, #tpu.memory_space<hbm>> -> memref<1000000x64xf32, #tpu.memory_space<hbm>>
          tpu.enqueue_indirect_dma source(%dma_start3A_304 : memref<1000000x64xf32, #tpu.memory_space<hbm>>) target(%dma_start3A_294 : memref<128x64xf32, #tpu.memory_space<vmem>>) offsets(%dma_start3A_301 : memref<128xi32, #tpu.memory_space<vmem>>) semaphore(%run_scoped3A_287 : memref<!tpu.dma_semaphore, #tpu.memory_space<semaphore_mem>>)
          %dma_wait3A_305 = arith.constant 0 : i32
          %dma_wait3A_306 = arith.constant 0 : i32
          %dma_wait3A_307 = tpu.memref_slice %run_scoped3A_20[%rem3A_213, %dma_wait3A_305, %dma_wait3A_306] : memref<2x256x64xf32, #tpu.memory_space<vmem>> -> memref<1x256x64xf32, #tpu.memory_space<vmem>>
          %dma_wait3A_308 = tpu.memref_squeeze %dma_wait3A_307 : memref<1x256x64xf32, #tpu.memory_space<vmem>> -> memref<256x64xf32, #tpu.memory_space<vmem>>
          %dma_wait3A_309 = arith.constant 128 : i32
          %dma_wait3A_310 = arith.constant 0 : i32
          %dma_wait3A_311 = tpu.memref_slice %dma_wait3A_308[%dma_wait3A_309, %dma_wait3A_310] : memref<256x64xf32, #tpu.memory_space<vmem>> -> memref<128x64xf32, #tpu.memory_space<vmem>>
          %dma_wait3A_312 = arith.constant 0 : i32
          %dma_wait3A_313 = arith.constant 0 : i32
          %dma_wait3A_314 = tpu.memref_slice %run_scoped3A[%rem3A_211, %dma_wait3A_312, %dma_wait3A_313] : memref<2x2x128xi32, #tpu.memory_space<vmem>> -> memref<1x2x128xi32, #tpu.memory_space<vmem>>
          %dma_wait3A_315 = tpu.memref_squeeze %dma_wait3A_314 : memref<1x2x128xi32, #tpu.memory_space<vmem>> -> memref<2x128xi32, #tpu.memory_space<vmem>>
          %dma_wait3A_316 = arith.constant 0 : i32
          %dma_wait3A_317 = tpu.memref_slice %dma_wait3A_315[%run_scoped3A_215, %dma_wait3A_316] : memref<2x128xi32, #tpu.memory_space<vmem>> -> memref<1x128xi32, #tpu.memory_space<vmem>>
          %dma_wait3A_318 = tpu.memref_squeeze %dma_wait3A_317 : memref<1x128xi32, #tpu.memory_space<vmem>> -> memref<128xi32, #tpu.memory_space<vmem>>
          %dma_wait3A_319 = arith.constant 0 : i32
          %dma_wait3A_320 = arith.constant 0 : i32
          %dma_wait3A_321 = tpu.memref_slice %arg5[%dma_wait3A_319, %dma_wait3A_320] : memref<1000000x64xf32, #tpu.memory_space<hbm>> -> memref<1000000x64xf32, #tpu.memory_space<hbm>>
          tpu.wait_indirect_dma semaphore(%run_scoped3A_287 : memref<!tpu.dma_semaphore, #tpu.memory_space<semaphore_mem>>) src(%dma_wait3A_321 : memref<1000000x64xf32, #tpu.memory_space<hbm>>) dst(%dma_wait3A_311 : memref<128x64xf32, #tpu.memory_space<vmem>>)
          tpu.yield
        }) : () -> ()
        "tpu.trace_stop"() : () -> ()
        %ne3A_216 = arith.cmpi ne, %add3A_143, %add3A_161 : i32
        %or3A_217 = arith.constant false
        %or3A_218 = arith.ori %or3A_217, %ne3A_216 : i1
        %or3A_219 = arith.constant false
        %or3A_220 = arith.ori %or3A_218, %or3A_219 : i1
        %or3A_221 = arith.ori %or3A_220, %eq3A_142 : i1
        %convert_element_type3A_222 = arith.extui %or3A_221 : i1 to i32
        %cond3A_223 = arith.constant 0 : i32
        %cond3A_224 = arith.cmpi ne, %convert_element_type3A_222, %cond3A_223 : i32
        scf.if %cond3A_224 {
        } else {
        }
        %and3A_225 = arith.constant false
        %and3A_226 = arith.andi %or3A_221, %and3A_225 : i1
        %ne3A_227 = arith.cmpi ne, %add3A_143, %add3A_161 : i32
        %or3A_228 = arith.constant false
        %or3A_229 = arith.ori %or3A_228, %ne3A_227 : i1
        %or3A_230 = arith.constant false
        %or3A_231 = arith.ori %or3A_229, %or3A_230 : i1
        %or3A_232 = arith.ori %or3A_231, %eq3A_142 : i1
        %convert_element_type3A_233 = arith.extui %or3A_232 : i1 to i32
        %cond3A_234 = arith.constant 0 : i32
        %cond3A_235 = arith.cmpi ne, %convert_element_type3A_233, %cond3A_234 : i32
        scf.if %cond3A_235 {
          "tpu.trace_start"() <{level = 10 : i32, message = "ep_copy_out"}> : () -> ()
          %rem3A_287 = arith.constant 2 : i32
          %rem3A_288 = arith.remui %scan3A_136, %rem3A_287 : i32
          %mul3A_289 = arith.constant 256 : i32
          %mul3A_290 = arith.muli %mul3A_289, %add3A_143 : i32
          %dma_start3A_291 = arith.constant 0 : i32
          %dma_start3A_292 = arith.constant 0 : i32
          %dma_start3A_293 = tpu.memref_slice %run_scoped3A_20[%rem3A_288, %dma_start3A_291, %dma_start3A_292] : memref<2x256x64xf32, #tpu.memory_space<vmem>> -> memref<1x256x64xf32, #tpu.memory_space<vmem>>
          %dma_start3A_294 = tpu.memref_squeeze %dma_start3A_293 : memref<1x256x64xf32, #tpu.memory_space<vmem>> -> memref<256x64xf32, #tpu.memory_space<vmem>>
          %dma_start3A_295 = arith.constant 0 : i32
          %dma_start3A_296 = tpu.memref_slice %arg6[%mul3A_290, %dma_start3A_295] : memref<81920x64xf32, #tpu.memory_space<hbm>> -> memref<256x64xf32, #tpu.memory_space<hbm>>
          %dma_start3A_297 = tpu.memref_slice %run_scoped3A_21[%rem3A_288] : memref<2x!tpu.dma_semaphore, #tpu.memory_space<semaphore_mem>> -> memref<1x!tpu.dma_semaphore, #tpu.memory_space<semaphore_mem>>
          %dma_start3A_298 = tpu.memref_squeeze %dma_start3A_297 : memref<1x!tpu.dma_semaphore, #tpu.memory_space<semaphore_mem>> -> memref<!tpu.dma_semaphore, #tpu.memory_space<semaphore_mem>>
          %dma_start3A_299 = arith.constant 0 : i32
          %dma_start3A_300 = tpu.memref_slice %arg6[%mul3A_290, %dma_start3A_299] : memref<81920x64xf32, #tpu.memory_space<hbm>> -> memref<256x64xf32, #tpu.memory_space<hbm>>
          %dma_start3A_301 = arith.constant 0 : i32
          %dma_start3A_302 = arith.constant 0 : i32
          %dma_start3A_303 = tpu.memref_slice %run_scoped3A_20[%rem3A_288, %dma_start3A_301, %dma_start3A_302] : memref<2x256x64xf32, #tpu.memory_space<vmem>> -> memref<1x256x64xf32, #tpu.memory_space<vmem>>
          %dma_start3A_304 = tpu.memref_squeeze %dma_start3A_303 : memref<1x256x64xf32, #tpu.memory_space<vmem>> -> memref<256x64xf32, #tpu.memory_space<vmem>>
          tpu.enqueue_dma source(%dma_start3A_304 : memref<256x64xf32, #tpu.memory_space<vmem>>) target(%dma_start3A_300 : memref<256x64xf32, #tpu.memory_space<hbm>>) target_semaphore(%dma_start3A_298 : memref<!tpu.dma_semaphore, #tpu.memory_space<semaphore_mem>>)
          "tpu.trace_stop"() : () -> ()
        } else {
        }
        %and3A_236 = arith.constant true
        %and3A_237 = arith.andi %or3A_232, %and3A_236 : i1
        %add3A_238 = arith.constant 1 : i32
        %add3A_239 = arith.addi %scan3A_136, %add3A_238 : i32
        %select_n3A_240 = arith.select %and3A_237, %add3A_239, %scan3A_136 : i32
        %ne3A_241 = arith.cmpi ne, %add3A_143, %add3A_152 : i32
        %or3A_242 = arith.constant false
        %or3A_243 = arith.ori %or3A_242, %ne3A_241 : i1
        %or3A_244 = arith.constant false
        %or3A_245 = arith.ori %or3A_243, %or3A_244 : i1
        %not3A_246 = arith.constant true
        %not3A_247 = arith.xori %eq3A_140, %not3A_246 : i1
        %and3A_248 = arith.andi %or3A_245, %not3A_247 : i1
        %convert_element_type3A_249 = arith.extui %and3A_248 : i1 to i32
        %cond3A_250 = arith.constant 0 : i32
        %cond3A_251 = arith.cmpi ne, %convert_element_type3A_249, %cond3A_250 : i32
        scf.if %cond3A_251 {
        } else {
        }
        %and3A_252 = arith.constant false
        %and3A_253 = arith.andi %and3A_248, %and3A_252 : i1
        %ne3A_254 = arith.cmpi ne, %add3A_143, %add3A_152 : i32
        %or3A_255 = arith.constant false
        %or3A_256 = arith.ori %or3A_255, %ne3A_254 : i1
        %or3A_257 = arith.constant false
        %or3A_258 = arith.ori %or3A_256, %or3A_257 : i1
        %not3A_259 = arith.constant true
        %not3A_260 = arith.xori %eq3A_140, %not3A_259 : i1
        %and3A_261 = arith.andi %or3A_258, %not3A_260 : i1
        %convert_element_type3A_262 = arith.extui %and3A_261 : i1 to i32
        %cond3A_263 = arith.constant 0 : i32
        %cond3A_264 = arith.cmpi ne, %convert_element_type3A_262, %cond3A_263 : i32
        scf.if %cond3A_264 {
          "tpu.trace_start"() <{level = 10 : i32, message = "ep_wait_out"}> : () -> ()
          %rem3A_287 = arith.constant 2 : i32
          %rem3A_288 = arith.remui %scan3A_137, %rem3A_287 : i32
          %mul3A_289 = arith.constant 256 : i32
          %mul3A_290 = arith.muli %mul3A_289, %add3A_152 : i32
          %dma_wait3A_291 = arith.constant 0 : i32
          %dma_wait3A_292 = arith.constant 0 : i32
          %dma_wait3A_293 = tpu.memref_slice %run_scoped3A_20[%rem3A_288, %dma_wait3A_291, %dma_wait3A_292] : memref<2x256x64xf32, #tpu.memory_space<vmem>> -> memref<1x256x64xf32, #tpu.memory_space<vmem>>
          %dma_wait3A_294 = tpu.memref_squeeze %dma_wait3A_293 : memref<1x256x64xf32, #tpu.memory_space<vmem>> -> memref<256x64xf32, #tpu.memory_space<vmem>>
          %dma_wait3A_295 = arith.constant 0 : i32
          %dma_wait3A_296 = tpu.memref_slice %arg6[%mul3A_290, %dma_wait3A_295] : memref<81920x64xf32, #tpu.memory_space<hbm>> -> memref<256x64xf32, #tpu.memory_space<hbm>>
          %dma_wait3A_297 = tpu.memref_slice %run_scoped3A_21[%rem3A_288] : memref<2x!tpu.dma_semaphore, #tpu.memory_space<semaphore_mem>> -> memref<1x!tpu.dma_semaphore, #tpu.memory_space<semaphore_mem>>
          %dma_wait3A_298 = tpu.memref_squeeze %dma_wait3A_297 : memref<1x!tpu.dma_semaphore, #tpu.memory_space<semaphore_mem>> -> memref<!tpu.dma_semaphore, #tpu.memory_space<semaphore_mem>>
          %dma_wait3A_299 = arith.constant 0 : i32
          %dma_wait3A_300 = tpu.memref_slice %arg6[%mul3A_290, %dma_wait3A_299] : memref<81920x64xf32, #tpu.memory_space<hbm>> -> memref<256x64xf32, #tpu.memory_space<hbm>>
          %dma_wait3A_301 = arith.constant 0 : i32
          %dma_wait3A_302 = arith.constant 0 : i32
          %dma_wait3A_303 = tpu.memref_slice %run_scoped3A_20[%rem3A_288, %dma_wait3A_301, %dma_wait3A_302] : memref<2x256x64xf32, #tpu.memory_space<vmem>> -> memref<1x256x64xf32, #tpu.memory_space<vmem>>
          %dma_wait3A_304 = tpu.memref_squeeze %dma_wait3A_303 : memref<1x256x64xf32, #tpu.memory_space<vmem>> -> memref<256x64xf32, #tpu.memory_space<vmem>>
          tpu.wait_dma2 semaphore(%dma_wait3A_298 : memref<!tpu.dma_semaphore, #tpu.memory_space<semaphore_mem>>) src(%dma_wait3A_304 : memref<256x64xf32, #tpu.memory_space<vmem>>) dst(%dma_wait3A_300 : memref<256x64xf32, #tpu.memory_space<hbm>>)
          "tpu.trace_stop"() : () -> ()
        } else {
        }
        %and3A_265 = arith.constant true
        %and3A_266 = arith.andi %and3A_261, %and3A_265 : i1
        %add3A_267 = arith.constant 1 : i32
        %add3A_268 = arith.addi %scan3A_137, %add3A_267 : i32
        %select_n3A_269 = arith.select %and3A_266, %add3A_268, %scan3A_137 : i32
        %ne3A_270 = arith.cmpi ne, %add3A_143, %add3A_161 : i32
        %or3A_271 = arith.constant false
        %or3A_272 = arith.ori %or3A_271, %ne3A_270 : i1
        %or3A_273 = arith.constant false
        %or3A_274 = arith.ori %or3A_272, %or3A_273 : i1
        %or3A_275 = arith.ori %or3A_274, %eq3A_142 : i1
        %add3A_276 = arith.constant 1 : i32
        %add3A_277 = arith.addi %scan3A_135, %add3A_276 : i32
        %select_n3A_278 = arith.select %or3A_275, %add3A_277, %scan3A_135 : i32
        %add3A_279 = arith.constant 1 : i32
        %add3A_280 = arith.addi %scan3A_138, %add3A_279 : i32
        %select_n3A_281 = arith.constant true
        %select_n3A_282 = arith.select %select_n3A_281, %add3A_280, %scan3A_138 : i32
        %eq3A_283 = arith.constant 10 : i32
        %eq3A_284 = arith.cmpi eq, %select_n3A_282, %eq3A_283 : i32
        %select_n3A_285 = arith.constant 0 : i32
        %select_n3A_286 = arith.select %eq3A_284, %select_n3A_285, %select_n3A_282 : i32
        scf.yield %select_n3A_181, %select_n3A_278, %select_n3A_240, %select_n3A_269, %select_n3A_286 : i32, i32, i32, i32, i32
      }
      %scan3A_80 = arith.constant 10 : i32
      %sub3A = arith.constant 1 : i32
      %sub3A_81 = arith.subi %scan3A_79#4, %sub3A : i32
      %select_n3A_82 = arith.constant true
      %select_n3A_83 = arith.select %select_n3A_82, %sub3A_81, %scan3A_79#4 : i32
      %eq3A_84 = arith.constant -1 : i32
      %eq3A_85 = arith.cmpi eq, %select_n3A_83, %eq3A_84 : i32
      %select_n3A_86 = arith.constant 9 : i32
      %select_n3A_87 = arith.select %eq3A_85, %select_n3A_86, %select_n3A_83 : i32
      %add3A_88 = arith.addi %select_n3A_87, %mul3A_6 : i32
      %sub3A_89 = arith.constant 1 : i32
      %sub3A_90 = arith.subi %select_n3A_87, %sub3A_89 : i32
      %select_n3A_91 = arith.constant true
      %select_n3A_92 = arith.select %select_n3A_91, %sub3A_90, %select_n3A_87 : i32
      %eq3A_93 = arith.constant -1 : i32
      %eq3A_94 = arith.cmpi eq, %select_n3A_92, %eq3A_93 : i32
      %select_n3A_95 = arith.constant 9 : i32
      %select_n3A_96 = arith.select %eq3A_94, %select_n3A_95, %select_n3A_92 : i32
      %add3A_97 = arith.addi %select_n3A_96, %mul3A_6 : i32
      %add3A_98 = arith.constant 1 : i32
      %add3A_99 = arith.addi %select_n3A_87, %add3A_98 : i32
      %select_n3A_100 = arith.constant true
      %select_n3A_101 = arith.select %select_n3A_100, %add3A_99, %select_n3A_87 : i32
      %eq3A_102 = arith.constant 10 : i32
      %eq3A_103 = arith.cmpi eq, %select_n3A_101, %eq3A_102 : i32
      %select_n3A_104 = arith.constant 0 : i32
      %select_n3A_105 = arith.select %eq3A_103, %select_n3A_104, %select_n3A_101 : i32
      %add3A_106 = arith.addi %select_n3A_105, %mul3A_6 : i32
      %add3A_107 = arith.constant 1 : i32
      %add3A_108 = arith.addi %select_n3A_105, %add3A_107 : i32
      %select_n3A_109 = arith.constant true
      %select_n3A_110 = arith.select %select_n3A_109, %add3A_108, %select_n3A_105 : i32
      %eq3A_111 = arith.constant 10 : i32
      %eq3A_112 = arith.cmpi eq, %select_n3A_110, %eq3A_111 : i32
      %select_n3A_113 = arith.constant 0 : i32
      %select_n3A_114 = arith.select %eq3A_112, %select_n3A_113, %select_n3A_110 : i32
      %add3A_115 = arith.addi %select_n3A_114, %mul3A_6 : i32
      "tpu.trace_start"() <{level = 10 : i32, message = "ep_finalize"}> : () -> ()
      %rem3A_116 = arith.constant 2 : i32
      %rem3A_117 = arith.remui %scan3A_79#3, %rem3A_116 : i32
      %mul3A_118 = arith.constant 256 : i32
      %mul3A_119 = arith.muli %mul3A_118, %add3A_88 : i32
      %dma_wait3A = arith.constant 0 : i32
      %dma_wait3A_120 = arith.constant 0 : i32
      %dma_wait3A_121 = tpu.memref_slice %run_scoped3A_20[%rem3A_117, %dma_wait3A, %dma_wait3A_120] : memref<2x256x64xf32, #tpu.memory_space<vmem>> -> memref<1x256x64xf32, #tpu.memory_space<vmem>>
      %dma_wait3A_122 = tpu.memref_squeeze %dma_wait3A_121 : memref<1x256x64xf32, #tpu.memory_space<vmem>> -> memref<256x64xf32, #tpu.memory_space<vmem>>
      %dma_wait3A_123 = arith.constant 0 : i32
      %dma_wait3A_124 = tpu.memref_slice %arg6[%mul3A_119, %dma_wait3A_123] : memref<81920x64xf32, #tpu.memory_space<hbm>> -> memref<256x64xf32, #tpu.memory_space<hbm>>
      %dma_wait3A_125 = tpu.memref_slice %run_scoped3A_21[%rem3A_117] : memref<2x!tpu.dma_semaphore, #tpu.memory_space<semaphore_mem>> -> memref<1x!tpu.dma_semaphore, #tpu.memory_space<semaphore_mem>>
      %dma_wait3A_126 = tpu.memref_squeeze %dma_wait3A_125 : memref<1x!tpu.dma_semaphore, #tpu.memory_space<semaphore_mem>> -> memref<!tpu.dma_semaphore, #tpu.memory_space<semaphore_mem>>
      %dma_wait3A_127 = arith.constant 0 : i32
      %dma_wait3A_128 = tpu.memref_slice %arg6[%mul3A_119, %dma_wait3A_127] : memref<81920x64xf32, #tpu.memory_space<hbm>> -> memref<256x64xf32, #tpu.memory_space<hbm>>
      %dma_wait3A_129 = arith.constant 0 : i32
      %dma_wait3A_130 = arith.constant 0 : i32
      %dma_wait3A_131 = tpu.memref_slice %run_scoped3A_20[%rem3A_117, %dma_wait3A_129, %dma_wait3A_130] : memref<2x256x64xf32, #tpu.memory_space<vmem>> -> memref<1x256x64xf32, #tpu.memory_space<vmem>>
      %dma_wait3A_132 = tpu.memref_squeeze %dma_wait3A_131 : memref<1x256x64xf32, #tpu.memory_space<vmem>> -> memref<256x64xf32, #tpu.memory_space<vmem>>
      tpu.wait_dma2 semaphore(%dma_wait3A_126 : memref<!tpu.dma_semaphore, #tpu.memory_space<semaphore_mem>>) src(%dma_wait3A_132 : memref<256x64xf32, #tpu.memory_space<vmem>>) dst(%dma_wait3A_128 : memref<256x64xf32, #tpu.memory_space<hbm>>)
      "tpu.trace_stop"() : () -> ()
      tpu.yield
    }) : () -> ()
    %swap3A = arith.constant 0 : i32
    %swap3A_7 = arith.constant 0 : i32
    %swap3A_8 = arith.index_cast %swap3A_7 : i32 to index
    %swap3A_9 = memref.load %arg10[%swap3A_8] : memref<1xi32, #tpu.memory_space<smem>>
    memref.store %swap3A, %arg10[%swap3A_8] : memref<1xi32, #tpu.memory_space<smem>>
    %mul3A_10 = arith.constant 1 : i32
    %mul3A_11 = arith.muli %arg1, %mul3A_10 : i32
    %add3A_12 = arith.constant 0 : i32
    %add3A_13 = arith.addi %add3A_12, %mul3A_11 : i32
    %mul3A_14 = arith.constant 16 : i32
    %mul3A_15 = arith.muli %arg0, %mul3A_14 : i32
    %add3A_16 = arith.addi %add3A_13, %mul3A_15 : i32
    %mul3A_17 = arith.constant 1 : i32
    %mul3A_18 = arith.muli %add3A_16, %mul3A_17 : i32
    "tpu.region"() ({
      %run_scoped3A = memref.alloca() : memref<2x5x128xi32, #tpu.memory_space<vmem>>
      %run_scoped3A_19 = tpu.sem_alloc : memref<2x!tpu.dma_semaphore, #tpu.memory_space<semaphore_mem>>
      %run_scoped3A_20 = memref.alloca() : memref<2x5x128xi32, #tpu.memory_space<vmem>>
      %run_scoped3A_21 = tpu.sem_alloc : memref<2x!tpu.dma_semaphore, #tpu.memory_space<semaphore_mem>>
      %run_scoped3A_22 = memref.alloca() : memref<2x32x32xf32, #tpu.memory_space<vmem>>
      %run_scoped3A_23 = tpu.sem_alloc : memref<2x!tpu.dma_semaphore, #tpu.memory_space<semaphore_mem>>
      %run_scoped3A_24 = memref.alloca() : memref<2x16x128xf32, #tpu.memory_space<vmem>>
      %run_scoped3A_25 = tpu.sem_alloc : memref<2x!tpu.dma_semaphore, #tpu.memory_space<semaphore_mem>>
      %add3A_26 = arith.constant 0 : i32
      %add3A_27 = arith.addi %add3A_26, %mul3A_18 : i32
      %select_n3A = arith.constant true
      %select_n3A_28 = arith.constant 0 : i32
      %select_n3A_29 = arith.constant -1 : i32
      %select_n3A_30 = arith.select %select_n3A, %select_n3A_29, %select_n3A_28 : i32
      %eq3A = arith.constant -1 : i32
      %eq3A_31 = arith.cmpi eq, %select_n3A_30, %eq3A : i32
      %select_n3A_32 = arith.constant 49 : i32
      %select_n3A_33 = arith.select %eq3A_31, %select_n3A_32, %select_n3A_30 : i32
      %select_n3A_34 = arith.constant 0 : i32
      %select_n3A_35 = arith.constant -1 : i32
      %select_n3A_36 = arith.select %eq3A_31, %select_n3A_35, %select_n3A_34 : i32
      %eq3A_37 = arith.constant -1 : i32
      %eq3A_38 = arith.cmpi eq, %select_n3A_36, %eq3A_37 : i32
      %select_n3A_39 = arith.constant 0 : i32
      %select_n3A_40 = arith.select %eq3A_38, %select_n3A_39, %select_n3A_36 : i32
      %add3A_41 = arith.constant 0 : i32
      %add3A_42 = arith.addi %add3A_41, %mul3A_18 : i32
      %add3A_43 = arith.constant 0 : i32
      %add3A_44 = arith.addi %select_n3A_33, %add3A_43 : i32
      %select_n3A_45 = arith.constant true
      %select_n3A_46 = arith.constant 0 : i32
      %select_n3A_47 = arith.constant 1 : i32
      %select_n3A_48 = arith.select %select_n3A_45, %select_n3A_47, %select_n3A_46 : i32
      %eq3A_49 = arith.constant 50 : i32
      %eq3A_50 = arith.cmpi eq, %select_n3A_48, %eq3A_49 : i32
      %select_n3A_51 = arith.constant 0 : i32
      %select_n3A_52 = arith.select %eq3A_50, %select_n3A_51, %select_n3A_48 : i32
      %select_n3A_53 = arith.constant 0 : i32
      %select_n3A_54 = arith.constant 1 : i32
      %select_n3A_55 = arith.select %eq3A_50, %select_n3A_54, %select_n3A_53 : i32
      %eq3A_56 = arith.constant 1 : i32
      %eq3A_57 = arith.cmpi eq, %select_n3A_55, %eq3A_56 : i32
      %select_n3A_58 = arith.constant 0 : i32
      %select_n3A_59 = arith.select %eq3A_57, %select_n3A_58, %select_n3A_55 : i32
      %add3A_60 = arith.constant 0 : i32
      %add3A_61 = arith.addi %add3A_60, %mul3A_18 : i32
      %add3A_62 = arith.constant 0 : i32
      %add3A_63 = arith.addi %select_n3A_52, %add3A_62 : i32
      %add3A_64 = arith.constant 1 : i32
      %add3A_65 = arith.addi %select_n3A_52, %add3A_64 : i32
      %select_n3A_66 = arith.constant true
      %select_n3A_67 = arith.select %select_n3A_66, %add3A_65, %select_n3A_52 : i32
      %eq3A_68 = arith.constant 50 : i32
      %eq3A_69 = arith.cmpi eq, %select_n3A_67, %eq3A_68 : i32
      %select_n3A_70 = arith.constant 0 : i32
      %select_n3A_71 = arith.select %eq3A_69, %select_n3A_70, %select_n3A_67 : i32
      %select_n3A_72 = arith.constant 0 : i32
      %select_n3A_73 = arith.constant 1 : i32
      %select_n3A_74 = arith.select %eq3A_69, %select_n3A_73, %select_n3A_72 : i32
      %eq3A_75 = arith.constant 1 : i32
      %eq3A_76 = arith.cmpi eq, %select_n3A_74, %eq3A_75 : i32
      %select_n3A_77 = arith.constant 0 : i32
      %select_n3A_78 = arith.select %eq3A_76, %select_n3A_77, %select_n3A_74 : i32
      %add3A_79 = arith.constant 0 : i32
      %add3A_80 = arith.addi %add3A_79, %mul3A_18 : i32
      %add3A_81 = arith.constant 0 : i32
      %add3A_82 = arith.addi %select_n3A_71, %add3A_81 : i32
      "tpu.trace_start"() <{level = 10 : i32, message = "ep_initialize_0"}> : () -> ()
      %rem3A = arith.constant 0 : i32
      %rem3A_83 = arith.constant 2 : i32
      %rem3A_84 = arith.remui %rem3A, %rem3A_83 : i32
      %mul3A_85 = arith.constant 50 : i32
      %mul3A_86 = arith.muli %add3A_27, %mul3A_85 : i32
      %add3A_87 = arith.constant 0 : i32
      %add3A_88 = arith.addi %mul3A_86, %add3A_87 : i32
      %mul3A_89 = arith.constant 5 : i32
      %mul3A_90 = arith.muli %mul3A_89, %add3A_88 : i32
      %dma_start3A = arith.constant 0 : i32
      %dma_start3A_91 = arith.constant 0 : i32
      %dma_start3A_92 = tpu.memref_slice %run_scoped3A[%rem3A_84, %dma_start3A, %dma_start3A_91] : memref<2x5x128xi32, #tpu.memory_space<vmem>> -> memref<1x5x128xi32, #tpu.memory_space<vmem>>
      %dma_start3A_93 = tpu.memref_squeeze %dma_start3A_92 : memref<1x5x128xi32, #tpu.memory_space<vmem>> -> memref<5x128xi32, #tpu.memory_space<vmem>>
      %dma_start3A_94 = arith.constant 0 : i32
      %dma_start3A_95 = tpu.memref_slice %arg3[%mul3A_90, %dma_start3A_94] : memref<8000x128xi32, #tpu.memory_space<hbm>> -> memref<5x128xi32, #tpu.memory_space<hbm>>
      %dma_start3A_96 = tpu.memref_slice %run_scoped3A_19[%rem3A_84] : memref<2x!tpu.dma_semaphore, #tpu.memory_space<semaphore_mem>> -> memref<1x!tpu.dma_semaphore, #tpu.memory_space<semaphore_mem>>
      %dma_start3A_97 = tpu.memref_squeeze %dma_start3A_96 : memref<1x!tpu.dma_semaphore, #tpu.memory_space<semaphore_mem>> -> memref<!tpu.dma_semaphore, #tpu.memory_space<semaphore_mem>>
      %dma_start3A_98 = arith.constant 0 : i32
      %dma_start3A_99 = arith.constant 0 : i32
      %dma_start3A_100 = tpu.memref_slice %run_scoped3A[%rem3A_84, %dma_start3A_98, %dma_start3A_99] : memref<2x5x128xi32, #tpu.memory_space<vmem>> -> memref<1x5x128xi32, #tpu.memory_space<vmem>>
      %dma_start3A_101 = tpu.memref_squeeze %dma_start3A_100 : memref<1x5x128xi32, #tpu.memory_space<vmem>> -> memref<5x128xi32, #tpu.memory_space<vmem>>
      %dma_start3A_102 = arith.constant 0 : i32
      %dma_start3A_103 = tpu.memref_slice %arg3[%mul3A_90, %dma_start3A_102] : memref<8000x128xi32, #tpu.memory_space<hbm>> -> memref<5x128xi32, #tpu.memory_space<hbm>>
      tpu.enqueue_dma source(%dma_start3A_103 : memref<5x128xi32, #tpu.memory_space<hbm>>) target(%dma_start3A_101 : memref<5x128xi32, #tpu.memory_space<vmem>>) target_semaphore(%dma_start3A_97 : memref<!tpu.dma_semaphore, #tpu.memory_space<semaphore_mem>>)
      %add3A_104 = arith.constant 0 : i32
      %add3A_105 = arith.constant 1 : i32
      %add3A_106 = arith.addi %add3A_104, %add3A_105 : i32
      %select_n3A_107 = arith.constant true
      %select_n3A_108 = arith.constant 0 : i32
      %select_n3A_109 = arith.select %select_n3A_107, %add3A_106, %select_n3A_108 : i32
      %rem3A_110 = arith.constant 0 : i32
      %rem3A_111 = arith.constant 2 : i32
      %rem3A_112 = arith.remui %rem3A_110, %rem3A_111 : i32
      %mul3A_113 = arith.constant 50 : i32
      %mul3A_114 = arith.muli %add3A_27, %mul3A_113 : i32
      %min3A = arith.constant 1 : i32
      %min3A_115 = arith.constant 49 : i32
      %min3A_116 = arith.minsi %min3A, %min3A_115 : i32
      %add3A_117 = arith.addi %mul3A_114, %min3A_116 : i32
      %mul3A_118 = arith.constant 5 : i32
      %mul3A_119 = arith.muli %mul3A_118, %add3A_117 : i32
      %dma_start3A_120 = arith.constant 0 : i32
      %dma_start3A_121 = arith.constant 0 : i32
      %dma_start3A_122 = tpu.memref_slice %run_scoped3A_20[%rem3A_112, %dma_start3A_120, %dma_start3A_121] : memref<2x5x128xi32, #tpu.memory_space<vmem>> -> memref<1x5x128xi32, #tpu.memory_space<vmem>>
      %dma_start3A_123 = tpu.memref_squeeze %dma_start3A_122 : memref<1x5x128xi32, #tpu.memory_space<vmem>> -> memref<5x128xi32, #tpu.memory_space<vmem>>
      %dma_start3A_124 = arith.constant 0 : i32
      %dma_start3A_125 = tpu.memref_slice %arg3[%mul3A_119, %dma_start3A_124] : memref<8000x128xi32, #tpu.memory_space<hbm>> -> memref<5x128xi32, #tpu.memory_space<hbm>>
      %dma_start3A_126 = tpu.memref_slice %run_scoped3A_21[%rem3A_112] : memref<2x!tpu.dma_semaphore, #tpu.memory_space<semaphore_mem>> -> memref<1x!tpu.dma_semaphore, #tpu.memory_space<semaphore_mem>>
      %dma_start3A_127 = tpu.memref_squeeze %dma_start3A_126 : memref<1x!tpu.dma_semaphore, #tpu.memory_space<semaphore_mem>> -> memref<!tpu.dma_semaphore, #tpu.memory_space<semaphore_mem>>
      %dma_start3A_128 = arith.constant 0 : i32
      %dma_start3A_129 = arith.constant 0 : i32
      %dma_start3A_130 = tpu.memref_slice %run_scoped3A_20[%rem3A_112, %dma_start3A_128, %dma_start3A_129] : memref<2x5x128xi32, #tpu.memory_space<vmem>> -> memref<1x5x128xi32, #tpu.memory_space<vmem>>
      %dma_start3A_131 = tpu.memref_squeeze %dma_start3A_130 : memref<1x5x128xi32, #tpu.memory_space<vmem>> -> memref<5x128xi32, #tpu.memory_space<vmem>>
      %dma_start3A_132 = arith.constant 0 : i32
      %dma_start3A_133 = tpu.memref_slice %arg3[%mul3A_119, %dma_start3A_132] : memref<8000x128xi32, #tpu.memory_space<hbm>> -> memref<5x128xi32, #tpu.memory_space<hbm>>
      tpu.enqueue_dma source(%dma_start3A_133 : memref<5x128xi32, #tpu.memory_space<hbm>>) target(%dma_start3A_131 : memref<5x128xi32, #tpu.memory_space<vmem>>) target_semaphore(%dma_start3A_127 : memref<!tpu.dma_semaphore, #tpu.memory_space<semaphore_mem>>)
      %add3A_134 = arith.constant 0 : i32
      %add3A_135 = arith.constant 1 : i32
      %add3A_136 = arith.addi %add3A_134, %add3A_135 : i32
      %select_n3A_137 = arith.constant true
      %select_n3A_138 = arith.constant 0 : i32
      %select_n3A_139 = arith.select %select_n3A_137, %add3A_136, %select_n3A_138 : i32
      %rem3A_140 = arith.constant 0 : i32
      %rem3A_141 = arith.constant 2 : i32
      %rem3A_142 = arith.remui %rem3A_140, %rem3A_141 : i32
      %mul3A_143 = arith.constant 50 : i32
      %mul3A_144 = arith.muli %add3A_27, %mul3A_143 : i32
      %add3A_145 = arith.constant 0 : i32
      %add3A_146 = arith.addi %mul3A_144, %add3A_145 : i32
      %mul3A_147 = arith.constant 32 : i32
      %mul3A_148 = arith.muli %mul3A_147, %add3A_146 : i32
      %dma_start3A_149 = arith.constant 0 : i32
      %dma_start3A_150 = arith.constant 0 : i32
      %dma_start3A_151 = tpu.memref_slice %run_scoped3A_22[%rem3A_142, %dma_start3A_149, %dma_start3A_150] : memref<2x32x32xf32, #tpu.memory_space<vmem>> -> memref<1x32x32xf32, #tpu.memory_space<vmem>>
      %dma_start3A_152 = tpu.memref_squeeze %dma_start3A_151 : memref<1x32x32xf32, #tpu.memory_space<vmem>> -> memref<32x32xf32, #tpu.memory_space<vmem>>
      %dma_start3A_153 = arith.constant 0 : i32
      %dma_start3A_154 = tpu.memref_slice %arg4[%mul3A_148, %dma_start3A_153] : memref<51200x32xf32, #tpu.memory_space<hbm>> -> memref<32x32xf32, #tpu.memory_space<hbm>>
      %dma_start3A_155 = tpu.memref_slice %run_scoped3A_23[%rem3A_142] : memref<2x!tpu.dma_semaphore, #tpu.memory_space<semaphore_mem>> -> memref<1x!tpu.dma_semaphore, #tpu.memory_space<semaphore_mem>>
      %dma_start3A_156 = tpu.memref_squeeze %dma_start3A_155 : memref<1x!tpu.dma_semaphore, #tpu.memory_space<semaphore_mem>> -> memref<!tpu.dma_semaphore, #tpu.memory_space<semaphore_mem>>
      %dma_start3A_157 = arith.constant 0 : i32
      %dma_start3A_158 = arith.constant 0 : i32
      %dma_start3A_159 = tpu.memref_slice %run_scoped3A_22[%rem3A_142, %dma_start3A_157, %dma_start3A_158] : memref<2x32x32xf32, #tpu.memory_space<vmem>> -> memref<1x32x32xf32, #tpu.memory_space<vmem>>
      %dma_start3A_160 = tpu.memref_squeeze %dma_start3A_159 : memref<1x32x32xf32, #tpu.memory_space<vmem>> -> memref<32x32xf32, #tpu.memory_space<vmem>>
      %dma_start3A_161 = arith.constant 0 : i32
      %dma_start3A_162 = tpu.memref_slice %arg4[%mul3A_148, %dma_start3A_161] : memref<51200x32xf32, #tpu.memory_space<hbm>> -> memref<32x32xf32, #tpu.memory_space<hbm>>
      tpu.enqueue_dma source(%dma_start3A_162 : memref<32x32xf32, #tpu.memory_space<hbm>>) target(%dma_start3A_160 : memref<32x32xf32, #tpu.memory_space<vmem>>) target_semaphore(%dma_start3A_156 : memref<!tpu.dma_semaphore, #tpu.memory_space<semaphore_mem>>)
      %add3A_163 = arith.constant 0 : i32
      %add3A_164 = arith.constant 1 : i32
      %add3A_165 = arith.addi %add3A_163, %add3A_164 : i32
      %select_n3A_166 = arith.constant true
      %select_n3A_167 = arith.constant 0 : i32
      %select_n3A_168 = arith.select %select_n3A_166, %add3A_165, %select_n3A_167 : i32
      "tpu.trace_stop"() : () -> ()
      %scan3A = arith.constant 0 : i32
      %scan3A_169 = arith.constant 0 : i32
      %scan3A_170 = arith.constant 0 : i32
      %scan3A_171 = arith.constant 0 : i32
      %scan3A_172 = arith.constant 0 : i32
      %scan3A_173 = arith.constant 0 : i32
      %scan3A_174 = arith.constant 0 : i32
      %scan3A_175 = arith.constant 0 : i32
      %scan3A_176 = arith.constant 50 : i32
      %scan3A_177 = arith.addi %scan3A_175, %scan3A_176 : i32
      %scan3A_178 = arith.constant 1 : i32
      %scan3A_179:10 = scf.for %scan3A_276 = %scan3A_175 to %scan3A_177 step %scan3A_178 iter_args(%scan3A_277 = %select_n3A_109, %scan3A_278 = %scan3A, %scan3A_279 = %select_n3A_139, %scan3A_280 = %scan3A_169, %scan3A_281 = %select_n3A_168, %scan3A_282 = %scan3A_170, %scan3A_283 = %scan3A_171, %scan3A_284 = %scan3A_172, %scan3A_285 = %scan3A_173, %scan3A_286 = %scan3A_174) -> (i32, i32, i32, i32, i32, i32, i32, i32, i32, i32)  : i32 {
        %eq3A_287 = arith.constant 0 : i32
        %eq3A_288 = arith.cmpi eq, %scan3A_276, %eq3A_287 : i32
        %eq3A_289 = arith.constant 49 : i32
        %eq3A_290 = arith.cmpi eq, %scan3A_276, %eq3A_289 : i32
        %add3A_291 = arith.constant 0 : i32
        %add3A_292 = arith.addi %add3A_291, %mul3A_18 : i32
        %add3A_293 = arith.constant 0 : i32
        %add3A_294 = arith.addi %scan3A_286, %add3A_293 : i32
        %sub3A_295 = arith.constant 1 : i32
        %sub3A_296 = arith.subi %scan3A_286, %sub3A_295 : i32
        %select_n3A_297 = arith.constant true
        %select_n3A_298 = arith.select %select_n3A_297, %sub3A_296, %scan3A_286 : i32
        %eq3A_299 = arith.constant -1 : i32
        %eq3A_300 = arith.cmpi eq, %select_n3A_298, %eq3A_299 : i32
        %select_n3A_301 = arith.constant 49 : i32
        %select_n3A_302 = arith.select %eq3A_300, %select_n3A_301, %select_n3A_298 : i32
        %select_n3A_303 = arith.constant 0 : i32
        %select_n3A_304 = arith.constant -1 : i32
        %select_n3A_305 = arith.select %eq3A_300, %select_n3A_304, %select_n3A_303 : i32
        %eq3A_306 = arith.constant -1 : i32
        %eq3A_307 = arith.cmpi eq, %select_n3A_305, %eq3A_306 : i32
        %select_n3A_308 = arith.constant 0 : i32
        %select_n3A_309 = arith.select %eq3A_307, %select_n3A_308, %select_n3A_305 : i32
        %add3A_310 = arith.constant 0 : i32
        %add3A_311 = arith.addi %add3A_310, %mul3A_18 : i32
        %add3A_312 = arith.constant 0 : i32
        %add3A_313 = arith.addi %select_n3A_302, %add3A_312 : i32
        %add3A_314 = arith.constant 1 : i32
        %add3A_315 = arith.addi %scan3A_286, %add3A_314 : i32
        %select_n3A_316 = arith.constant true
        %select_n3A_317 = arith.select %select_n3A_316, %add3A_315, %scan3A_286 : i32
        %eq3A_318 = arith.constant 50 : i32
        %eq3A_319 = arith.cmpi eq, %select_n3A_317, %eq3A_318 : i32
        %select_n3A_320 = arith.constant 0 : i32
        %select_n3A_321 = arith.select %eq3A_319, %select_n3A_320, %select_n3A_317 : i32
        %select_n3A_322 = arith.constant 0 : i32
        %select_n3A_323 = arith.constant 1 : i32
        %select_n3A_324 = arith.select %eq3A_319, %select_n3A_323, %select_n3A_322 : i32
        %eq3A_325 = arith.constant 1 : i32
        %eq3A_326 = arith.cmpi eq, %select_n3A_324, %eq3A_325 : i32
        %select_n3A_327 = arith.constant 0 : i32
        %select_n3A_328 = arith.select %eq3A_326, %select_n3A_327, %select_n3A_324 : i32
        %add3A_329 = arith.constant 0 : i32
        %add3A_330 = arith.addi %add3A_329, %mul3A_18 : i32
        %add3A_331 = arith.constant 0 : i32
        %add3A_332 = arith.addi %select_n3A_321, %add3A_331 : i32
        %add3A_333 = arith.constant 1 : i32
        %add3A_334 = arith.addi %select_n3A_321, %add3A_333 : i32
        %select_n3A_335 = arith.constant true
        %select_n3A_336 = arith.select %select_n3A_335, %add3A_334, %select_n3A_321 : i32
        %eq3A_337 = arith.constant 50 : i32
        %eq3A_338 = arith.cmpi eq, %select_n3A_336, %eq3A_337 : i32
        %select_n3A_339 = arith.constant 0 : i32
        %select_n3A_340 = arith.select %eq3A_338, %select_n3A_339, %select_n3A_336 : i32
        %select_n3A_341 = arith.constant 0 : i32
        %select_n3A_342 = arith.constant 1 : i32
        %select_n3A_343 = arith.select %eq3A_338, %select_n3A_342, %select_n3A_341 : i32
        %eq3A_344 = arith.constant 1 : i32
        %eq3A_345 = arith.cmpi eq, %select_n3A_343, %eq3A_344 : i32
        %select_n3A_346 = arith.constant 0 : i32
        %select_n3A_347 = arith.select %eq3A_345, %select_n3A_346, %select_n3A_343 : i32
        %add3A_348 = arith.constant 0 : i32
        %add3A_349 = arith.addi %add3A_348, %mul3A_18 : i32
        %add3A_350 = arith.constant 0 : i32
        %add3A_351 = arith.addi %select_n3A_340, %add3A_350 : i32
        %mul3A_352 = arith.constant 50 : i32
        %mul3A_353 = arith.muli %add3A_292, %mul3A_352 : i32
        %add3A_354 = arith.addi %mul3A_353, %add3A_294 : i32
        %mul3A_355 = arith.constant 50 : i32
        %mul3A_356 = arith.muli %add3A_330, %mul3A_355 : i32
        %add3A_357 = arith.addi %mul3A_356, %add3A_332 : i32
        %ne3A = arith.cmpi ne, %add3A_354, %add3A_357 : i32
        %or3A = arith.constant false
        %or3A_358 = arith.ori %or3A, %ne3A : i1
        %or3A_359 = arith.constant false
        %or3A_360 = arith.ori %or3A_358, %or3A_359 : i1
        %ge3A = arith.constant 49 : i32
        %ge3A_361 = arith.cmpi sge, %scan3A_276, %ge3A : i32
        %not3A = arith.constant true
        %not3A_362 = arith.xori %ge3A_361, %not3A : i1
        %and3A = arith.andi %or3A_360, %not3A_362 : i1
        %convert_element_type3A = arith.extui %and3A : i1 to i32
        %cond3A = arith.constant 0 : i32
        %cond3A_363 = arith.cmpi ne, %convert_element_type3A, %cond3A : i32
        scf.if %cond3A_363 {
          "tpu.trace_start"() <{level = 10 : i32, message = "ep_copy_in"}> : () -> ()
          %rem3A_788 = arith.constant 2 : i32
          %rem3A_789 = arith.remui %scan3A_277, %rem3A_788 : i32
          %mul3A_790 = arith.constant 50 : i32
          %mul3A_791 = arith.muli %add3A_330, %mul3A_790 : i32
          %add3A_792 = arith.addi %mul3A_791, %add3A_332 : i32
          %mul3A_793 = arith.constant 5 : i32
          %mul3A_794 = arith.muli %mul3A_793, %add3A_792 : i32
          %dma_start3A_795 = arith.constant 0 : i32
          %dma_start3A_796 = arith.constant 0 : i32
          %dma_start3A_797 = tpu.memref_slice %run_scoped3A[%rem3A_789, %dma_start3A_795, %dma_start3A_796] : memref<2x5x128xi32, #tpu.memory_space<vmem>> -> memref<1x5x128xi32, #tpu.memory_space<vmem>>
          %dma_start3A_798 = tpu.memref_squeeze %dma_start3A_797 : memref<1x5x128xi32, #tpu.memory_space<vmem>> -> memref<5x128xi32, #tpu.memory_space<vmem>>
          %dma_start3A_799 = arith.constant 0 : i32
          %dma_start3A_800 = tpu.memref_slice %arg3[%mul3A_794, %dma_start3A_799] : memref<8000x128xi32, #tpu.memory_space<hbm>> -> memref<5x128xi32, #tpu.memory_space<hbm>>
          %dma_start3A_801 = tpu.memref_slice %run_scoped3A_19[%rem3A_789] : memref<2x!tpu.dma_semaphore, #tpu.memory_space<semaphore_mem>> -> memref<1x!tpu.dma_semaphore, #tpu.memory_space<semaphore_mem>>
          %dma_start3A_802 = tpu.memref_squeeze %dma_start3A_801 : memref<1x!tpu.dma_semaphore, #tpu.memory_space<semaphore_mem>> -> memref<!tpu.dma_semaphore, #tpu.memory_space<semaphore_mem>>
          %dma_start3A_803 = arith.constant 0 : i32
          %dma_start3A_804 = arith.constant 0 : i32
          %dma_start3A_805 = tpu.memref_slice %run_scoped3A[%rem3A_789, %dma_start3A_803, %dma_start3A_804] : memref<2x5x128xi32, #tpu.memory_space<vmem>> -> memref<1x5x128xi32, #tpu.memory_space<vmem>>
          %dma_start3A_806 = tpu.memref_squeeze %dma_start3A_805 : memref<1x5x128xi32, #tpu.memory_space<vmem>> -> memref<5x128xi32, #tpu.memory_space<vmem>>
          %dma_start3A_807 = arith.constant 0 : i32
          %dma_start3A_808 = tpu.memref_slice %arg3[%mul3A_794, %dma_start3A_807] : memref<8000x128xi32, #tpu.memory_space<hbm>> -> memref<5x128xi32, #tpu.memory_space<hbm>>
          tpu.enqueue_dma source(%dma_start3A_808 : memref<5x128xi32, #tpu.memory_space<hbm>>) target(%dma_start3A_806 : memref<5x128xi32, #tpu.memory_space<vmem>>) target_semaphore(%dma_start3A_802 : memref<!tpu.dma_semaphore, #tpu.memory_space<semaphore_mem>>)
          "tpu.trace_stop"() : () -> ()
        } else {
        }
        %and3A_364 = arith.constant true
        %and3A_365 = arith.andi %and3A, %and3A_364 : i1
        %add3A_366 = arith.constant 1 : i32
        %add3A_367 = arith.addi %scan3A_277, %add3A_366 : i32
        %select_n3A_368 = arith.select %and3A_365, %add3A_367, %scan3A_277 : i32
        %mul3A_369 = arith.constant 50 : i32
        %mul3A_370 = arith.muli %add3A_292, %mul3A_369 : i32
        %add3A_371 = arith.constant 1 : i32
        %add3A_372 = arith.addi %add3A_294, %add3A_371 : i32
        %min3A_373 = arith.constant 49 : i32
        %min3A_374 = arith.minsi %add3A_372, %min3A_373 : i32
        %add3A_375 = arith.addi %mul3A_370, %min3A_374 : i32
        %mul3A_376 = arith.constant 50 : i32
        %mul3A_377 = arith.muli %add3A_330, %mul3A_376 : i32
        %add3A_378 = arith.constant 1 : i32
        %add3A_379 = arith.addi %add3A_332, %add3A_378 : i32
        %min3A_380 = arith.constant 49 : i32
        %min3A_381 = arith.minsi %add3A_379, %min3A_380 : i32
        %add3A_382 = arith.addi %mul3A_377, %min3A_381 : i32
        %ne3A_383 = arith.cmpi ne, %add3A_375, %add3A_382 : i32
        %or3A_384 = arith.constant false
        %or3A_385 = arith.ori %or3A_384, %ne3A_383 : i1
        %or3A_386 = arith.constant false
        %or3A_387 = arith.ori %or3A_385, %or3A_386 : i1
        %ge3A_388 = arith.constant 49 : i32
        %ge3A_389 = arith.cmpi sge, %scan3A_276, %ge3A_388 : i32
        %not3A_390 = arith.constant true
        %not3A_391 = arith.xori %ge3A_389, %not3A_390 : i1
        %and3A_392 = arith.andi %or3A_387, %not3A_391 : i1
        %convert_element_type3A_393 = arith.extui %and3A_392 : i1 to i32
        %cond3A_394 = arith.constant 0 : i32
        %cond3A_395 = arith.cmpi ne, %convert_element_type3A_393, %cond3A_394 : i32
        scf.if %cond3A_395 {
          "tpu.trace_start"() <{level = 10 : i32, message = "ep_copy_in"}> : () -> ()
          %rem3A_788 = arith.constant 2 : i32
          %rem3A_789 = arith.remui %scan3A_279, %rem3A_788 : i32
          %mul3A_790 = arith.constant 50 : i32
          %mul3A_791 = arith.muli %add3A_330, %mul3A_790 : i32
          %add3A_792 = arith.constant 1 : i32
          %add3A_793 = arith.addi %add3A_332, %add3A_792 : i32
          %min3A_794 = arith.constant 49 : i32
          %min3A_795 = arith.minsi %add3A_793, %min3A_794 : i32
          %add3A_796 = arith.addi %mul3A_791, %min3A_795 : i32
          %mul3A_797 = arith.constant 5 : i32
          %mul3A_798 = arith.muli %mul3A_797, %add3A_796 : i32
          %dma_start3A_799 = arith.constant 0 : i32
          %dma_start3A_800 = arith.constant 0 : i32
          %dma_start3A_801 = tpu.memref_slice %run_scoped3A_20[%rem3A_789, %dma_start3A_799, %dma_start3A_800] : memref<2x5x128xi32, #tpu.memory_space<vmem>> -> memref<1x5x128xi32, #tpu.memory_space<vmem>>
          %dma_start3A_802 = tpu.memref_squeeze %dma_start3A_801 : memref<1x5x128xi32, #tpu.memory_space<vmem>> -> memref<5x128xi32, #tpu.memory_space<vmem>>
          %dma_start3A_803 = arith.constant 0 : i32
          %dma_start3A_804 = tpu.memref_slice %arg3[%mul3A_798, %dma_start3A_803] : memref<8000x128xi32, #tpu.memory_space<hbm>> -> memref<5x128xi32, #tpu.memory_space<hbm>>
          %dma_start3A_805 = tpu.memref_slice %run_scoped3A_21[%rem3A_789] : memref<2x!tpu.dma_semaphore, #tpu.memory_space<semaphore_mem>> -> memref<1x!tpu.dma_semaphore, #tpu.memory_space<semaphore_mem>>
          %dma_start3A_806 = tpu.memref_squeeze %dma_start3A_805 : memref<1x!tpu.dma_semaphore, #tpu.memory_space<semaphore_mem>> -> memref<!tpu.dma_semaphore, #tpu.memory_space<semaphore_mem>>
          %dma_start3A_807 = arith.constant 0 : i32
          %dma_start3A_808 = arith.constant 0 : i32
          %dma_start3A_809 = tpu.memref_slice %run_scoped3A_20[%rem3A_789, %dma_start3A_807, %dma_start3A_808] : memref<2x5x128xi32, #tpu.memory_space<vmem>> -> memref<1x5x128xi32, #tpu.memory_space<vmem>>
          %dma_start3A_810 = tpu.memref_squeeze %dma_start3A_809 : memref<1x5x128xi32, #tpu.memory_space<vmem>> -> memref<5x128xi32, #tpu.memory_space<vmem>>
          %dma_start3A_811 = arith.constant 0 : i32
          %dma_start3A_812 = tpu.memref_slice %arg3[%mul3A_798, %dma_start3A_811] : memref<8000x128xi32, #tpu.memory_space<hbm>> -> memref<5x128xi32, #tpu.memory_space<hbm>>
          tpu.enqueue_dma source(%dma_start3A_812 : memref<5x128xi32, #tpu.memory_space<hbm>>) target(%dma_start3A_810 : memref<5x128xi32, #tpu.memory_space<vmem>>) target_semaphore(%dma_start3A_806 : memref<!tpu.dma_semaphore, #tpu.memory_space<semaphore_mem>>)
          "tpu.trace_stop"() : () -> ()
        } else {
        }
        %and3A_396 = arith.constant true
        %and3A_397 = arith.andi %and3A_392, %and3A_396 : i1
        %add3A_398 = arith.constant 1 : i32
        %add3A_399 = arith.addi %scan3A_279, %add3A_398 : i32
        %select_n3A_400 = arith.select %and3A_397, %add3A_399, %scan3A_279 : i32
        %mul3A_401 = arith.constant 50 : i32
        %mul3A_402 = arith.muli %add3A_292, %mul3A_401 : i32
        %add3A_403 = arith.addi %mul3A_402, %add3A_294 : i32
        %mul3A_404 = arith.constant 50 : i32
        %mul3A_405 = arith.muli %add3A_330, %mul3A_404 : i32
        %add3A_406 = arith.addi %mul3A_405, %add3A_332 : i32
        %ne3A_407 = arith.cmpi ne, %add3A_403, %add3A_406 : i32
        %or3A_408 = arith.constant false
        %or3A_409 = arith.ori %or3A_408, %ne3A_407 : i1
        %or3A_410 = arith.constant false
        %or3A_411 = arith.ori %or3A_409, %or3A_410 : i1
        %ge3A_412 = arith.constant 49 : i32
        %ge3A_413 = arith.cmpi sge, %scan3A_276, %ge3A_412 : i32
        %not3A_414 = arith.constant true
        %not3A_415 = arith.xori %ge3A_413, %not3A_414 : i1
        %and3A_416 = arith.andi %or3A_411, %not3A_415 : i1
        %convert_element_type3A_417 = arith.extui %and3A_416 : i1 to i32
        %cond3A_418 = arith.constant 0 : i32
        %cond3A_419 = arith.cmpi ne, %convert_element_type3A_417, %cond3A_418 : i32
        scf.if %cond3A_419 {
          "tpu.trace_start"() <{level = 10 : i32, message = "ep_copy_in"}> : () -> ()
          %rem3A_788 = arith.constant 2 : i32
          %rem3A_789 = arith.remui %scan3A_281, %rem3A_788 : i32
          %mul3A_790 = arith.constant 50 : i32
          %mul3A_791 = arith.muli %add3A_330, %mul3A_790 : i32
          %add3A_792 = arith.addi %mul3A_791, %add3A_332 : i32
          %mul3A_793 = arith.constant 32 : i32
          %mul3A_794 = arith.muli %mul3A_793, %add3A_792 : i32
          %dma_start3A_795 = arith.constant 0 : i32
          %dma_start3A_796 = arith.constant 0 : i32
          %dma_start3A_797 = tpu.memref_slice %run_scoped3A_22[%rem3A_789, %dma_start3A_795, %dma_start3A_796] : memref<2x32x32xf32, #tpu.memory_space<vmem>> -> memref<1x32x32xf32, #tpu.memory_space<vmem>>
          %dma_start3A_798 = tpu.memref_squeeze %dma_start3A_797 : memref<1x32x32xf32, #tpu.memory_space<vmem>> -> memref<32x32xf32, #tpu.memory_space<vmem>>
          %dma_start3A_799 = arith.constant 0 : i32
          %dma_start3A_800 = tpu.memref_slice %arg4[%mul3A_794, %dma_start3A_799] : memref<51200x32xf32, #tpu.memory_space<hbm>> -> memref<32x32xf32, #tpu.memory_space<hbm>>
          %dma_start3A_801 = tpu.memref_slice %run_scoped3A_23[%rem3A_789] : memref<2x!tpu.dma_semaphore, #tpu.memory_space<semaphore_mem>> -> memref<1x!tpu.dma_semaphore, #tpu.memory_space<semaphore_mem>>
          %dma_start3A_802 = tpu.memref_squeeze %dma_start3A_801 : memref<1x!tpu.dma_semaphore, #tpu.memory_space<semaphore_mem>> -> memref<!tpu.dma_semaphore, #tpu.memory_space<semaphore_mem>>
          %dma_start3A_803 = arith.constant 0 : i32
          %dma_start3A_804 = arith.constant 0 : i32
          %dma_start3A_805 = tpu.memref_slice %run_scoped3A_22[%rem3A_789, %dma_start3A_803, %dma_start3A_804] : memref<2x32x32xf32, #tpu.memory_space<vmem>> -> memref<1x32x32xf32, #tpu.memory_space<vmem>>
          %dma_start3A_806 = tpu.memref_squeeze %dma_start3A_805 : memref<1x32x32xf32, #tpu.memory_space<vmem>> -> memref<32x32xf32, #tpu.memory_space<vmem>>
          %dma_start3A_807 = arith.constant 0 : i32
          %dma_start3A_808 = tpu.memref_slice %arg4[%mul3A_794, %dma_start3A_807] : memref<51200x32xf32, #tpu.memory_space<hbm>> -> memref<32x32xf32, #tpu.memory_space<hbm>>
          tpu.enqueue_dma source(%dma_start3A_808 : memref<32x32xf32, #tpu.memory_space<hbm>>) target(%dma_start3A_806 : memref<32x32xf32, #tpu.memory_space<vmem>>) target_semaphore(%dma_start3A_802 : memref<!tpu.dma_semaphore, #tpu.memory_space<semaphore_mem>>)
          "tpu.trace_stop"() : () -> ()
        } else {
        }
        %and3A_420 = arith.constant true
        %and3A_421 = arith.andi %and3A_416, %and3A_420 : i1
        %add3A_422 = arith.constant 1 : i32
        %add3A_423 = arith.addi %scan3A_281, %add3A_422 : i32
        %select_n3A_424 = arith.select %and3A_421, %add3A_423, %scan3A_281 : i32
        %mul3A_425 = arith.constant 50 : i32
        %mul3A_426 = arith.muli %add3A_292, %mul3A_425 : i32
        %add3A_427 = arith.addi %mul3A_426, %add3A_294 : i32
        %mul3A_428 = arith.constant 50 : i32
        %mul3A_429 = arith.muli %add3A_330, %mul3A_428 : i32
        %add3A_430 = arith.addi %mul3A_429, %add3A_332 : i32
        %ne3A_431 = arith.cmpi ne, %add3A_427, %add3A_430 : i32
        %or3A_432 = arith.constant false
        %or3A_433 = arith.ori %or3A_432, %ne3A_431 : i1
        %or3A_434 = arith.constant false
        %or3A_435 = arith.ori %or3A_433, %or3A_434 : i1
        %ge3A_436 = arith.constant 49 : i32
        %ge3A_437 = arith.cmpi sge, %scan3A_276, %ge3A_436 : i32
        %not3A_438 = arith.constant true
        %not3A_439 = arith.xori %ge3A_437, %not3A_438 : i1
        %and3A_440 = arith.andi %or3A_435, %not3A_439 : i1
        %mul3A_441 = arith.constant 50 : i32
        %mul3A_442 = arith.muli %add3A_292, %mul3A_441 : i32
        %add3A_443 = arith.addi %mul3A_442, %add3A_294 : i32
        %mul3A_444 = arith.constant 50 : i32
        %mul3A_445 = arith.muli %add3A_311, %mul3A_444 : i32
        %add3A_446 = arith.addi %mul3A_445, %add3A_313 : i32
        %ne3A_447 = arith.cmpi ne, %add3A_443, %add3A_446 : i32
        %or3A_448 = arith.constant false
        %or3A_449 = arith.ori %or3A_448, %ne3A_447 : i1
        %or3A_450 = arith.constant false
        %or3A_451 = arith.ori %or3A_449, %or3A_450 : i1
        %or3A_452 = arith.ori %or3A_451, %eq3A_288 : i1
        %convert_element_type3A_453 = arith.extui %or3A_452 : i1 to i32
        %cond3A_454 = arith.constant 0 : i32
        %cond3A_455 = arith.cmpi ne, %convert_element_type3A_453, %cond3A_454 : i32
        scf.if %cond3A_455 {
          "tpu.trace_start"() <{level = 10 : i32, message = "ep_wait_in"}> : () -> ()
          %mul3A_788 = arith.constant 50 : i32
          %mul3A_789 = arith.muli %add3A_292, %mul3A_788 : i32
          %add3A_790 = arith.addi %mul3A_789, %add3A_294 : i32
          %mul3A_791 = arith.constant 5 : i32
          %mul3A_792 = arith.muli %mul3A_791, %add3A_790 : i32
          %rem3A_793 = arith.constant 2 : i32
          %rem3A_794 = arith.remui %scan3A_278, %rem3A_793 : i32
          %dma_wait3A_795 = arith.constant 0 : i32
          %dma_wait3A_796 = arith.constant 0 : i32
          %dma_wait3A_797 = tpu.memref_slice %run_scoped3A[%rem3A_794, %dma_wait3A_795, %dma_wait3A_796] : memref<2x5x128xi32, #tpu.memory_space<vmem>> -> memref<1x5x128xi32, #tpu.memory_space<vmem>>
          %dma_wait3A_798 = tpu.memref_squeeze %dma_wait3A_797 : memref<1x5x128xi32, #tpu.memory_space<vmem>> -> memref<5x128xi32, #tpu.memory_space<vmem>>
          %dma_wait3A_799 = arith.constant 0 : i32
          %dma_wait3A_800 = tpu.memref_slice %arg3[%mul3A_792, %dma_wait3A_799] : memref<8000x128xi32, #tpu.memory_space<hbm>> -> memref<5x128xi32, #tpu.memory_space<hbm>>
          %dma_wait3A_801 = tpu.memref_slice %run_scoped3A_19[%rem3A_794] : memref<2x!tpu.dma_semaphore, #tpu.memory_space<semaphore_mem>> -> memref<1x!tpu.dma_semaphore, #tpu.memory_space<semaphore_mem>>
          %dma_wait3A_802 = tpu.memref_squeeze %dma_wait3A_801 : memref<1x!tpu.dma_semaphore, #tpu.memory_space<semaphore_mem>> -> memref<!tpu.dma_semaphore, #tpu.memory_space<semaphore_mem>>
          %dma_wait3A_803 = arith.constant 0 : i32
          %dma_wait3A_804 = arith.constant 0 : i32
          %dma_wait3A_805 = tpu.memref_slice %run_scoped3A[%rem3A_794, %dma_wait3A_803, %dma_wait3A_804] : memref<2x5x128xi32, #tpu.memory_space<vmem>> -> memref<1x5x128xi32, #tpu.memory_space<vmem>>
          %dma_wait3A_806 = tpu.memref_squeeze %dma_wait3A_805 : memref<1x5x128xi32, #tpu.memory_space<vmem>> -> memref<5x128xi32, #tpu.memory_space<vmem>>
          %dma_wait3A_807 = arith.constant 0 : i32
          %dma_wait3A_808 = tpu.memref_slice %arg3[%mul3A_792, %dma_wait3A_807] : memref<8000x128xi32, #tpu.memory_space<hbm>> -> memref<5x128xi32, #tpu.memory_space<hbm>>
          tpu.wait_dma2 semaphore(%dma_wait3A_802 : memref<!tpu.dma_semaphore, #tpu.memory_space<semaphore_mem>>) src(%dma_wait3A_808 : memref<5x128xi32, #tpu.memory_space<hbm>>) dst(%dma_wait3A_806 : memref<5x128xi32, #tpu.memory_space<vmem>>)
          "tpu.trace_stop"() : () -> ()
        } else {
        }
        %mul3A_456 = arith.constant 50 : i32
        %mul3A_457 = arith.muli %add3A_292, %mul3A_456 : i32
        %add3A_458 = arith.constant 1 : i32
        %add3A_459 = arith.addi %add3A_294, %add3A_458 : i32
        %min3A_460 = arith.constant 49 : i32
        %min3A_461 = arith.minsi %add3A_459, %min3A_460 : i32
        %add3A_462 = arith.addi %mul3A_457, %min3A_461 : i32
        %mul3A_463 = arith.constant 50 : i32
        %mul3A_464 = arith.muli %add3A_311, %mul3A_463 : i32
        %add3A_465 = arith.constant 1 : i32
        %add3A_466 = arith.addi %add3A_313, %add3A_465 : i32
        %min3A_467 = arith.constant 49 : i32
        %min3A_468 = arith.minsi %add3A_466, %min3A_467 : i32
        %add3A_469 = arith.addi %mul3A_464, %min3A_468 : i32
        %ne3A_470 = arith.cmpi ne, %add3A_462, %add3A_469 : i32
        %or3A_471 = arith.constant false
        %or3A_472 = arith.ori %or3A_471, %ne3A_470 : i1
        %or3A_473 = arith.constant false
        %or3A_474 = arith.ori %or3A_472, %or3A_473 : i1
        %or3A_475 = arith.ori %or3A_474, %eq3A_288 : i1
        %convert_element_type3A_476 = arith.extui %or3A_475 : i1 to i32
        %cond3A_477 = arith.constant 0 : i32
        %cond3A_478 = arith.cmpi ne, %convert_element_type3A_476, %cond3A_477 : i32
        scf.if %cond3A_478 {
          "tpu.trace_start"() <{level = 10 : i32, message = "ep_wait_in"}> : () -> ()
          %mul3A_788 = arith.constant 50 : i32
          %mul3A_789 = arith.muli %add3A_292, %mul3A_788 : i32
          %add3A_790 = arith.constant 1 : i32
          %add3A_791 = arith.addi %add3A_294, %add3A_790 : i32
          %min3A_792 = arith.constant 49 : i32
          %min3A_793 = arith.minsi %add3A_791, %min3A_792 : i32
          %add3A_794 = arith.addi %mul3A_789, %min3A_793 : i32
          %mul3A_795 = arith.constant 5 : i32
          %mul3A_796 = arith.muli %mul3A_795, %add3A_794 : i32
          %rem3A_797 = arith.constant 2 : i32
          %rem3A_798 = arith.remui %scan3A_280, %rem3A_797 : i32
          %dma_wait3A_799 = arith.constant 0 : i32
          %dma_wait3A_800 = arith.constant 0 : i32
          %dma_wait3A_801 = tpu.memref_slice %run_scoped3A_20[%rem3A_798, %dma_wait3A_799, %dma_wait3A_800] : memref<2x5x128xi32, #tpu.memory_space<vmem>> -> memref<1x5x128xi32, #tpu.memory_space<vmem>>
          %dma_wait3A_802 = tpu.memref_squeeze %dma_wait3A_801 : memref<1x5x128xi32, #tpu.memory_space<vmem>> -> memref<5x128xi32, #tpu.memory_space<vmem>>
          %dma_wait3A_803 = arith.constant 0 : i32
          %dma_wait3A_804 = tpu.memref_slice %arg3[%mul3A_796, %dma_wait3A_803] : memref<8000x128xi32, #tpu.memory_space<hbm>> -> memref<5x128xi32, #tpu.memory_space<hbm>>
          %dma_wait3A_805 = tpu.memref_slice %run_scoped3A_21[%rem3A_798] : memref<2x!tpu.dma_semaphore, #tpu.memory_space<semaphore_mem>> -> memref<1x!tpu.dma_semaphore, #tpu.memory_space<semaphore_mem>>
          %dma_wait3A_806 = tpu.memref_squeeze %dma_wait3A_805 : memref<1x!tpu.dma_semaphore, #tpu.memory_space<semaphore_mem>> -> memref<!tpu.dma_semaphore, #tpu.memory_space<semaphore_mem>>
          %dma_wait3A_807 = arith.constant 0 : i32
          %dma_wait3A_808 = arith.constant 0 : i32
          %dma_wait3A_809 = tpu.memref_slice %run_scoped3A_20[%rem3A_798, %dma_wait3A_807, %dma_wait3A_808] : memref<2x5x128xi32, #tpu.memory_space<vmem>> -> memref<1x5x128xi32, #tpu.memory_space<vmem>>
          %dma_wait3A_810 = tpu.memref_squeeze %dma_wait3A_809 : memref<1x5x128xi32, #tpu.memory_space<vmem>> -> memref<5x128xi32, #tpu.memory_space<vmem>>
          %dma_wait3A_811 = arith.constant 0 : i32
          %dma_wait3A_812 = tpu.memref_slice %arg3[%mul3A_796, %dma_wait3A_811] : memref<8000x128xi32, #tpu.memory_space<hbm>> -> memref<5x128xi32, #tpu.memory_space<hbm>>
          tpu.wait_dma2 semaphore(%dma_wait3A_806 : memref<!tpu.dma_semaphore, #tpu.memory_space<semaphore_mem>>) src(%dma_wait3A_812 : memref<5x128xi32, #tpu.memory_space<hbm>>) dst(%dma_wait3A_810 : memref<5x128xi32, #tpu.memory_space<vmem>>)
          "tpu.trace_stop"() : () -> ()
        } else {
        }
        %mul3A_479 = arith.constant 50 : i32
        %mul3A_480 = arith.muli %add3A_292, %mul3A_479 : i32
        %add3A_481 = arith.addi %mul3A_480, %add3A_294 : i32
        %mul3A_482 = arith.constant 50 : i32
        %mul3A_483 = arith.muli %add3A_311, %mul3A_482 : i32
        %add3A_484 = arith.addi %mul3A_483, %add3A_313 : i32
        %ne3A_485 = arith.cmpi ne, %add3A_481, %add3A_484 : i32
        %or3A_486 = arith.constant false
        %or3A_487 = arith.ori %or3A_486, %ne3A_485 : i1
        %or3A_488 = arith.constant false
        %or3A_489 = arith.ori %or3A_487, %or3A_488 : i1
        %or3A_490 = arith.ori %or3A_489, %eq3A_288 : i1
        %convert_element_type3A_491 = arith.extui %or3A_490 : i1 to i32
        %cond3A_492 = arith.constant 0 : i32
        %cond3A_493 = arith.cmpi ne, %convert_element_type3A_491, %cond3A_492 : i32
        scf.if %cond3A_493 {
          "tpu.trace_start"() <{level = 10 : i32, message = "ep_wait_in"}> : () -> ()
          %mul3A_788 = arith.constant 50 : i32
          %mul3A_789 = arith.muli %add3A_292, %mul3A_788 : i32
          %add3A_790 = arith.addi %mul3A_789, %add3A_294 : i32
          %mul3A_791 = arith.constant 32 : i32
          %mul3A_792 = arith.muli %mul3A_791, %add3A_790 : i32
          %rem3A_793 = arith.constant 2 : i32
          %rem3A_794 = arith.remui %scan3A_282, %rem3A_793 : i32
          %dma_wait3A_795 = arith.constant 0 : i32
          %dma_wait3A_796 = arith.constant 0 : i32
          %dma_wait3A_797 = tpu.memref_slice %run_scoped3A_22[%rem3A_794, %dma_wait3A_795, %dma_wait3A_796] : memref<2x32x32xf32, #tpu.memory_space<vmem>> -> memref<1x32x32xf32, #tpu.memory_space<vmem>>
          %dma_wait3A_798 = tpu.memref_squeeze %dma_wait3A_797 : memref<1x32x32xf32, #tpu.memory_space<vmem>> -> memref<32x32xf32, #tpu.memory_space<vmem>>
          %dma_wait3A_799 = arith.constant 0 : i32
          %dma_wait3A_800 = tpu.memref_slice %arg4[%mul3A_792, %dma_wait3A_799] : memref<51200x32xf32, #tpu.memory_space<hbm>> -> memref<32x32xf32, #tpu.memory_space<hbm>>
          %dma_wait3A_801 = tpu.memref_slice %run_scoped3A_23[%rem3A_794] : memref<2x!tpu.dma_semaphore, #tpu.memory_space<semaphore_mem>> -> memref<1x!tpu.dma_semaphore, #tpu.memory_space<semaphore_mem>>
          %dma_wait3A_802 = tpu.memref_squeeze %dma_wait3A_801 : memref<1x!tpu.dma_semaphore, #tpu.memory_space<semaphore_mem>> -> memref<!tpu.dma_semaphore, #tpu.memory_space<semaphore_mem>>
          %dma_wait3A_803 = arith.constant 0 : i32
          %dma_wait3A_804 = arith.constant 0 : i32
          %dma_wait3A_805 = tpu.memref_slice %run_scoped3A_22[%rem3A_794, %dma_wait3A_803, %dma_wait3A_804] : memref<2x32x32xf32, #tpu.memory_space<vmem>> -> memref<1x32x32xf32, #tpu.memory_space<vmem>>
          %dma_wait3A_806 = tpu.memref_squeeze %dma_wait3A_805 : memref<1x32x32xf32, #tpu.memory_space<vmem>> -> memref<32x32xf32, #tpu.memory_space<vmem>>
          %dma_wait3A_807 = arith.constant 0 : i32
          %dma_wait3A_808 = tpu.memref_slice %arg4[%mul3A_792, %dma_wait3A_807] : memref<51200x32xf32, #tpu.memory_space<hbm>> -> memref<32x32xf32, #tpu.memory_space<hbm>>
          tpu.wait_dma2 semaphore(%dma_wait3A_802 : memref<!tpu.dma_semaphore, #tpu.memory_space<semaphore_mem>>) src(%dma_wait3A_808 : memref<32x32xf32, #tpu.memory_space<hbm>>) dst(%dma_wait3A_806 : memref<32x32xf32, #tpu.memory_space<vmem>>)
          "tpu.trace_stop"() : () -> ()
        } else {
        }
        %mul3A_494 = arith.constant 50 : i32
        %mul3A_495 = arith.muli %add3A_292, %mul3A_494 : i32
        %add3A_496 = arith.addi %mul3A_495, %add3A_294 : i32
        %mul3A_497 = arith.constant 50 : i32
        %mul3A_498 = arith.muli %add3A_311, %mul3A_497 : i32
        %add3A_499 = arith.addi %mul3A_498, %add3A_313 : i32
        %ne3A_500 = arith.cmpi ne, %add3A_496, %add3A_499 : i32
        %or3A_501 = arith.constant false
        %or3A_502 = arith.ori %or3A_501, %ne3A_500 : i1
        %or3A_503 = arith.constant false
        %or3A_504 = arith.ori %or3A_502, %or3A_503 : i1
        %or3A_505 = arith.ori %or3A_504, %eq3A_288 : i1
        %convert_element_type3A_506 = arith.extui %or3A_505 : i1 to i32
        %cond3A_507 = arith.constant 0 : i32
        %cond3A_508 = arith.cmpi ne, %convert_element_type3A_506, %cond3A_507 : i32
        scf.if %cond3A_508 {
        } else {
        }
        %rem3A_509 = arith.constant 2 : i32
        %rem3A_510 = arith.remui %scan3A_278, %rem3A_509 : i32
        %rem3A_511 = arith.constant 2 : i32
        %rem3A_512 = arith.remui %scan3A_280, %rem3A_511 : i32
        %rem3A_513 = arith.constant 2 : i32
        %rem3A_514 = arith.remui %scan3A_282, %rem3A_513 : i32
        %rem3A_515 = arith.constant 2 : i32
        %rem3A_516 = arith.remui %scan3A_283, %rem3A_515 : i32
        %get3A = arith.constant 0 : i32
        "tpu.trace_start"() <{level = 10 : i32, message = "ep_run_kernel"}> : () -> ()
        %get3A_517 = arith.index_cast %get3A : i32 to index
        %get3A_518 = memref.load %arg10[%get3A_517] : memref<1xi32, #tpu.memory_space<smem>>
        %rem3A_519 = arith.constant 2 : i32
        %rem3A_520 = arith.remsi %get3A_518, %rem3A_519 : i32
        %eq3A_521 = arith.constant 0 : i32
        %eq3A_522 = arith.cmpi eq, %get3A_518, %eq3A_521 : i32
        %eq3A_523 = arith.constant 49 : i32
        %eq3A_524 = arith.cmpi eq, %get3A_518, %eq3A_523 : i32
        %scan3A_525 = arith.constant 0 : i32
        %scan3A_526 = arith.constant 5 : i32
        %scan3A_527 = arith.addi %scan3A_525, %scan3A_526 : i32
        %scan3A_528 = arith.constant 1 : i32
        scf.for %scan3A_788 = %scan3A_525 to %scan3A_527 step %scan3A_528  : i32 {
          %mul3A_789 = arith.constant 1 : i32
          %mul3A_790 = arith.muli %scan3A_788, %mul3A_789 : i32
          %add3A_791 = arith.constant 0 : i32
          %add3A_792 = arith.addi %add3A_791, %mul3A_790 : i32
          %get3A_793 = arith.constant 0 : i32
          %get3A_794 = arith.constant 0 : i32
          %get3A_795 = tpu.memref_slice %run_scoped3A_20[%rem3A_512, %get3A_793, %get3A_794] : memref<2x5x128xi32, #tpu.memory_space<vmem>> -> memref<1x5x128xi32, #tpu.memory_space<vmem>>
          %get3A_796 = tpu.memref_squeeze %get3A_795 : memref<1x5x128xi32, #tpu.memory_space<vmem>> -> memref<5x128xi32, #tpu.memory_space<vmem>>
          %get3A_797 = arith.index_cast %add3A_792 : i32 to index
          %get3A_798 = arith.constant 0 : index
          %get3A_799 = tpu.vector_load %get3A_796[%get3A_797, %get3A_798] {strides = array<i32>} : memref<5x128xi32, #tpu.memory_space<vmem>>, vector<1x16xi32>,
          %get3A_800 = vector.shape_cast %get3A_799 : vector<1x16xi32> to vector<16xi32>
          %sub3A_801 = arith.constant 1 : i32
          %sub3A_802 = arith.subi %sub3A_801, %rem3A_520 : i32
          %mul3A_803 = arith.constant 128 : i32
          %mul3A_804 = arith.muli %add3A_792, %mul3A_803 : i32
          %add3A_805 = arith.constant 0 : i32
          %add3A_806 = arith.addi %mul3A_804, %add3A_805 : i32
          %swap3A_807 = arith.index_cast %sub3A_802 : i32 to index
          %swap3A_808 = arith.index_cast %add3A_806 : i32 to index
          %swap3A_809 = tpu.vector_load %arg9[%swap3A_807, %swap3A_808] {strides = array<i32>} : memref<2x640xi32, #tpu.memory_space<vmem>>, vector<1x16xi32>,
          %swap3A_810 = vector.shape_cast %swap3A_809 : vector<1x16xi32> to vector<16xi32>
          %swap3A_811 = vector.shape_cast %get3A_800 : vector<16xi32> to vector<1x16xi32>
          tpu.vector_store %arg9[%swap3A_807, %swap3A_808], %swap3A_811 {strides = array<i32>} : memref<2x640xi32, #tpu.memory_space<vmem>>, vector<1x16xi32>,
          %get3A_812 = arith.constant 0 : i32
          %get3A_813 = arith.constant 0 : i32
          %get3A_814 = tpu.memref_slice %run_scoped3A_20[%rem3A_512, %get3A_812, %get3A_813] : memref<2x5x128xi32, #tpu.memory_space<vmem>> -> memref<1x5x128xi32, #tpu.memory_space<vmem>>
          %get3A_815 = tpu.memref_squeeze %get3A_814 : memref<1x5x128xi32, #tpu.memory_space<vmem>> -> memref<5x128xi32, #tpu.memory_space<vmem>>
          %get3A_816 = arith.index_cast %add3A_792 : i32 to index
          %get3A_817 = arith.constant 16 : index
          %get3A_818 = tpu.vector_load %get3A_815[%get3A_816, %get3A_817] {strides = array<i32>} : memref<5x128xi32, #tpu.memory_space<vmem>>, vector<1x16xi32>,
          %get3A_819 = vector.shape_cast %get3A_818 : vector<1x16xi32> to vector<16xi32>
          %sub3A_820 = arith.constant 1 : i32
          %sub3A_821 = arith.subi %sub3A_820, %rem3A_520 : i32
          %mul3A_822 = arith.constant 128 : i32
          %mul3A_823 = arith.muli %add3A_792, %mul3A_822 : i32
          %add3A_824 = arith.constant 16 : i32
          %add3A_825 = arith.addi %mul3A_823, %add3A_824 : i32
          %swap3A_826 = arith.index_cast %sub3A_821 : i32 to index
          %swap3A_827 = arith.index_cast %add3A_825 : i32 to index
          %swap3A_828 = tpu.vector_load %arg9[%swap3A_826, %swap3A_827] {strides = array<i32>} : memref<2x640xi32, #tpu.memory_space<vmem>>, vector<1x16xi32>,
          %swap3A_829 = vector.shape_cast %swap3A_828 : vector<1x16xi32> to vector<16xi32>
          %swap3A_830 = vector.shape_cast %get3A_819 : vector<16xi32> to vector<1x16xi32>
          tpu.vector_store %arg9[%swap3A_826, %swap3A_827], %swap3A_830 {strides = array<i32>} : memref<2x640xi32, #tpu.memory_space<vmem>>, vector<1x16xi32>,
          %get3A_831 = arith.constant 0 : i32
          %get3A_832 = arith.constant 0 : i32
          %get3A_833 = tpu.memref_slice %run_scoped3A_20[%rem3A_512, %get3A_831, %get3A_832] : memref<2x5x128xi32, #tpu.memory_space<vmem>> -> memref<1x5x128xi32, #tpu.memory_space<vmem>>
          %get3A_834 = tpu.memref_squeeze %get3A_833 : memref<1x5x128xi32, #tpu.memory_space<vmem>> -> memref<5x128xi32, #tpu.memory_space<vmem>>
          %get3A_835 = arith.index_cast %add3A_792 : i32 to index
          %get3A_836 = arith.constant 32 : index
          %get3A_837 = tpu.vector_load %get3A_834[%get3A_835, %get3A_836] {strides = array<i32>} : memref<5x128xi32, #tpu.memory_space<vmem>>, vector<1x16xi32>,
          %get3A_838 = vector.shape_cast %get3A_837 : vector<1x16xi32> to vector<16xi32>
          %sub3A_839 = arith.constant 1 : i32
          %sub3A_840 = arith.subi %sub3A_839, %rem3A_520 : i32
          %mul3A_841 = arith.constant 128 : i32
          %mul3A_842 = arith.muli %add3A_792, %mul3A_841 : i32
          %add3A_843 = arith.constant 32 : i32
          %add3A_844 = arith.addi %mul3A_842, %add3A_843 : i32
          %swap3A_845 = arith.index_cast %sub3A_840 : i32 to index
          %swap3A_846 = arith.index_cast %add3A_844 : i32 to index
          %swap3A_847 = tpu.vector_load %arg9[%swap3A_845, %swap3A_846] {strides = array<i32>} : memref<2x640xi32, #tpu.memory_space<vmem>>, vector<1x16xi32>,
          %swap3A_848 = vector.shape_cast %swap3A_847 : vector<1x16xi32> to vector<16xi32>
          %swap3A_849 = vector.shape_cast %get3A_838 : vector<16xi32> to vector<1x16xi32>
          tpu.vector_store %arg9[%swap3A_845, %swap3A_846], %swap3A_849 {strides = array<i32>} : memref<2x640xi32, #tpu.memory_space<vmem>>, vector<1x16xi32>,
          %get3A_850 = arith.constant 0 : i32
          %get3A_851 = arith.constant 0 : i32
          %get3A_852 = tpu.memref_slice %run_scoped3A_20[%rem3A_512, %get3A_850, %get3A_851] : memref<2x5x128xi32, #tpu.memory_space<vmem>> -> memref<1x5x128xi32, #tpu.memory_space<vmem>>
          %get3A_853 = tpu.memref_squeeze %get3A_852 : memref<1x5x128xi32, #tpu.memory_space<vmem>> -> memref<5x128xi32, #tpu.memory_space<vmem>>
          %get3A_854 = arith.index_cast %add3A_792 : i32 to index
          %get3A_855 = arith.constant 48 : index
          %get3A_856 = tpu.vector_load %get3A_853[%get3A_854, %get3A_855] {strides = array<i32>} : memref<5x128xi32, #tpu.memory_space<vmem>>, vector<1x16xi32>,
          %get3A_857 = vector.shape_cast %get3A_856 : vector<1x16xi32> to vector<16xi32>
          %sub3A_858 = arith.constant 1 : i32
          %sub3A_859 = arith.subi %sub3A_858, %rem3A_520 : i32
          %mul3A_860 = arith.constant 128 : i32
          %mul3A_861 = arith.muli %add3A_792, %mul3A_860 : i32
          %add3A_862 = arith.constant 48 : i32
          %add3A_863 = arith.addi %mul3A_861, %add3A_862 : i32
          %swap3A_864 = arith.index_cast %sub3A_859 : i32 to index
          %swap3A_865 = arith.index_cast %add3A_863 : i32 to index
          %swap3A_866 = tpu.vector_load %arg9[%swap3A_864, %swap3A_865] {strides = array<i32>} : memref<2x640xi32, #tpu.memory_space<vmem>>, vector<1x16xi32>,
          %swap3A_867 = vector.shape_cast %swap3A_866 : vector<1x16xi32> to vector<16xi32>
          %swap3A_868 = vector.shape_cast %get3A_857 : vector<16xi32> to vector<1x16xi32>
          tpu.vector_store %arg9[%swap3A_864, %swap3A_865], %swap3A_868 {strides = array<i32>} : memref<2x640xi32, #tpu.memory_space<vmem>>, vector<1x16xi32>,
          %get3A_869 = arith.constant 0 : i32
          %get3A_870 = arith.constant 0 : i32
          %get3A_871 = tpu.memref_slice %run_scoped3A_20[%rem3A_512, %get3A_869, %get3A_870] : memref<2x5x128xi32, #tpu.memory_space<vmem>> -> memref<1x5x128xi32, #tpu.memory_space<vmem>>
          %get3A_872 = tpu.memref_squeeze %get3A_871 : memref<1x5x128xi32, #tpu.memory_space<vmem>> -> memref<5x128xi32, #tpu.memory_space<vmem>>
          %get3A_873 = arith.index_cast %add3A_792 : i32 to index
          %get3A_874 = arith.constant 64 : index
          %get3A_875 = tpu.vector_load %get3A_872[%get3A_873, %get3A_874] {strides = array<i32>} : memref<5x128xi32, #tpu.memory_space<vmem>>, vector<1x16xi32>,
          %get3A_876 = vector.shape_cast %get3A_875 : vector<1x16xi32> to vector<16xi32>
          %sub3A_877 = arith.constant 1 : i32
          %sub3A_878 = arith.subi %sub3A_877, %rem3A_520 : i32
          %mul3A_879 = arith.constant 128 : i32
          %mul3A_880 = arith.muli %add3A_792, %mul3A_879 : i32
          %add3A_881 = arith.constant 64 : i32
          %add3A_882 = arith.addi %mul3A_880, %add3A_881 : i32
          %swap3A_883 = arith.index_cast %sub3A_878 : i32 to index
          %swap3A_884 = arith.index_cast %add3A_882 : i32 to index
          %swap3A_885 = tpu.vector_load %arg9[%swap3A_883, %swap3A_884] {strides = array<i32>} : memref<2x640xi32, #tpu.memory_space<vmem>>, vector<1x16xi32>,
          %swap3A_886 = vector.shape_cast %swap3A_885 : vector<1x16xi32> to vector<16xi32>
          %swap3A_887 = vector.shape_cast %get3A_876 : vector<16xi32> to vector<1x16xi32>
          tpu.vector_store %arg9[%swap3A_883, %swap3A_884], %swap3A_887 {strides = array<i32>} : memref<2x640xi32, #tpu.memory_space<vmem>>, vector<1x16xi32>,
          %get3A_888 = arith.constant 0 : i32
          %get3A_889 = arith.constant 0 : i32
          %get3A_890 = tpu.memref_slice %run_scoped3A_20[%rem3A_512, %get3A_888, %get3A_889] : memref<2x5x128xi32, #tpu.memory_space<vmem>> -> memref<1x5x128xi32, #tpu.memory_space<vmem>>
          %get3A_891 = tpu.memref_squeeze %get3A_890 : memref<1x5x128xi32, #tpu.memory_space<vmem>> -> memref<5x128xi32, #tpu.memory_space<vmem>>
          %get3A_892 = arith.index_cast %add3A_792 : i32 to index
          %get3A_893 = arith.constant 80 : index
          %get3A_894 = tpu.vector_load %get3A_891[%get3A_892, %get3A_893] {strides = array<i32>} : memref<5x128xi32, #tpu.memory_space<vmem>>, vector<1x16xi32>,
          %get3A_895 = vector.shape_cast %get3A_894 : vector<1x16xi32> to vector<16xi32>
          %sub3A_896 = arith.constant 1 : i32
          %sub3A_897 = arith.subi %sub3A_896, %rem3A_520 : i32
          %mul3A_898 = arith.constant 128 : i32
          %mul3A_899 = arith.muli %add3A_792, %mul3A_898 : i32
          %add3A_900 = arith.constant 80 : i32
          %add3A_901 = arith.addi %mul3A_899, %add3A_900 : i32
          %swap3A_902 = arith.index_cast %sub3A_897 : i32 to index
          %swap3A_903 = arith.index_cast %add3A_901 : i32 to index
          %swap3A_904 = tpu.vector_load %arg9[%swap3A_902, %swap3A_903] {strides = array<i32>} : memref<2x640xi32, #tpu.memory_space<vmem>>, vector<1x16xi32>,
          %swap3A_905 = vector.shape_cast %swap3A_904 : vector<1x16xi32> to vector<16xi32>
          %swap3A_906 = vector.shape_cast %get3A_895 : vector<16xi32> to vector<1x16xi32>
          tpu.vector_store %arg9[%swap3A_902, %swap3A_903], %swap3A_906 {strides = array<i32>} : memref<2x640xi32, #tpu.memory_space<vmem>>, vector<1x16xi32>,
          %get3A_907 = arith.constant 0 : i32
          %get3A_908 = arith.constant 0 : i32
          %get3A_909 = tpu.memref_slice %run_scoped3A_20[%rem3A_512, %get3A_907, %get3A_908] : memref<2x5x128xi32, #tpu.memory_space<vmem>> -> memref<1x5x128xi32, #tpu.memory_space<vmem>>
          %get3A_910 = tpu.memref_squeeze %get3A_909 : memref<1x5x128xi32, #tpu.memory_space<vmem>> -> memref<5x128xi32, #tpu.memory_space<vmem>>
          %get3A_911 = arith.index_cast %add3A_792 : i32 to index
          %get3A_912 = arith.constant 96 : index
          %get3A_913 = tpu.vector_load %get3A_910[%get3A_911, %get3A_912] {strides = array<i32>} : memref<5x128xi32, #tpu.memory_space<vmem>>, vector<1x16xi32>,
          %get3A_914 = vector.shape_cast %get3A_913 : vector<1x16xi32> to vector<16xi32>
          %sub3A_915 = arith.constant 1 : i32
          %sub3A_916 = arith.subi %sub3A_915, %rem3A_520 : i32
          %mul3A_917 = arith.constant 128 : i32
          %mul3A_918 = arith.muli %add3A_792, %mul3A_917 : i32
          %add3A_919 = arith.constant 96 : i32
          %add3A_920 = arith.addi %mul3A_918, %add3A_919 : i32
          %swap3A_921 = arith.index_cast %sub3A_916 : i32 to index
          %swap3A_922 = arith.index_cast %add3A_920 : i32 to index
          %swap3A_923 = tpu.vector_load %arg9[%swap3A_921, %swap3A_922] {strides = array<i32>} : memref<2x640xi32, #tpu.memory_space<vmem>>, vector<1x16xi32>,
          %swap3A_924 = vector.shape_cast %swap3A_923 : vector<1x16xi32> to vector<16xi32>
          %swap3A_925 = vector.shape_cast %get3A_914 : vector<16xi32> to vector<1x16xi32>
          tpu.vector_store %arg9[%swap3A_921, %swap3A_922], %swap3A_925 {strides = array<i32>} : memref<2x640xi32, #tpu.memory_space<vmem>>, vector<1x16xi32>,
          %get3A_926 = arith.constant 0 : i32
          %get3A_927 = arith.constant 0 : i32
          %get3A_928 = tpu.memref_slice %run_scoped3A_20[%rem3A_512, %get3A_926, %get3A_927] : memref<2x5x128xi32, #tpu.memory_space<vmem>> -> memref<1x5x128xi32, #tpu.memory_space<vmem>>
          %get3A_929 = tpu.memref_squeeze %get3A_928 : memref<1x5x128xi32, #tpu.memory_space<vmem>> -> memref<5x128xi32, #tpu.memory_space<vmem>>
          %get3A_930 = arith.index_cast %add3A_792 : i32 to index
          %get3A_931 = arith.constant 112 : index
          %get3A_932 = tpu.vector_load %get3A_929[%get3A_930, %get3A_931] {strides = array<i32>} : memref<5x128xi32, #tpu.memory_space<vmem>>, vector<1x16xi32>,
          %get3A_933 = vector.shape_cast %get3A_932 : vector<1x16xi32> to vector<16xi32>
          %sub3A_934 = arith.constant 1 : i32
          %sub3A_935 = arith.subi %sub3A_934, %rem3A_520 : i32
          %mul3A_936 = arith.constant 128 : i32
          %mul3A_937 = arith.muli %add3A_792, %mul3A_936 : i32
          %add3A_938 = arith.constant 112 : i32
          %add3A_939 = arith.addi %mul3A_937, %add3A_938 : i32
          %swap3A_940 = arith.index_cast %sub3A_935 : i32 to index
          %swap3A_941 = arith.index_cast %add3A_939 : i32 to index
          %swap3A_942 = tpu.vector_load %arg9[%swap3A_940, %swap3A_941] {strides = array<i32>} : memref<2x640xi32, #tpu.memory_space<vmem>>, vector<1x16xi32>,
          %swap3A_943 = vector.shape_cast %swap3A_942 : vector<1x16xi32> to vector<16xi32>
          %swap3A_944 = vector.shape_cast %get3A_933 : vector<16xi32> to vector<1x16xi32>
          tpu.vector_store %arg9[%swap3A_940, %swap3A_941], %swap3A_944 {strides = array<i32>} : memref<2x640xi32, #tpu.memory_space<vmem>>, vector<1x16xi32>,
        }
        %scan3A_529 = arith.constant 5 : i32
        %convert_element_type3A_530 = arith.extui %eq3A_522 : i1 to i32
        %cond3A_531 = arith.constant 0 : i32
        %cond3A_532 = arith.cmpi ne, %convert_element_type3A_530, %cond3A_531 : i32
        scf.if %cond3A_532 {
          %scan3A_788 = arith.constant 0 : i32
          %scan3A_789 = arith.constant 5 : i32
          %scan3A_790 = arith.addi %scan3A_788, %scan3A_789 : i32
          %scan3A_791 = arith.constant 1 : i32
          scf.for %scan3A_933 = %scan3A_788 to %scan3A_790 step %scan3A_791  : i32 {
            %mul3A_934 = arith.constant 1 : i32
            %mul3A_935 = arith.muli %scan3A_933, %mul3A_934 : i32
            %add3A_936 = arith.constant 0 : i32
            %add3A_937 = arith.addi %add3A_936, %mul3A_935 : i32
            %get3A_938 = arith.constant 0 : i32
            %get3A_939 = arith.constant 0 : i32
            %get3A_940 = tpu.memref_slice %run_scoped3A[%rem3A_510, %get3A_938, %get3A_939] : memref<2x5x128xi32, #tpu.memory_space<vmem>> -> memref<1x5x128xi32, #tpu.memory_space<vmem>>
            %get3A_941 = tpu.memref_squeeze %get3A_940 : memref<1x5x128xi32, #tpu.memory_space<vmem>> -> memref<5x128xi32, #tpu.memory_space<vmem>>
            %get3A_942 = arith.index_cast %add3A_937 : i32 to index
            %get3A_943 = arith.constant 0 : index
            %get3A_944 = tpu.vector_load %get3A_941[%get3A_942, %get3A_943] {strides = array<i32>} : memref<5x128xi32, #tpu.memory_space<vmem>>, vector<1x16xi32>,
            %get3A_945 = vector.shape_cast %get3A_944 : vector<1x16xi32> to vector<16xi32>
            %mul3A_946 = arith.constant 128 : i32
            %mul3A_947 = arith.muli %add3A_937, %mul3A_946 : i32
            %add3A_948 = arith.constant 0 : i32
            %add3A_949 = arith.addi %mul3A_947, %add3A_948 : i32
            %swap3A_950 = arith.constant 0 : i32
            %swap3A_951 = arith.index_cast %swap3A_950 : i32 to index
            %swap3A_952 = arith.index_cast %add3A_949 : i32 to index
            %swap3A_953 = tpu.vector_load %arg9[%swap3A_951, %swap3A_952] {strides = array<i32>} : memref<2x640xi32, #tpu.memory_space<vmem>>, vector<1x16xi32>,
            %swap3A_954 = vector.shape_cast %swap3A_953 : vector<1x16xi32> to vector<16xi32>
            %swap3A_955 = vector.shape_cast %get3A_945 : vector<16xi32> to vector<1x16xi32>
            tpu.vector_store %arg9[%swap3A_951, %swap3A_952], %swap3A_955 {strides = array<i32>} : memref<2x640xi32, #tpu.memory_space<vmem>>, vector<1x16xi32>,
            %get3A_956 = arith.constant 0 : i32
            %get3A_957 = arith.constant 0 : i32
            %get3A_958 = tpu.memref_slice %run_scoped3A[%rem3A_510, %get3A_956, %get3A_957] : memref<2x5x128xi32, #tpu.memory_space<vmem>> -> memref<1x5x128xi32, #tpu.memory_space<vmem>>
            %get3A_959 = tpu.memref_squeeze %get3A_958 : memref<1x5x128xi32, #tpu.memory_space<vmem>> -> memref<5x128xi32, #tpu.memory_space<vmem>>
            %get3A_960 = arith.index_cast %add3A_937 : i32 to index
            %get3A_961 = arith.constant 16 : index
            %get3A_962 = tpu.vector_load %get3A_959[%get3A_960, %get3A_961] {strides = array<i32>} : memref<5x128xi32, #tpu.memory_space<vmem>>, vector<1x16xi32>,
            %get3A_963 = vector.shape_cast %get3A_962 : vector<1x16xi32> to vector<16xi32>
            %mul3A_964 = arith.constant 128 : i32
            %mul3A_965 = arith.muli %add3A_937, %mul3A_964 : i32
            %add3A_966 = arith.constant 16 : i32
            %add3A_967 = arith.addi %mul3A_965, %add3A_966 : i32
            %swap3A_968 = arith.constant 0 : i32
            %swap3A_969 = arith.index_cast %swap3A_968 : i32 to index
            %swap3A_970 = arith.index_cast %add3A_967 : i32 to index
            %swap3A_971 = tpu.vector_load %arg9[%swap3A_969, %swap3A_970] {strides = array<i32>} : memref<2x640xi32, #tpu.memory_space<vmem>>, vector<1x16xi32>,
            %swap3A_972 = vector.shape_cast %swap3A_971 : vector<1x16xi32> to vector<16xi32>
            %swap3A_973 = vector.shape_cast %get3A_963 : vector<16xi32> to vector<1x16xi32>
            tpu.vector_store %arg9[%swap3A_969, %swap3A_970], %swap3A_973 {strides = array<i32>} : memref<2x640xi32, #tpu.memory_space<vmem>>, vector<1x16xi32>,
            %get3A_974 = arith.constant 0 : i32
            %get3A_975 = arith.constant 0 : i32
            %get3A_976 = tpu.memref_slice %run_scoped3A[%rem3A_510, %get3A_974, %get3A_975] : memref<2x5x128xi32, #tpu.memory_space<vmem>> -> memref<1x5x128xi32, #tpu.memory_space<vmem>>
            %get3A_977 = tpu.memref_squeeze %get3A_976 : memref<1x5x128xi32, #tpu.memory_space<vmem>> -> memref<5x128xi32, #tpu.memory_space<vmem>>
            %get3A_978 = arith.index_cast %add3A_937 : i32 to index
            %get3A_979 = arith.constant 32 : index
            %get3A_980 = tpu.vector_load %get3A_977[%get3A_978, %get3A_979] {strides = array<i32>} : memref<5x128xi32, #tpu.memory_space<vmem>>, vector<1x16xi32>,
            %get3A_981 = vector.shape_cast %get3A_980 : vector<1x16xi32> to vector<16xi32>
            %mul3A_982 = arith.constant 128 : i32
            %mul3A_983 = arith.muli %add3A_937, %mul3A_982 : i32
            %add3A_984 = arith.constant 32 : i32
            %add3A_985 = arith.addi %mul3A_983, %add3A_984 : i32
            %swap3A_986 = arith.constant 0 : i32
            %swap3A_987 = arith.index_cast %swap3A_986 : i32 to index
            %swap3A_988 = arith.index_cast %add3A_985 : i32 to index
            %swap3A_989 = tpu.vector_load %arg9[%swap3A_987, %swap3A_988] {strides = array<i32>} : memref<2x640xi32, #tpu.memory_space<vmem>>, vector<1x16xi32>,
            %swap3A_990 = vector.shape_cast %swap3A_989 : vector<1x16xi32> to vector<16xi32>
            %swap3A_991 = vector.shape_cast %get3A_981 : vector<16xi32> to vector<1x16xi32>
            tpu.vector_store %arg9[%swap3A_987, %swap3A_988], %swap3A_991 {strides = array<i32>} : memref<2x640xi32, #tpu.memory_space<vmem>>, vector<1x16xi32>,
            %get3A_992 = arith.constant 0 : i32
            %get3A_993 = arith.constant 0 : i32
            %get3A_994 = tpu.memref_slice %run_scoped3A[%rem3A_510, %get3A_992, %get3A_993] : memref<2x5x128xi32, #tpu.memory_space<vmem>> -> memref<1x5x128xi32, #tpu.memory_space<vmem>>
            %get3A_995 = tpu.memref_squeeze %get3A_994 : memref<1x5x128xi32, #tpu.memory_space<vmem>> -> memref<5x128xi32, #tpu.memory_space<vmem>>
            %get3A_996 = arith.index_cast %add3A_937 : i32 to index
            %get3A_997 = arith.constant 48 : index
            %get3A_998 = tpu.vector_load %get3A_995[%get3A_996, %get3A_997] {strides = array<i32>} : memref<5x128xi32, #tpu.memory_space<vmem>>, vector<1x16xi32>,
            %get3A_999 = vector.shape_cast %get3A_998 : vector<1x16xi32> to vector<16xi32>
            %mul3A_1000 = arith.constant 128 : i32
            %mul3A_1001 = arith.muli %add3A_937, %mul3A_1000 : i32
            %add3A_1002 = arith.constant 48 : i32
            %add3A_1003 = arith.addi %mul3A_1001, %add3A_1002 : i32
            %swap3A_1004 = arith.constant 0 : i32
            %swap3A_1005 = arith.index_cast %swap3A_1004 : i32 to index
            %swap3A_1006 = arith.index_cast %add3A_1003 : i32 to index
            %swap3A_1007 = tpu.vector_load %arg9[%swap3A_1005, %swap3A_1006] {strides = array<i32>} : memref<2x640xi32, #tpu.memory_space<vmem>>, vector<1x16xi32>,
            %swap3A_1008 = vector.shape_cast %swap3A_1007 : vector<1x16xi32> to vector<16xi32>
            %swap3A_1009 = vector.shape_cast %get3A_999 : vector<16xi32> to vector<1x16xi32>
            tpu.vector_store %arg9[%swap3A_1005, %swap3A_1006], %swap3A_1009 {strides = array<i32>} : memref<2x640xi32, #tpu.memory_space<vmem>>, vector<1x16xi32>,
            %get3A_1010 = arith.constant 0 : i32
            %get3A_1011 = arith.constant 0 : i32
            %get3A_1012 = tpu.memref_slice %run_scoped3A[%rem3A_510, %get3A_1010, %get3A_1011] : memref<2x5x128xi32, #tpu.memory_space<vmem>> -> memref<1x5x128xi32, #tpu.memory_space<vmem>>
            %get3A_1013 = tpu.memref_squeeze %get3A_1012 : memref<1x5x128xi32, #tpu.memory_space<vmem>> -> memref<5x128xi32, #tpu.memory_space<vmem>>
            %get3A_1014 = arith.index_cast %add3A_937 : i32 to index
            %get3A_1015 = arith.constant 64 : index
            %get3A_1016 = tpu.vector_load %get3A_1013[%get3A_1014, %get3A_1015] {strides = array<i32>} : memref<5x128xi32, #tpu.memory_space<vmem>>, vector<1x16xi32>,
            %get3A_1017 = vector.shape_cast %get3A_1016 : vector<1x16xi32> to vector<16xi32>
            %mul3A_1018 = arith.constant 128 : i32
            %mul3A_1019 = arith.muli %add3A_937, %mul3A_1018 : i32
            %add3A_1020 = arith.constant 64 : i32
            %add3A_1021 = arith.addi %mul3A_1019, %add3A_1020 : i32
            %swap3A_1022 = arith.constant 0 : i32
            %swap3A_1023 = arith.index_cast %swap3A_1022 : i32 to index
            %swap3A_1024 = arith.index_cast %add3A_1021 : i32 to index
            %swap3A_1025 = tpu.vector_load %arg9[%swap3A_1023, %swap3A_1024] {strides = array<i32>} : memref<2x640xi32, #tpu.memory_space<vmem>>, vector<1x16xi32>,
            %swap3A_1026 = vector.shape_cast %swap3A_1025 : vector<1x16xi32> to vector<16xi32>
            %swap3A_1027 = vector.shape_cast %get3A_1017 : vector<16xi32> to vector<1x16xi32>
            tpu.vector_store %arg9[%swap3A_1023, %swap3A_1024], %swap3A_1027 {strides = array<i32>} : memref<2x640xi32, #tpu.memory_space<vmem>>, vector<1x16xi32>,
            %get3A_1028 = arith.constant 0 : i32
            %get3A_1029 = arith.constant 0 : i32
            %get3A_1030 = tpu.memref_slice %run_scoped3A[%rem3A_510, %get3A_1028, %get3A_1029] : memref<2x5x128xi32, #tpu.memory_space<vmem>> -> memref<1x5x128xi32, #tpu.memory_space<vmem>>
            %get3A_1031 = tpu.memref_squeeze %get3A_1030 : memref<1x5x128xi32, #tpu.memory_space<vmem>> -> memref<5x128xi32, #tpu.memory_space<vmem>>
            %get3A_1032 = arith.index_cast %add3A_937 : i32 to index
            %get3A_1033 = arith.constant 80 : index
            %get3A_1034 = tpu.vector_load %get3A_1031[%get3A_1032, %get3A_1033] {strides = array<i32>} : memref<5x128xi32, #tpu.memory_space<vmem>>, vector<1x16xi32>,
            %get3A_1035 = vector.shape_cast %get3A_1034 : vector<1x16xi32> to vector<16xi32>
            %mul3A_1036 = arith.constant 128 : i32
            %mul3A_1037 = arith.muli %add3A_937, %mul3A_1036 : i32
            %add3A_1038 = arith.constant 80 : i32
            %add3A_1039 = arith.addi %mul3A_1037, %add3A_1038 : i32
            %swap3A_1040 = arith.constant 0 : i32
            %swap3A_1041 = arith.index_cast %swap3A_1040 : i32 to index
            %swap3A_1042 = arith.index_cast %add3A_1039 : i32 to index
            %swap3A_1043 = tpu.vector_load %arg9[%swap3A_1041, %swap3A_1042] {strides = array<i32>} : memref<2x640xi32, #tpu.memory_space<vmem>>, vector<1x16xi32>,
            %swap3A_1044 = vector.shape_cast %swap3A_1043 : vector<1x16xi32> to vector<16xi32>
            %swap3A_1045 = vector.shape_cast %get3A_1035 : vector<16xi32> to vector<1x16xi32>
            tpu.vector_store %arg9[%swap3A_1041, %swap3A_1042], %swap3A_1045 {strides = array<i32>} : memref<2x640xi32, #tpu.memory_space<vmem>>, vector<1x16xi32>,
            %get3A_1046 = arith.constant 0 : i32
            %get3A_1047 = arith.constant 0 : i32
            %get3A_1048 = tpu.memref_slice %run_scoped3A[%rem3A_510, %get3A_1046, %get3A_1047] : memref<2x5x128xi32, #tpu.memory_space<vmem>> -> memref<1x5x128xi32, #tpu.memory_space<vmem>>
            %get3A_1049 = tpu.memref_squeeze %get3A_1048 : memref<1x5x128xi32, #tpu.memory_space<vmem>> -> memref<5x128xi32, #tpu.memory_space<vmem>>
            %get3A_1050 = arith.index_cast %add3A_937 : i32 to index
            %get3A_1051 = arith.constant 96 : index
            %get3A_1052 = tpu.vector_load %get3A_1049[%get3A_1050, %get3A_1051] {strides = array<i32>} : memref<5x128xi32, #tpu.memory_space<vmem>>, vector<1x16xi32>,
            %get3A_1053 = vector.shape_cast %get3A_1052 : vector<1x16xi32> to vector<16xi32>
            %mul3A_1054 = arith.constant 128 : i32
            %mul3A_1055 = arith.muli %add3A_937, %mul3A_1054 : i32
            %add3A_1056 = arith.constant 96 : i32
            %add3A_1057 = arith.addi %mul3A_1055, %add3A_1056 : i32
            %swap3A_1058 = arith.constant 0 : i32
            %swap3A_1059 = arith.index_cast %swap3A_1058 : i32 to index
            %swap3A_1060 = arith.index_cast %add3A_1057 : i32 to index
            %swap3A_1061 = tpu.vector_load %arg9[%swap3A_1059, %swap3A_1060] {strides = array<i32>} : memref<2x640xi32, #tpu.memory_space<vmem>>, vector<1x16xi32>,
            %swap3A_1062 = vector.shape_cast %swap3A_1061 : vector<1x16xi32> to vector<16xi32>
            %swap3A_1063 = vector.shape_cast %get3A_1053 : vector<16xi32> to vector<1x16xi32>
            tpu.vector_store %arg9[%swap3A_1059, %swap3A_1060], %swap3A_1063 {strides = array<i32>} : memref<2x640xi32, #tpu.memory_space<vmem>>, vector<1x16xi32>,
            %get3A_1064 = arith.constant 0 : i32
            %get3A_1065 = arith.constant 0 : i32
            %get3A_1066 = tpu.memref_slice %run_scoped3A[%rem3A_510, %get3A_1064, %get3A_1065] : memref<2x5x128xi32, #tpu.memory_space<vmem>> -> memref<1x5x128xi32, #tpu.memory_space<vmem>>
            %get3A_1067 = tpu.memref_squeeze %get3A_1066 : memref<1x5x128xi32, #tpu.memory_space<vmem>> -> memref<5x128xi32, #tpu.memory_space<vmem>>
            %get3A_1068 = arith.index_cast %add3A_937 : i32 to index
            %get3A_1069 = arith.constant 112 : index
            %get3A_1070 = tpu.vector_load %get3A_1067[%get3A_1068, %get3A_1069] {strides = array<i32>} : memref<5x128xi32, #tpu.memory_space<vmem>>, vector<1x16xi32>,
            %get3A_1071 = vector.shape_cast %get3A_1070 : vector<1x16xi32> to vector<16xi32>
            %mul3A_1072 = arith.constant 128 : i32
            %mul3A_1073 = arith.muli %add3A_937, %mul3A_1072 : i32
            %add3A_1074 = arith.constant 112 : i32
            %add3A_1075 = arith.addi %mul3A_1073, %add3A_1074 : i32
            %swap3A_1076 = arith.constant 0 : i32
            %swap3A_1077 = arith.index_cast %swap3A_1076 : i32 to index
            %swap3A_1078 = arith.index_cast %add3A_1075 : i32 to index
            %swap3A_1079 = tpu.vector_load %arg9[%swap3A_1077, %swap3A_1078] {strides = array<i32>} : memref<2x640xi32, #tpu.memory_space<vmem>>, vector<1x16xi32>,
            %swap3A_1080 = vector.shape_cast %swap3A_1079 : vector<1x16xi32> to vector<16xi32>
            %swap3A_1081 = vector.shape_cast %get3A_1071 : vector<16xi32> to vector<1x16xi32>
            tpu.vector_store %arg9[%swap3A_1077, %swap3A_1078], %swap3A_1081 {strides = array<i32>} : memref<2x640xi32, #tpu.memory_space<vmem>>, vector<1x16xi32>,
          }
          %scan3A_792 = arith.constant 5 : i32
          %dma_start3A_793 = arith.constant 0 : i32
          %dma_start3A_794 = arith.constant 0 : i32
          %dma_start3A_795 = arith.constant 0 : i32
          %dma_start3A_796 = arith.constant 0 : i32
          %dma_start3A_797 = tpu.memref_slice %arg8[%dma_start3A_794, %dma_start3A_795, %dma_start3A_796] : memref<2x640x64xf32, #tpu.memory_space<vmem>> -> memref<1x128x64xf32, #tpu.memory_space<vmem>>
          %dma_start3A_798 = tpu.memref_squeeze %dma_start3A_797 : memref<1x128x64xf32, #tpu.memory_space<vmem>> -> memref<128x64xf32, #tpu.memory_space<vmem>>
          %dma_start3A_799 = arith.constant 0 : i32
          %dma_start3A_800 = tpu.memref_slice %arg9[%dma_start3A_793, %dma_start3A_799] : memref<2x640xi32, #tpu.memory_space<vmem>> -> memref<1x640xi32, #tpu.memory_space<vmem>>
          %dma_start3A_801 = tpu.memref_squeeze %dma_start3A_800 : memref<1x640xi32, #tpu.memory_space<vmem>> -> memref<640xi32, #tpu.memory_space<vmem>>
          %dma_start3A_802 = arith.constant 0 : i32
          %dma_start3A_803 = tpu.memref_slice %dma_start3A_801[%dma_start3A_802] : memref<640xi32, #tpu.memory_space<vmem>> -> memref<128xi32, #tpu.memory_space<vmem>>
          %dma_start3A_804 = arith.constant 0 : i32
          %dma_start3A_805 = arith.constant 0 : i32
          %dma_start3A_806 = tpu.memref_slice %arg5[%dma_start3A_804, %dma_start3A_805] : memref<1000000x64xf32, #tpu.memory_space<hbm>> -> memref<1000000x64xf32, #tpu.memory_space<hbm>>
          tpu.enqueue_indirect_dma source(%dma_start3A_806 : memref<1000000x64xf32, #tpu.memory_space<hbm>>) target(%dma_start3A_798 : memref<128x64xf32, #tpu.memory_space<vmem>>) offsets(%dma_start3A_803 : memref<128xi32, #tpu.memory_space<vmem>>) semaphore(%arg11 : memref<!tpu.dma_semaphore, #tpu.memory_space<semaphore_mem>>)
          %dma_wait3A_807 = arith.constant 0 : i32
          %dma_wait3A_808 = arith.constant 0 : i32
          %dma_wait3A_809 = arith.constant 0 : i32
          %dma_wait3A_810 = arith.constant 0 : i32
          %dma_wait3A_811 = tpu.memref_slice %arg8[%dma_wait3A_808, %dma_wait3A_809, %dma_wait3A_810] : memref<2x640x64xf32, #tpu.memory_space<vmem>> -> memref<1x128x64xf32, #tpu.memory_space<vmem>>
          %dma_wait3A_812 = tpu.memref_squeeze %dma_wait3A_811 : memref<1x128x64xf32, #tpu.memory_space<vmem>> -> memref<128x64xf32, #tpu.memory_space<vmem>>
          %dma_wait3A_813 = arith.constant 0 : i32
          %dma_wait3A_814 = tpu.memref_slice %arg9[%dma_wait3A_807, %dma_wait3A_813] : memref<2x640xi32, #tpu.memory_space<vmem>> -> memref<1x640xi32, #tpu.memory_space<vmem>>
          %dma_wait3A_815 = tpu.memref_squeeze %dma_wait3A_814 : memref<1x640xi32, #tpu.memory_space<vmem>> -> memref<640xi32, #tpu.memory_space<vmem>>
          %dma_wait3A_816 = arith.constant 0 : i32
          %dma_wait3A_817 = tpu.memref_slice %dma_wait3A_815[%dma_wait3A_816] : memref<640xi32, #tpu.memory_space<vmem>> -> memref<128xi32, #tpu.memory_space<vmem>>
          %dma_wait3A_818 = arith.constant 0 : i32
          %dma_wait3A_819 = arith.constant 0 : i32
          %dma_wait3A_820 = tpu.memref_slice %arg5[%dma_wait3A_818, %dma_wait3A_819] : memref<1000000x64xf32, #tpu.memory_space<hbm>> -> memref<1000000x64xf32, #tpu.memory_space<hbm>>
          tpu.wait_indirect_dma semaphore(%arg11 : memref<!tpu.dma_semaphore, #tpu.memory_space<semaphore_mem>>) src(%dma_wait3A_820 : memref<1000000x64xf32, #tpu.memory_space<hbm>>) dst(%dma_wait3A_812 : memref<128x64xf32, #tpu.memory_space<vmem>>)
          %dma_start3A_821 = arith.constant 0 : i32
          %dma_start3A_822 = arith.constant 0 : i32
          %dma_start3A_823 = arith.constant 128 : i32
          %dma_start3A_824 = arith.constant 0 : i32
          %dma_start3A_825 = tpu.memref_slice %arg8[%dma_start3A_822, %dma_start3A_823, %dma_start3A_824] : memref<2x640x64xf32, #tpu.memory_space<vmem>> -> memref<1x128x64xf32, #tpu.memory_space<vmem>>
          %dma_start3A_826 = tpu.memref_squeeze %dma_start3A_825 : memref<1x128x64xf32, #tpu.memory_space<vmem>> -> memref<128x64xf32, #tpu.memory_space<vmem>>
          %dma_start3A_827 = arith.constant 0 : i32
          %dma_start3A_828 = tpu.memref_slice %arg9[%dma_start3A_821, %dma_start3A_827] : memref<2x640xi32, #tpu.memory_space<vmem>> -> memref<1x640xi32, #tpu.memory_space<vmem>>
          %dma_start3A_829 = tpu.memref_squeeze %dma_start3A_828 : memref<1x640xi32, #tpu.memory_space<vmem>> -> memref<640xi32, #tpu.memory_space<vmem>>
          %dma_start3A_830 = arith.constant 128 : i32
          %dma_start3A_831 = tpu.memref_slice %dma_start3A_829[%dma_start3A_830] : memref<640xi32, #tpu.memory_space<vmem>> -> memref<128xi32, #tpu.memory_space<vmem>>
          %dma_start3A_832 = arith.constant 0 : i32
          %dma_start3A_833 = arith.constant 0 : i32
          %dma_start3A_834 = tpu.memref_slice %arg5[%dma_start3A_832, %dma_start3A_833] : memref<1000000x64xf32, #tpu.memory_space<hbm>> -> memref<1000000x64xf32, #tpu.memory_space<hbm>>
          tpu.enqueue_indirect_dma source(%dma_start3A_834 : memref<1000000x64xf32, #tpu.memory_space<hbm>>) target(%dma_start3A_826 : memref<128x64xf32, #tpu.memory_space<vmem>>) offsets(%dma_start3A_831 : memref<128xi32, #tpu.memory_space<vmem>>) semaphore(%arg11 : memref<!tpu.dma_semaphore, #tpu.memory_space<semaphore_mem>>)
          %dma_wait3A_835 = arith.constant 0 : i32
          %dma_wait3A_836 = arith.constant 0 : i32
          %dma_wait3A_837 = arith.constant 128 : i32
          %dma_wait3A_838 = arith.constant 0 : i32
          %dma_wait3A_839 = tpu.memref_slice %arg8[%dma_wait3A_836, %dma_wait3A_837, %dma_wait3A_838] : memref<2x640x64xf32, #tpu.memory_space<vmem>> -> memref<1x128x64xf32, #tpu.memory_space<vmem>>
          %dma_wait3A_840 = tpu.memref_squeeze %dma_wait3A_839 : memref<1x128x64xf32, #tpu.memory_space<vmem>> -> memref<128x64xf32, #tpu.memory_space<vmem>>
          %dma_wait3A_841 = arith.constant 0 : i32
          %dma_wait3A_842 = tpu.memref_slice %arg9[%dma_wait3A_835, %dma_wait3A_841] : memref<2x640xi32, #tpu.memory_space<vmem>> -> memref<1x640xi32, #tpu.memory_space<vmem>>
          %dma_wait3A_843 = tpu.memref_squeeze %dma_wait3A_842 : memref<1x640xi32, #tpu.memory_space<vmem>> -> memref<640xi32, #tpu.memory_space<vmem>>
          %dma_wait3A_844 = arith.constant 128 : i32
          %dma_wait3A_845 = tpu.memref_slice %dma_wait3A_843[%dma_wait3A_844] : memref<640xi32, #tpu.memory_space<vmem>> -> memref<128xi32, #tpu.memory_space<vmem>>
          %dma_wait3A_846 = arith.constant 0 : i32
          %dma_wait3A_847 = arith.constant 0 : i32
          %dma_wait3A_848 = tpu.memref_slice %arg5[%dma_wait3A_846, %dma_wait3A_847] : memref<1000000x64xf32, #tpu.memory_space<hbm>> -> memref<1000000x64xf32, #tpu.memory_space<hbm>>
          tpu.wait_indirect_dma semaphore(%arg11 : memref<!tpu.dma_semaphore, #tpu.memory_space<semaphore_mem>>) src(%dma_wait3A_848 : memref<1000000x64xf32, #tpu.memory_space<hbm>>) dst(%dma_wait3A_840 : memref<128x64xf32, #tpu.memory_space<vmem>>)
          %dma_start3A_849 = arith.constant 0 : i32
          %dma_start3A_850 = arith.constant 0 : i32
          %dma_start3A_851 = arith.constant 256 : i32
          %dma_start3A_852 = arith.constant 0 : i32
          %dma_start3A_853 = tpu.memref_slice %arg8[%dma_start3A_850, %dma_start3A_851, %dma_start3A_852] : memref<2x640x64xf32, #tpu.memory_space<vmem>> -> memref<1x128x64xf32, #tpu.memory_space<vmem>>
          %dma_start3A_854 = tpu.memref_squeeze %dma_start3A_853 : memref<1x128x64xf32, #tpu.memory_space<vmem>> -> memref<128x64xf32, #tpu.memory_space<vmem>>
          %dma_start3A_855 = arith.constant 0 : i32
          %dma_start3A_856 = tpu.memref_slice %arg9[%dma_start3A_849, %dma_start3A_855] : memref<2x640xi32, #tpu.memory_space<vmem>> -> memref<1x640xi32, #tpu.memory_space<vmem>>
          %dma_start3A_857 = tpu.memref_squeeze %dma_start3A_856 : memref<1x640xi32, #tpu.memory_space<vmem>> -> memref<640xi32, #tpu.memory_space<vmem>>
          %dma_start3A_858 = arith.constant 256 : i32
          %dma_start3A_859 = tpu.memref_slice %dma_start3A_857[%dma_start3A_858] : memref<640xi32, #tpu.memory_space<vmem>> -> memref<128xi32, #tpu.memory_space<vmem>>
          %dma_start3A_860 = arith.constant 0 : i32
          %dma_start3A_861 = arith.constant 0 : i32
          %dma_start3A_862 = tpu.memref_slice %arg5[%dma_start3A_860, %dma_start3A_861] : memref<1000000x64xf32, #tpu.memory_space<hbm>> -> memref<1000000x64xf32, #tpu.memory_space<hbm>>
          tpu.enqueue_indirect_dma source(%dma_start3A_862 : memref<1000000x64xf32, #tpu.memory_space<hbm>>) target(%dma_start3A_854 : memref<128x64xf32, #tpu.memory_space<vmem>>) offsets(%dma_start3A_859 : memref<128xi32, #tpu.memory_space<vmem>>) semaphore(%arg11 : memref<!tpu.dma_semaphore, #tpu.memory_space<semaphore_mem>>)
          %dma_wait3A_863 = arith.constant 0 : i32
          %dma_wait3A_864 = arith.constant 0 : i32
          %dma_wait3A_865 = arith.constant 256 : i32
          %dma_wait3A_866 = arith.constant 0 : i32
          %dma_wait3A_867 = tpu.memref_slice %arg8[%dma_wait3A_864, %dma_wait3A_865, %dma_wait3A_866] : memref<2x640x64xf32, #tpu.memory_space<vmem>> -> memref<1x128x64xf32, #tpu.memory_space<vmem>>
          %dma_wait3A_868 = tpu.memref_squeeze %dma_wait3A_867 : memref<1x128x64xf32, #tpu.memory_space<vmem>> -> memref<128x64xf32, #tpu.memory_space<vmem>>
          %dma_wait3A_869 = arith.constant 0 : i32
          %dma_wait3A_870 = tpu.memref_slice %arg9[%dma_wait3A_863, %dma_wait3A_869] : memref<2x640xi32, #tpu.memory_space<vmem>> -> memref<1x640xi32, #tpu.memory_space<vmem>>
          %dma_wait3A_871 = tpu.memref_squeeze %dma_wait3A_870 : memref<1x640xi32, #tpu.memory_space<vmem>> -> memref<640xi32, #tpu.memory_space<vmem>>
          %dma_wait3A_872 = arith.constant 256 : i32
          %dma_wait3A_873 = tpu.memref_slice %dma_wait3A_871[%dma_wait3A_872] : memref<640xi32, #tpu.memory_space<vmem>> -> memref<128xi32, #tpu.memory_space<vmem>>
          %dma_wait3A_874 = arith.constant 0 : i32
          %dma_wait3A_875 = arith.constant 0 : i32
          %dma_wait3A_876 = tpu.memref_slice %arg5[%dma_wait3A_874, %dma_wait3A_875] : memref<1000000x64xf32, #tpu.memory_space<hbm>> -> memref<1000000x64xf32, #tpu.memory_space<hbm>>
          tpu.wait_indirect_dma semaphore(%arg11 : memref<!tpu.dma_semaphore, #tpu.memory_space<semaphore_mem>>) src(%dma_wait3A_876 : memref<1000000x64xf32, #tpu.memory_space<hbm>>) dst(%dma_wait3A_868 : memref<128x64xf32, #tpu.memory_space<vmem>>)
          %dma_start3A_877 = arith.constant 0 : i32
          %dma_start3A_878 = arith.constant 0 : i32
          %dma_start3A_879 = arith.constant 384 : i32
          %dma_start3A_880 = arith.constant 0 : i32
          %dma_start3A_881 = tpu.memref_slice %arg8[%dma_start3A_878, %dma_start3A_879, %dma_start3A_880] : memref<2x640x64xf32, #tpu.memory_space<vmem>> -> memref<1x128x64xf32, #tpu.memory_space<vmem>>
          %dma_start3A_882 = tpu.memref_squeeze %dma_start3A_881 : memref<1x128x64xf32, #tpu.memory_space<vmem>> -> memref<128x64xf32, #tpu.memory_space<vmem>>
          %dma_start3A_883 = arith.constant 0 : i32
          %dma_start3A_884 = tpu.memref_slice %arg9[%dma_start3A_877, %dma_start3A_883] : memref<2x640xi32, #tpu.memory_space<vmem>> -> memref<1x640xi32, #tpu.memory_space<vmem>>
          %dma_start3A_885 = tpu.memref_squeeze %dma_start3A_884 : memref<1x640xi32, #tpu.memory_space<vmem>> -> memref<640xi32, #tpu.memory_space<vmem>>
          %dma_start3A_886 = arith.constant 384 : i32
          %dma_start3A_887 = tpu.memref_slice %dma_start3A_885[%dma_start3A_886] : memref<640xi32, #tpu.memory_space<vmem>> -> memref<128xi32, #tpu.memory_space<vmem>>
          %dma_start3A_888 = arith.constant 0 : i32
          %dma_start3A_889 = arith.constant 0 : i32
          %dma_start3A_890 = tpu.memref_slice %arg5[%dma_start3A_888, %dma_start3A_889] : memref<1000000x64xf32, #tpu.memory_space<hbm>> -> memref<1000000x64xf32, #tpu.memory_space<hbm>>
          tpu.enqueue_indirect_dma source(%dma_start3A_890 : memref<1000000x64xf32, #tpu.memory_space<hbm>>) target(%dma_start3A_882 : memref<128x64xf32, #tpu.memory_space<vmem>>) offsets(%dma_start3A_887 : memref<128xi32, #tpu.memory_space<vmem>>) semaphore(%arg11 : memref<!tpu.dma_semaphore, #tpu.memory_space<semaphore_mem>>)
          %dma_wait3A_891 = arith.constant 0 : i32
          %dma_wait3A_892 = arith.constant 0 : i32
          %dma_wait3A_893 = arith.constant 384 : i32
          %dma_wait3A_894 = arith.constant 0 : i32
          %dma_wait3A_895 = tpu.memref_slice %arg8[%dma_wait3A_892, %dma_wait3A_893, %dma_wait3A_894] : memref<2x640x64xf32, #tpu.memory_space<vmem>> -> memref<1x128x64xf32, #tpu.memory_space<vmem>>
          %dma_wait3A_896 = tpu.memref_squeeze %dma_wait3A_895 : memref<1x128x64xf32, #tpu.memory_space<vmem>> -> memref<128x64xf32, #tpu.memory_space<vmem>>
          %dma_wait3A_897 = arith.constant 0 : i32
          %dma_wait3A_898 = tpu.memref_slice %arg9[%dma_wait3A_891, %dma_wait3A_897] : memref<2x640xi32, #tpu.memory_space<vmem>> -> memref<1x640xi32, #tpu.memory_space<vmem>>
          %dma_wait3A_899 = tpu.memref_squeeze %dma_wait3A_898 : memref<1x640xi32, #tpu.memory_space<vmem>> -> memref<640xi32, #tpu.memory_space<vmem>>
          %dma_wait3A_900 = arith.constant 384 : i32
          %dma_wait3A_901 = tpu.memref_slice %dma_wait3A_899[%dma_wait3A_900] : memref<640xi32, #tpu.memory_space<vmem>> -> memref<128xi32, #tpu.memory_space<vmem>>
          %dma_wait3A_902 = arith.constant 0 : i32
          %dma_wait3A_903 = arith.constant 0 : i32
          %dma_wait3A_904 = tpu.memref_slice %arg5[%dma_wait3A_902, %dma_wait3A_903] : memref<1000000x64xf32, #tpu.memory_space<hbm>> -> memref<1000000x64xf32, #tpu.memory_space<hbm>>
          tpu.wait_indirect_dma semaphore(%arg11 : memref<!tpu.dma_semaphore, #tpu.memory_space<semaphore_mem>>) src(%dma_wait3A_904 : memref<1000000x64xf32, #tpu.memory_space<hbm>>) dst(%dma_wait3A_896 : memref<128x64xf32, #tpu.memory_space<vmem>>)
          %dma_start3A_905 = arith.constant 0 : i32
          %dma_start3A_906 = arith.constant 0 : i32
          %dma_start3A_907 = arith.constant 512 : i32
          %dma_start3A_908 = arith.constant 0 : i32
          %dma_start3A_909 = tpu.memref_slice %arg8[%dma_start3A_906, %dma_start3A_907, %dma_start3A_908] : memref<2x640x64xf32, #tpu.memory_space<vmem>> -> memref<1x128x64xf32, #tpu.memory_space<vmem>>
          %dma_start3A_910 = tpu.memref_squeeze %dma_start3A_909 : memref<1x128x64xf32, #tpu.memory_space<vmem>> -> memref<128x64xf32, #tpu.memory_space<vmem>>
          %dma_start3A_911 = arith.constant 0 : i32
          %dma_start3A_912 = tpu.memref_slice %arg9[%dma_start3A_905, %dma_start3A_911] : memref<2x640xi32, #tpu.memory_space<vmem>> -> memref<1x640xi32, #tpu.memory_space<vmem>>
          %dma_start3A_913 = tpu.memref_squeeze %dma_start3A_912 : memref<1x640xi32, #tpu.memory_space<vmem>> -> memref<640xi32, #tpu.memory_space<vmem>>
          %dma_start3A_914 = arith.constant 512 : i32
          %dma_start3A_915 = tpu.memref_slice %dma_start3A_913[%dma_start3A_914] : memref<640xi32, #tpu.memory_space<vmem>> -> memref<128xi32, #tpu.memory_space<vmem>>
          %dma_start3A_916 = arith.constant 0 : i32
          %dma_start3A_917 = arith.constant 0 : i32
          %dma_start3A_918 = tpu.memref_slice %arg5[%dma_start3A_916, %dma_start3A_917] : memref<1000000x64xf32, #tpu.memory_space<hbm>> -> memref<1000000x64xf32, #tpu.memory_space<hbm>>
          tpu.enqueue_indirect_dma source(%dma_start3A_918 : memref<1000000x64xf32, #tpu.memory_space<hbm>>) target(%dma_start3A_910 : memref<128x64xf32, #tpu.memory_space<vmem>>) offsets(%dma_start3A_915 : memref<128xi32, #tpu.memory_space<vmem>>) semaphore(%arg11 : memref<!tpu.dma_semaphore, #tpu.memory_space<semaphore_mem>>)
          %dma_wait3A_919 = arith.constant 0 : i32
          %dma_wait3A_920 = arith.constant 0 : i32
          %dma_wait3A_921 = arith.constant 512 : i32
          %dma_wait3A_922 = arith.constant 0 : i32
          %dma_wait3A_923 = tpu.memref_slice %arg8[%dma_wait3A_920, %dma_wait3A_921, %dma_wait3A_922] : memref<2x640x64xf32, #tpu.memory_space<vmem>> -> memref<1x128x64xf32, #tpu.memory_space<vmem>>
          %dma_wait3A_924 = tpu.memref_squeeze %dma_wait3A_923 : memref<1x128x64xf32, #tpu.memory_space<vmem>> -> memref<128x64xf32, #tpu.memory_space<vmem>>
          %dma_wait3A_925 = arith.constant 0 : i32
          %dma_wait3A_926 = tpu.memref_slice %arg9[%dma_wait3A_919, %dma_wait3A_925] : memref<2x640xi32, #tpu.memory_space<vmem>> -> memref<1x640xi32, #tpu.memory_space<vmem>>
          %dma_wait3A_927 = tpu.memref_squeeze %dma_wait3A_926 : memref<1x640xi32, #tpu.memory_space<vmem>> -> memref<640xi32, #tpu.memory_space<vmem>>
          %dma_wait3A_928 = arith.constant 512 : i32
          %dma_wait3A_929 = tpu.memref_slice %dma_wait3A_927[%dma_wait3A_928] : memref<640xi32, #tpu.memory_space<vmem>> -> memref<128xi32, #tpu.memory_space<vmem>>
          %dma_wait3A_930 = arith.constant 0 : i32
          %dma_wait3A_931 = arith.constant 0 : i32
          %dma_wait3A_932 = tpu.memref_slice %arg5[%dma_wait3A_930, %dma_wait3A_931] : memref<1000000x64xf32, #tpu.memory_space<hbm>> -> memref<1000000x64xf32, #tpu.memory_space<hbm>>
          tpu.wait_indirect_dma semaphore(%arg11 : memref<!tpu.dma_semaphore, #tpu.memory_space<semaphore_mem>>) src(%dma_wait3A_932 : memref<1000000x64xf32, #tpu.memory_space<hbm>>) dst(%dma_wait3A_924 : memref<128x64xf32, #tpu.memory_space<vmem>>)
        } else {
        }
        %not3A_533 = arith.constant true
        %not3A_534 = arith.xori %eq3A_522, %not3A_533 : i1
        %convert_element_type3A_535 = arith.extui %not3A_534 : i1 to i32
        %cond3A_536 = arith.constant 0 : i32
        %cond3A_537 = arith.cmpi ne, %convert_element_type3A_535, %cond3A_536 : i32
        scf.if %cond3A_537 {
          %dma_wait3A_788 = arith.constant 0 : i32
          %dma_wait3A_789 = arith.constant 0 : i32
          %dma_wait3A_790 = tpu.memref_slice %arg8[%rem3A_520, %dma_wait3A_788, %dma_wait3A_789] : memref<2x640x64xf32, #tpu.memory_space<vmem>> -> memref<1x128x64xf32, #tpu.memory_space<vmem>>
          %dma_wait3A_791 = tpu.memref_squeeze %dma_wait3A_790 : memref<1x128x64xf32, #tpu.memory_space<vmem>> -> memref<128x64xf32, #tpu.memory_space<vmem>>
          %dma_wait3A_792 = arith.constant 0 : i32
          %dma_wait3A_793 = tpu.memref_slice %arg9[%rem3A_520, %dma_wait3A_792] : memref<2x640xi32, #tpu.memory_space<vmem>> -> memref<1x640xi32, #tpu.memory_space<vmem>>
          %dma_wait3A_794 = tpu.memref_squeeze %dma_wait3A_793 : memref<1x640xi32, #tpu.memory_space<vmem>> -> memref<640xi32, #tpu.memory_space<vmem>>
          %dma_wait3A_795 = arith.constant 0 : i32
          %dma_wait3A_796 = tpu.memref_slice %dma_wait3A_794[%dma_wait3A_795] : memref<640xi32, #tpu.memory_space<vmem>> -> memref<128xi32, #tpu.memory_space<vmem>>
          %dma_wait3A_797 = arith.constant 0 : i32
          %dma_wait3A_798 = arith.constant 0 : i32
          %dma_wait3A_799 = tpu.memref_slice %arg5[%dma_wait3A_797, %dma_wait3A_798] : memref<1000000x64xf32, #tpu.memory_space<hbm>> -> memref<1000000x64xf32, #tpu.memory_space<hbm>>
          tpu.wait_indirect_dma semaphore(%arg11 : memref<!tpu.dma_semaphore, #tpu.memory_space<semaphore_mem>>) src(%dma_wait3A_799 : memref<1000000x64xf32, #tpu.memory_space<hbm>>) dst(%dma_wait3A_791 : memref<128x64xf32, #tpu.memory_space<vmem>>)
          %dma_wait3A_800 = arith.constant 128 : i32
          %dma_wait3A_801 = arith.constant 0 : i32
          %dma_wait3A_802 = tpu.memref_slice %arg8[%rem3A_520, %dma_wait3A_800, %dma_wait3A_801] : memref<2x640x64xf32, #tpu.memory_space<vmem>> -> memref<1x128x64xf32, #tpu.memory_space<vmem>>
          %dma_wait3A_803 = tpu.memref_squeeze %dma_wait3A_802 : memref<1x128x64xf32, #tpu.memory_space<vmem>> -> memref<128x64xf32, #tpu.memory_space<vmem>>
          %dma_wait3A_804 = arith.constant 0 : i32
          %dma_wait3A_805 = tpu.memref_slice %arg9[%rem3A_520, %dma_wait3A_804] : memref<2x640xi32, #tpu.memory_space<vmem>> -> memref<1x640xi32, #tpu.memory_space<vmem>>
          %dma_wait3A_806 = tpu.memref_squeeze %dma_wait3A_805 : memref<1x640xi32, #tpu.memory_space<vmem>> -> memref<640xi32, #tpu.memory_space<vmem>>
          %dma_wait3A_807 = arith.constant 128 : i32
          %dma_wait3A_808 = tpu.memref_slice %dma_wait3A_806[%dma_wait3A_807] : memref<640xi32, #tpu.memory_space<vmem>> -> memref<128xi32, #tpu.memory_space<vmem>>
          %dma_wait3A_809 = arith.constant 0 : i32
          %dma_wait3A_810 = arith.constant 0 : i32
          %dma_wait3A_811 = tpu.memref_slice %arg5[%dma_wait3A_809, %dma_wait3A_810] : memref<1000000x64xf32, #tpu.memory_space<hbm>> -> memref<1000000x64xf32, #tpu.memory_space<hbm>>
          tpu.wait_indirect_dma semaphore(%arg11 : memref<!tpu.dma_semaphore, #tpu.memory_space<semaphore_mem>>) src(%dma_wait3A_811 : memref<1000000x64xf32, #tpu.memory_space<hbm>>) dst(%dma_wait3A_803 : memref<128x64xf32, #tpu.memory_space<vmem>>)
          %dma_wait3A_812 = arith.constant 256 : i32
          %dma_wait3A_813 = arith.constant 0 : i32
          %dma_wait3A_814 = tpu.memref_slice %arg8[%rem3A_520, %dma_wait3A_812, %dma_wait3A_813] : memref<2x640x64xf32, #tpu.memory_space<vmem>> -> memref<1x128x64xf32, #tpu.memory_space<vmem>>
          %dma_wait3A_815 = tpu.memref_squeeze %dma_wait3A_814 : memref<1x128x64xf32, #tpu.memory_space<vmem>> -> memref<128x64xf32, #tpu.memory_space<vmem>>
          %dma_wait3A_816 = arith.constant 0 : i32
          %dma_wait3A_817 = tpu.memref_slice %arg9[%rem3A_520, %dma_wait3A_816] : memref<2x640xi32, #tpu.memory_space<vmem>> -> memref<1x640xi32, #tpu.memory_space<vmem>>
          %dma_wait3A_818 = tpu.memref_squeeze %dma_wait3A_817 : memref<1x640xi32, #tpu.memory_space<vmem>> -> memref<640xi32, #tpu.memory_space<vmem>>
          %dma_wait3A_819 = arith.constant 256 : i32
          %dma_wait3A_820 = tpu.memref_slice %dma_wait3A_818[%dma_wait3A_819] : memref<640xi32, #tpu.memory_space<vmem>> -> memref<128xi32, #tpu.memory_space<vmem>>
          %dma_wait3A_821 = arith.constant 0 : i32
          %dma_wait3A_822 = arith.constant 0 : i32
          %dma_wait3A_823 = tpu.memref_slice %arg5[%dma_wait3A_821, %dma_wait3A_822] : memref<1000000x64xf32, #tpu.memory_space<hbm>> -> memref<1000000x64xf32, #tpu.memory_space<hbm>>
          tpu.wait_indirect_dma semaphore(%arg11 : memref<!tpu.dma_semaphore, #tpu.memory_space<semaphore_mem>>) src(%dma_wait3A_823 : memref<1000000x64xf32, #tpu.memory_space<hbm>>) dst(%dma_wait3A_815 : memref<128x64xf32, #tpu.memory_space<vmem>>)
          %dma_wait3A_824 = arith.constant 384 : i32
          %dma_wait3A_825 = arith.constant 0 : i32
          %dma_wait3A_826 = tpu.memref_slice %arg8[%rem3A_520, %dma_wait3A_824, %dma_wait3A_825] : memref<2x640x64xf32, #tpu.memory_space<vmem>> -> memref<1x128x64xf32, #tpu.memory_space<vmem>>
          %dma_wait3A_827 = tpu.memref_squeeze %dma_wait3A_826 : memref<1x128x64xf32, #tpu.memory_space<vmem>> -> memref<128x64xf32, #tpu.memory_space<vmem>>
          %dma_wait3A_828 = arith.constant 0 : i32
          %dma_wait3A_829 = tpu.memref_slice %arg9[%rem3A_520, %dma_wait3A_828] : memref<2x640xi32, #tpu.memory_space<vmem>> -> memref<1x640xi32, #tpu.memory_space<vmem>>
          %dma_wait3A_830 = tpu.memref_squeeze %dma_wait3A_829 : memref<1x640xi32, #tpu.memory_space<vmem>> -> memref<640xi32, #tpu.memory_space<vmem>>
          %dma_wait3A_831 = arith.constant 384 : i32
          %dma_wait3A_832 = tpu.memref_slice %dma_wait3A_830[%dma_wait3A_831] : memref<640xi32, #tpu.memory_space<vmem>> -> memref<128xi32, #tpu.memory_space<vmem>>
          %dma_wait3A_833 = arith.constant 0 : i32
          %dma_wait3A_834 = arith.constant 0 : i32
          %dma_wait3A_835 = tpu.memref_slice %arg5[%dma_wait3A_833, %dma_wait3A_834] : memref<1000000x64xf32, #tpu.memory_space<hbm>> -> memref<1000000x64xf32, #tpu.memory_space<hbm>>
          tpu.wait_indirect_dma semaphore(%arg11 : memref<!tpu.dma_semaphore, #tpu.memory_space<semaphore_mem>>) src(%dma_wait3A_835 : memref<1000000x64xf32, #tpu.memory_space<hbm>>) dst(%dma_wait3A_827 : memref<128x64xf32, #tpu.memory_space<vmem>>)
          %dma_wait3A_836 = arith.constant 512 : i32
          %dma_wait3A_837 = arith.constant 0 : i32
          %dma_wait3A_838 = tpu.memref_slice %arg8[%rem3A_520, %dma_wait3A_836, %dma_wait3A_837] : memref<2x640x64xf32, #tpu.memory_space<vmem>> -> memref<1x128x64xf32, #tpu.memory_space<vmem>>
          %dma_wait3A_839 = tpu.memref_squeeze %dma_wait3A_838 : memref<1x128x64xf32, #tpu.memory_space<vmem>> -> memref<128x64xf32, #tpu.memory_space<vmem>>
          %dma_wait3A_840 = arith.constant 0 : i32
          %dma_wait3A_841 = tpu.memref_slice %arg9[%rem3A_520, %dma_wait3A_840] : memref<2x640xi32, #tpu.memory_space<vmem>> -> memref<1x640xi32, #tpu.memory_space<vmem>>
          %dma_wait3A_842 = tpu.memref_squeeze %dma_wait3A_841 : memref<1x640xi32, #tpu.memory_space<vmem>> -> memref<640xi32, #tpu.memory_space<vmem>>
          %dma_wait3A_843 = arith.constant 512 : i32
          %dma_wait3A_844 = tpu.memref_slice %dma_wait3A_842[%dma_wait3A_843] : memref<640xi32, #tpu.memory_space<vmem>> -> memref<128xi32, #tpu.memory_space<vmem>>
          %dma_wait3A_845 = arith.constant 0 : i32
          %dma_wait3A_846 = arith.constant 0 : i32
          %dma_wait3A_847 = tpu.memref_slice %arg5[%dma_wait3A_845, %dma_wait3A_846] : memref<1000000x64xf32, #tpu.memory_space<hbm>> -> memref<1000000x64xf32, #tpu.memory_space<hbm>>
          tpu.wait_indirect_dma semaphore(%arg11 : memref<!tpu.dma_semaphore, #tpu.memory_space<semaphore_mem>>) src(%dma_wait3A_847 : memref<1000000x64xf32, #tpu.memory_space<hbm>>) dst(%dma_wait3A_839 : memref<128x64xf32, #tpu.memory_space<vmem>>)
        } else {
        }
        %not3A_538 = arith.constant true
        %not3A_539 = arith.xori %eq3A_524, %not3A_538 : i1
        %convert_element_type3A_540 = arith.extui %not3A_539 : i1 to i32
        %cond3A_541 = arith.constant 0 : i32
        %cond3A_542 = arith.cmpi ne, %convert_element_type3A_540, %cond3A_541 : i32
        scf.if %cond3A_542 {
          %sub3A_788 = arith.constant 1 : i32
          %sub3A_789 = arith.subi %sub3A_788, %rem3A_520 : i32
          %sub3A_790 = arith.constant 1 : i32
          %sub3A_791 = arith.subi %sub3A_790, %rem3A_520 : i32
          %dma_start3A_792 = arith.constant 0 : i32
          %dma_start3A_793 = arith.constant 0 : i32
          %dma_start3A_794 = tpu.memref_slice %arg8[%sub3A_791, %dma_start3A_792, %dma_start3A_793] : memref<2x640x64xf32, #tpu.memory_space<vmem>> -> memref<1x128x64xf32, #tpu.memory_space<vmem>>
          %dma_start3A_795 = tpu.memref_squeeze %dma_start3A_794 : memref<1x128x64xf32, #tpu.memory_space<vmem>> -> memref<128x64xf32, #tpu.memory_space<vmem>>
          %dma_start3A_796 = arith.constant 0 : i32
          %dma_start3A_797 = tpu.memref_slice %arg9[%sub3A_789, %dma_start3A_796] : memref<2x640xi32, #tpu.memory_space<vmem>> -> memref<1x640xi32, #tpu.memory_space<vmem>>
          %dma_start3A_798 = tpu.memref_squeeze %dma_start3A_797 : memref<1x640xi32, #tpu.memory_space<vmem>> -> memref<640xi32, #tpu.memory_space<vmem>>
          %dma_start3A_799 = arith.constant 0 : i32
          %dma_start3A_800 = tpu.memref_slice %dma_start3A_798[%dma_start3A_799] : memref<640xi32, #tpu.memory_space<vmem>> -> memref<128xi32, #tpu.memory_space<vmem>>
          %dma_start3A_801 = arith.constant 0 : i32
          %dma_start3A_802 = arith.constant 0 : i32
          %dma_start3A_803 = tpu.memref_slice %arg5[%dma_start3A_801, %dma_start3A_802] : memref<1000000x64xf32, #tpu.memory_space<hbm>> -> memref<1000000x64xf32, #tpu.memory_space<hbm>>
          tpu.enqueue_indirect_dma source(%dma_start3A_803 : memref<1000000x64xf32, #tpu.memory_space<hbm>>) target(%dma_start3A_795 : memref<128x64xf32, #tpu.memory_space<vmem>>) offsets(%dma_start3A_800 : memref<128xi32, #tpu.memory_space<vmem>>) semaphore(%arg11 : memref<!tpu.dma_semaphore, #tpu.memory_space<semaphore_mem>>)
          %dma_start3A_804 = arith.constant 128 : i32
          %dma_start3A_805 = arith.constant 0 : i32
          %dma_start3A_806 = tpu.memref_slice %arg8[%sub3A_791, %dma_start3A_804, %dma_start3A_805] : memref<2x640x64xf32, #tpu.memory_space<vmem>> -> memref<1x128x64xf32, #tpu.memory_space<vmem>>
          %dma_start3A_807 = tpu.memref_squeeze %dma_start3A_806 : memref<1x128x64xf32, #tpu.memory_space<vmem>> -> memref<128x64xf32, #tpu.memory_space<vmem>>
          %dma_start3A_808 = arith.constant 0 : i32
          %dma_start3A_809 = tpu.memref_slice %arg9[%sub3A_789, %dma_start3A_808] : memref<2x640xi32, #tpu.memory_space<vmem>> -> memref<1x640xi32, #tpu.memory_space<vmem>>
          %dma_start3A_810 = tpu.memref_squeeze %dma_start3A_809 : memref<1x640xi32, #tpu.memory_space<vmem>> -> memref<640xi32, #tpu.memory_space<vmem>>
          %dma_start3A_811 = arith.constant 128 : i32
          %dma_start3A_812 = tpu.memref_slice %dma_start3A_810[%dma_start3A_811] : memref<640xi32, #tpu.memory_space<vmem>> -> memref<128xi32, #tpu.memory_space<vmem>>
          %dma_start3A_813 = arith.constant 0 : i32
          %dma_start3A_814 = arith.constant 0 : i32
          %dma_start3A_815 = tpu.memref_slice %arg5[%dma_start3A_813, %dma_start3A_814] : memref<1000000x64xf32, #tpu.memory_space<hbm>> -> memref<1000000x64xf32, #tpu.memory_space<hbm>>
          tpu.enqueue_indirect_dma source(%dma_start3A_815 : memref<1000000x64xf32, #tpu.memory_space<hbm>>) target(%dma_start3A_807 : memref<128x64xf32, #tpu.memory_space<vmem>>) offsets(%dma_start3A_812 : memref<128xi32, #tpu.memory_space<vmem>>) semaphore(%arg11 : memref<!tpu.dma_semaphore, #tpu.memory_space<semaphore_mem>>)
          %dma_start3A_816 = arith.constant 256 : i32
          %dma_start3A_817 = arith.constant 0 : i32
          %dma_start3A_818 = tpu.memref_slice %arg8[%sub3A_791, %dma_start3A_816, %dma_start3A_817] : memref<2x640x64xf32, #tpu.memory_space<vmem>> -> memref<1x128x64xf32, #tpu.memory_space<vmem>>
          %dma_start3A_819 = tpu.memref_squeeze %dma_start3A_818 : memref<1x128x64xf32, #tpu.memory_space<vmem>> -> memref<128x64xf32, #tpu.memory_space<vmem>>
          %dma_start3A_820 = arith.constant 0 : i32
          %dma_start3A_821 = tpu.memref_slice %arg9[%sub3A_789, %dma_start3A_820] : memref<2x640xi32, #tpu.memory_space<vmem>> -> memref<1x640xi32, #tpu.memory_space<vmem>>
          %dma_start3A_822 = tpu.memref_squeeze %dma_start3A_821 : memref<1x640xi32, #tpu.memory_space<vmem>> -> memref<640xi32, #tpu.memory_space<vmem>>
          %dma_start3A_823 = arith.constant 256 : i32
          %dma_start3A_824 = tpu.memref_slice %dma_start3A_822[%dma_start3A_823] : memref<640xi32, #tpu.memory_space<vmem>> -> memref<128xi32, #tpu.memory_space<vmem>>
          %dma_start3A_825 = arith.constant 0 : i32
          %dma_start3A_826 = arith.constant 0 : i32
          %dma_start3A_827 = tpu.memref_slice %arg5[%dma_start3A_825, %dma_start3A_826] : memref<1000000x64xf32, #tpu.memory_space<hbm>> -> memref<1000000x64xf32, #tpu.memory_space<hbm>>
          tpu.enqueue_indirect_dma source(%dma_start3A_827 : memref<1000000x64xf32, #tpu.memory_space<hbm>>) target(%dma_start3A_819 : memref<128x64xf32, #tpu.memory_space<vmem>>) offsets(%dma_start3A_824 : memref<128xi32, #tpu.memory_space<vmem>>) semaphore(%arg11 : memref<!tpu.dma_semaphore, #tpu.memory_space<semaphore_mem>>)
          %dma_start3A_828 = arith.constant 384 : i32
          %dma_start3A_829 = arith.constant 0 : i32
          %dma_start3A_830 = tpu.memref_slice %arg8[%sub3A_791, %dma_start3A_828, %dma_start3A_829] : memref<2x640x64xf32, #tpu.memory_space<vmem>> -> memref<1x128x64xf32, #tpu.memory_space<vmem>>
          %dma_start3A_831 = tpu.memref_squeeze %dma_start3A_830 : memref<1x128x64xf32, #tpu.memory_space<vmem>> -> memref<128x64xf32, #tpu.memory_space<vmem>>
          %dma_start3A_832 = arith.constant 0 : i32
          %dma_start3A_833 = tpu.memref_slice %arg9[%sub3A_789, %dma_start3A_832] : memref<2x640xi32, #tpu.memory_space<vmem>> -> memref<1x640xi32, #tpu.memory_space<vmem>>
          %dma_start3A_834 = tpu.memref_squeeze %dma_start3A_833 : memref<1x640xi32, #tpu.memory_space<vmem>> -> memref<640xi32, #tpu.memory_space<vmem>>
          %dma_start3A_835 = arith.constant 384 : i32
          %dma_start3A_836 = tpu.memref_slice %dma_start3A_834[%dma_start3A_835] : memref<640xi32, #tpu.memory_space<vmem>> -> memref<128xi32, #tpu.memory_space<vmem>>
          %dma_start3A_837 = arith.constant 0 : i32
          %dma_start3A_838 = arith.constant 0 : i32
          %dma_start3A_839 = tpu.memref_slice %arg5[%dma_start3A_837, %dma_start3A_838] : memref<1000000x64xf32, #tpu.memory_space<hbm>> -> memref<1000000x64xf32, #tpu.memory_space<hbm>>
          tpu.enqueue_indirect_dma source(%dma_start3A_839 : memref<1000000x64xf32, #tpu.memory_space<hbm>>) target(%dma_start3A_831 : memref<128x64xf32, #tpu.memory_space<vmem>>) offsets(%dma_start3A_836 : memref<128xi32, #tpu.memory_space<vmem>>) semaphore(%arg11 : memref<!tpu.dma_semaphore, #tpu.memory_space<semaphore_mem>>)
          %dma_start3A_840 = arith.constant 512 : i32
          %dma_start3A_841 = arith.constant 0 : i32
          %dma_start3A_842 = tpu.memref_slice %arg8[%sub3A_791, %dma_start3A_840, %dma_start3A_841] : memref<2x640x64xf32, #tpu.memory_space<vmem>> -> memref<1x128x64xf32, #tpu.memory_space<vmem>>
          %dma_start3A_843 = tpu.memref_squeeze %dma_start3A_842 : memref<1x128x64xf32, #tpu.memory_space<vmem>> -> memref<128x64xf32, #tpu.memory_space<vmem>>
          %dma_start3A_844 = arith.constant 0 : i32
          %dma_start3A_845 = tpu.memref_slice %arg9[%sub3A_789, %dma_start3A_844] : memref<2x640xi32, #tpu.memory_space<vmem>> -> memref<1x640xi32, #tpu.memory_space<vmem>>
          %dma_start3A_846 = tpu.memref_squeeze %dma_start3A_845 : memref<1x640xi32, #tpu.memory_space<vmem>> -> memref<640xi32, #tpu.memory_space<vmem>>
          %dma_start3A_847 = arith.constant 512 : i32
          %dma_start3A_848 = tpu.memref_slice %dma_start3A_846[%dma_start3A_847] : memref<640xi32, #tpu.memory_space<vmem>> -> memref<128xi32, #tpu.memory_space<vmem>>
          %dma_start3A_849 = arith.constant 0 : i32
          %dma_start3A_850 = arith.constant 0 : i32
          %dma_start3A_851 = tpu.memref_slice %arg5[%dma_start3A_849, %dma_start3A_850] : memref<1000000x64xf32, #tpu.memory_space<hbm>> -> memref<1000000x64xf32, #tpu.memory_space<hbm>>
          tpu.enqueue_indirect_dma source(%dma_start3A_851 : memref<1000000x64xf32, #tpu.memory_space<hbm>>) target(%dma_start3A_843 : memref<128x64xf32, #tpu.memory_space<vmem>>) offsets(%dma_start3A_848 : memref<128xi32, #tpu.memory_space<vmem>>) semaphore(%arg11 : memref<!tpu.dma_semaphore, #tpu.memory_space<semaphore_mem>>)
        } else {
        }
        %scan3A_543 = arith.constant 0 : i32
        %scan3A_544 = arith.constant 32 : i32
        %scan3A_545 = arith.addi %scan3A_543, %scan3A_544 : i32
        %scan3A_546 = arith.constant 1 : i32
        scf.for %scan3A_788 = %scan3A_543 to %scan3A_545 step %scan3A_546  : i32 {
          %mul3A_789 = arith.constant 1 : i32
          %mul3A_790 = arith.muli %scan3A_788, %mul3A_789 : i32
          %add3A_791 = arith.constant 0 : i32
          %add3A_792 = arith.addi %add3A_791, %mul3A_790 : i32
          %mul3A_793 = arith.constant 20 : i32
          %mul3A_794 = arith.muli %add3A_792, %mul3A_793 : i32
          %get3A_795 = arith.constant 0 : i32
          %get3A_796 = arith.constant 0 : i32
          %get3A_797 = tpu.memref_slice %run_scoped3A_22[%rem3A_514, %get3A_795, %get3A_796] : memref<2x32x32xf32, #tpu.memory_space<vmem>> -> memref<1x32x32xf32, #tpu.memory_space<vmem>>
          %get3A_798 = tpu.memref_squeeze %get3A_797 : memref<1x32x32xf32, #tpu.memory_space<vmem>> -> memref<32x32xf32, #tpu.memory_space<vmem>>
          %get3A_799 = arith.index_cast %add3A_792 : i32 to index
          %get3A_800 = arith.constant 0 : index
          %get3A_801 = tpu.vector_load %get3A_798[%get3A_799, %get3A_800] {strides = array<i32>} : memref<32x32xf32, #tpu.memory_space<vmem>>, vector<1x16xf32>,
          %get3A_802 = vector.shape_cast %get3A_801 : vector<1x16xf32> to vector<16xf32>
          %get3A_803 = arith.constant 0 : i32
          %get3A_804 = arith.constant 0 : i32
          %get3A_805 = tpu.memref_slice %run_scoped3A_22[%rem3A_514, %get3A_803, %get3A_804] : memref<2x32x32xf32, #tpu.memory_space<vmem>> -> memref<1x32x32xf32, #tpu.memory_space<vmem>>
          %get3A_806 = tpu.memref_squeeze %get3A_805 : memref<1x32x32xf32, #tpu.memory_space<vmem>> -> memref<32x32xf32, #tpu.memory_space<vmem>>
          %get3A_807 = arith.index_cast %add3A_792 : i32 to index
          %get3A_808 = arith.constant 16 : index
          %get3A_809 = tpu.vector_load %get3A_806[%get3A_807, %get3A_808] {strides = array<i32>} : memref<32x32xf32, #tpu.memory_space<vmem>>, vector<1x16xf32>,
          %get3A_810 = vector.shape_cast %get3A_809 : vector<1x16xf32> to vector<16xf32>
          %broadcast_in_dim3A = arith.constant 0.000000e+00 : f32
          %broadcast_in_dim3A_811 = vector.broadcast %broadcast_in_dim3A : f32 to vector<16xf32>
          %broadcast_in_dim3A_812 = arith.constant 0.000000e+00 : f32
          %broadcast_in_dim3A_813 = vector.broadcast %broadcast_in_dim3A_812 : f32 to vector<16xf32>
          %broadcast_in_dim3A_814 = arith.constant 0.000000e+00 : f32
          %broadcast_in_dim3A_815 = vector.broadcast %broadcast_in_dim3A_814 : f32 to vector<16xf32>
          %broadcast_in_dim3A_816 = arith.constant 0.000000e+00 : f32
          %broadcast_in_dim3A_817 = vector.broadcast %broadcast_in_dim3A_816 : f32 to vector<16xf32>
          %slice3A = vector.extract_strided_slice %get3A_802 {offsets = [0], sizes = [1], strides = [1]} : vector<16xf32> to vector<1xf32>
          %squeeze3A = vector.extract %slice3A[0] : f32 from vector<1xf32>
          %add3A_818 = arith.constant 0 : i32
          %add3A_819 = arith.addi %mul3A_794, %add3A_818 : i32
          %get3A_820 = arith.index_cast %rem3A_520 : i32 to index
          %get3A_821 = arith.index_cast %add3A_819 : i32 to index
          %get3A_822 = arith.constant 0 : index
          %get3A_823 = tpu.vector_load %arg8[%get3A_820, %get3A_821, %get3A_822] {strides = array<i32>} : memref<2x640x64xf32, #tpu.memory_space<vmem>>, vector<1x1x16xf32>,
          %get3A_824 = vector.shape_cast %get3A_823 : vector<1x1x16xf32> to vector<16xf32>
          %mul3A_825 = vector.broadcast %squeeze3A : f32 to vector<16xf32>
          %mul3A_826 = arith.mulf %get3A_824, %mul3A_825 : vector<16xf32>
          %add3A_827 = arith.addf %broadcast_in_dim3A_811, %mul3A_826 : vector<16xf32>
          %add3A_828 = arith.constant 0 : i32
          %add3A_829 = arith.addi %mul3A_794, %add3A_828 : i32
          %get3A_830 = arith.index_cast %rem3A_520 : i32 to index
          %get3A_831 = arith.index_cast %add3A_829 : i32 to index
          %get3A_832 = arith.constant 16 : index
          %get3A_833 = tpu.vector_load %arg8[%get3A_830, %get3A_831, %get3A_832] {strides = array<i32>} : memref<2x640x64xf32, #tpu.memory_space<vmem>>, vector<1x1x16xf32>,
          %get3A_834 = vector.shape_cast %get3A_833 : vector<1x1x16xf32> to vector<16xf32>
          %mul3A_835 = vector.broadcast %squeeze3A : f32 to vector<16xf32>
          %mul3A_836 = arith.mulf %get3A_834, %mul3A_835 : vector<16xf32>
          %add3A_837 = arith.addf %broadcast_in_dim3A_813, %mul3A_836 : vector<16xf32>
          %add3A_838 = arith.constant 0 : i32
          %add3A_839 = arith.addi %mul3A_794, %add3A_838 : i32
          %get3A_840 = arith.index_cast %rem3A_520 : i32 to index
          %get3A_841 = arith.index_cast %add3A_839 : i32 to index
          %get3A_842 = arith.constant 32 : index
          %get3A_843 = tpu.vector_load %arg8[%get3A_840, %get3A_841, %get3A_842] {strides = array<i32>} : memref<2x640x64xf32, #tpu.memory_space<vmem>>, vector<1x1x16xf32>,
          %get3A_844 = vector.shape_cast %get3A_843 : vector<1x1x16xf32> to vector<16xf32>
          %mul3A_845 = vector.broadcast %squeeze3A : f32 to vector<16xf32>
          %mul3A_846 = arith.mulf %get3A_844, %mul3A_845 : vector<16xf32>
          %add3A_847 = arith.addf %broadcast_in_dim3A_815, %mul3A_846 : vector<16xf32>
          %add3A_848 = arith.constant 0 : i32
          %add3A_849 = arith.addi %mul3A_794, %add3A_848 : i32
          %get3A_850 = arith.index_cast %rem3A_520 : i32 to index
          %get3A_851 = arith.index_cast %add3A_849 : i32 to index
          %get3A_852 = arith.constant 48 : index
          %get3A_853 = tpu.vector_load %arg8[%get3A_850, %get3A_851, %get3A_852] {strides = array<i32>} : memref<2x640x64xf32, #tpu.memory_space<vmem>>, vector<1x1x16xf32>,
          %get3A_854 = vector.shape_cast %get3A_853 : vector<1x1x16xf32> to vector<16xf32>
          %mul3A_855 = vector.broadcast %squeeze3A : f32 to vector<16xf32>
          %mul3A_856 = arith.mulf %get3A_854, %mul3A_855 : vector<16xf32>
          %add3A_857 = arith.addf %broadcast_in_dim3A_817, %mul3A_856 : vector<16xf32>
          %slice3A_858 = vector.extract_strided_slice %get3A_802 {offsets = [1], sizes = [1], strides = [1]} : vector<16xf32> to vector<1xf32>
          %squeeze3A_859 = vector.extract %slice3A_858[0] : f32 from vector<1xf32>
          %add3A_860 = arith.constant 1 : i32
          %add3A_861 = arith.addi %mul3A_794, %add3A_860 : i32
          %get3A_862 = arith.index_cast %rem3A_520 : i32 to index
          %get3A_863 = arith.index_cast %add3A_861 : i32 to index
          %get3A_864 = arith.constant 0 : index
          %get3A_865 = tpu.vector_load %arg8[%get3A_862, %get3A_863, %get3A_864] {strides = array<i32>} : memref<2x640x64xf32, #tpu.memory_space<vmem>>, vector<1x1x16xf32>,
          %get3A_866 = vector.shape_cast %get3A_865 : vector<1x1x16xf32> to vector<16xf32>
          %mul3A_867 = vector.broadcast %squeeze3A_859 : f32 to vector<16xf32>
          %mul3A_868 = arith.mulf %get3A_866, %mul3A_867 : vector<16xf32>
          %add3A_869 = arith.addf %add3A_827, %mul3A_868 : vector<16xf32>
          %add3A_870 = arith.constant 1 : i32
          %add3A_871 = arith.addi %mul3A_794, %add3A_870 : i32
          %get3A_872 = arith.index_cast %rem3A_520 : i32 to index
          %get3A_873 = arith.index_cast %add3A_871 : i32 to index
          %get3A_874 = arith.constant 16 : index
          %get3A_875 = tpu.vector_load %arg8[%get3A_872, %get3A_873, %get3A_874] {strides = array<i32>} : memref<2x640x64xf32, #tpu.memory_space<vmem>>, vector<1x1x16xf32>,
          %get3A_876 = vector.shape_cast %get3A_875 : vector<1x1x16xf32> to vector<16xf32>
          %mul3A_877 = vector.broadcast %squeeze3A_859 : f32 to vector<16xf32>
          %mul3A_878 = arith.mulf %get3A_876, %mul3A_877 : vector<16xf32>
          %add3A_879 = arith.addf %add3A_837, %mul3A_878 : vector<16xf32>
          %add3A_880 = arith.constant 1 : i32
          %add3A_881 = arith.addi %mul3A_794, %add3A_880 : i32
          %get3A_882 = arith.index_cast %rem3A_520 : i32 to index
          %get3A_883 = arith.index_cast %add3A_881 : i32 to index
          %get3A_884 = arith.constant 32 : index
          %get3A_885 = tpu.vector_load %arg8[%get3A_882, %get3A_883, %get3A_884] {strides = array<i32>} : memref<2x640x64xf32, #tpu.memory_space<vmem>>, vector<1x1x16xf32>,
          %get3A_886 = vector.shape_cast %get3A_885 : vector<1x1x16xf32> to vector<16xf32>
          %mul3A_887 = vector.broadcast %squeeze3A_859 : f32 to vector<16xf32>
          %mul3A_888 = arith.mulf %get3A_886, %mul3A_887 : vector<16xf32>
          %add3A_889 = arith.addf %add3A_847, %mul3A_888 : vector<16xf32>
          %add3A_890 = arith.constant 1 : i32
          %add3A_891 = arith.addi %mul3A_794, %add3A_890 : i32
          %get3A_892 = arith.index_cast %rem3A_520 : i32 to index
          %get3A_893 = arith.index_cast %add3A_891 : i32 to index
          %get3A_894 = arith.constant 48 : index
          %get3A_895 = tpu.vector_load %arg8[%get3A_892, %get3A_893, %get3A_894] {strides = array<i32>} : memref<2x640x64xf32, #tpu.memory_space<vmem>>, vector<1x1x16xf32>,
          %get3A_896 = vector.shape_cast %get3A_895 : vector<1x1x16xf32> to vector<16xf32>
          %mul3A_897 = vector.broadcast %squeeze3A_859 : f32 to vector<16xf32>
          %mul3A_898 = arith.mulf %get3A_896, %mul3A_897 : vector<16xf32>
          %add3A_899 = arith.addf %add3A_857, %mul3A_898 : vector<16xf32>
          %slice3A_900 = vector.extract_strided_slice %get3A_802 {offsets = [2], sizes = [1], strides = [1]} : vector<16xf32> to vector<1xf32>
          %squeeze3A_901 = vector.extract %slice3A_900[0] : f32 from vector<1xf32>
          %add3A_902 = arith.constant 2 : i32
          %add3A_903 = arith.addi %mul3A_794, %add3A_902 : i32
          %get3A_904 = arith.index_cast %rem3A_520 : i32 to index
          %get3A_905 = arith.index_cast %add3A_903 : i32 to index
          %get3A_906 = arith.constant 0 : index
          %get3A_907 = tpu.vector_load %arg8[%get3A_904, %get3A_905, %get3A_906] {strides = array<i32>} : memref<2x640x64xf32, #tpu.memory_space<vmem>>, vector<1x1x16xf32>,
          %get3A_908 = vector.shape_cast %get3A_907 : vector<1x1x16xf32> to vector<16xf32>
          %mul3A_909 = vector.broadcast %squeeze3A_901 : f32 to vector<16xf32>
          %mul3A_910 = arith.mulf %get3A_908, %mul3A_909 : vector<16xf32>
          %add3A_911 = arith.addf %add3A_869, %mul3A_910 : vector<16xf32>
          %add3A_912 = arith.constant 2 : i32
          %add3A_913 = arith.addi %mul3A_794, %add3A_912 : i32
          %get3A_914 = arith.index_cast %rem3A_520 : i32 to index
          %get3A_915 = arith.index_cast %add3A_913 : i32 to index
          %get3A_916 = arith.constant 16 : index
          %get3A_917 = tpu.vector_load %arg8[%get3A_914, %get3A_915, %get3A_916] {strides = array<i32>} : memref<2x640x64xf32, #tpu.memory_space<vmem>>, vector<1x1x16xf32>,
          %get3A_918 = vector.shape_cast %get3A_917 : vector<1x1x16xf32> to vector<16xf32>
          %mul3A_919 = vector.broadcast %squeeze3A_901 : f32 to vector<16xf32>
          %mul3A_920 = arith.mulf %get3A_918, %mul3A_919 : vector<16xf32>
          %add3A_921 = arith.addf %add3A_879, %mul3A_920 : vector<16xf32>
          %add3A_922 = arith.constant 2 : i32
          %add3A_923 = arith.addi %mul3A_794, %add3A_922 : i32
          %get3A_924 = arith.index_cast %rem3A_520 : i32 to index
          %get3A_925 = arith.index_cast %add3A_923 : i32 to index
          %get3A_926 = arith.constant 32 : index
          %get3A_927 = tpu.vector_load %arg8[%get3A_924, %get3A_925, %get3A_926] {strides = array<i32>} : memref<2x640x64xf32, #tpu.memory_space<vmem>>, vector<1x1x16xf32>,
          %get3A_928 = vector.shape_cast %get3A_927 : vector<1x1x16xf32> to vector<16xf32>
          %mul3A_929 = vector.broadcast %squeeze3A_901 : f32 to vector<16xf32>
          %mul3A_930 = arith.mulf %get3A_928, %mul3A_929 : vector<16xf32>
          %add3A_931 = arith.addf %add3A_889, %mul3A_930 : vector<16xf32>
          %add3A_932 = arith.constant 2 : i32
          %add3A_933 = arith.addi %mul3A_794, %add3A_932 : i32
          %get3A_934 = arith.index_cast %rem3A_520 : i32 to index
          %get3A_935 = arith.index_cast %add3A_933 : i32 to index
          %get3A_936 = arith.constant 48 : index
          %get3A_937 = tpu.vector_load %arg8[%get3A_934, %get3A_935, %get3A_936] {strides = array<i32>} : memref<2x640x64xf32, #tpu.memory_space<vmem>>, vector<1x1x16xf32>,
          %get3A_938 = vector.shape_cast %get3A_937 : vector<1x1x16xf32> to vector<16xf32>
          %mul3A_939 = vector.broadcast %squeeze3A_901 : f32 to vector<16xf32>
          %mul3A_940 = arith.mulf %get3A_938, %mul3A_939 : vector<16xf32>
          %add3A_941 = arith.addf %add3A_899, %mul3A_940 : vector<16xf32>
          %slice3A_942 = vector.extract_strided_slice %get3A_802 {offsets = [3], sizes = [1], strides = [1]} : vector<16xf32> to vector<1xf32>
          %squeeze3A_943 = vector.extract %slice3A_942[0] : f32 from vector<1xf32>
          %add3A_944 = arith.constant 3 : i32
          %add3A_945 = arith.addi %mul3A_794, %add3A_944 : i32
          %get3A_946 = arith.index_cast %rem3A_520 : i32 to index
          %get3A_947 = arith.index_cast %add3A_945 : i32 to index
          %get3A_948 = arith.constant 0 : index
          %get3A_949 = tpu.vector_load %arg8[%get3A_946, %get3A_947, %get3A_948] {strides = array<i32>} : memref<2x640x64xf32, #tpu.memory_space<vmem>>, vector<1x1x16xf32>,
          %get3A_950 = vector.shape_cast %get3A_949 : vector<1x1x16xf32> to vector<16xf32>
          %mul3A_951 = vector.broadcast %squeeze3A_943 : f32 to vector<16xf32>
          %mul3A_952 = arith.mulf %get3A_950, %mul3A_951 : vector<16xf32>
          %add3A_953 = arith.addf %add3A_911, %mul3A_952 : vector<16xf32>
          %add3A_954 = arith.constant 3 : i32
          %add3A_955 = arith.addi %mul3A_794, %add3A_954 : i32
          %get3A_956 = arith.index_cast %rem3A_520 : i32 to index
          %get3A_957 = arith.index_cast %add3A_955 : i32 to index
          %get3A_958 = arith.constant 16 : index
          %get3A_959 = tpu.vector_load %arg8[%get3A_956, %get3A_957, %get3A_958] {strides = array<i32>} : memref<2x640x64xf32, #tpu.memory_space<vmem>>, vector<1x1x16xf32>,
          %get3A_960 = vector.shape_cast %get3A_959 : vector<1x1x16xf32> to vector<16xf32>
          %mul3A_961 = vector.broadcast %squeeze3A_943 : f32 to vector<16xf32>
          %mul3A_962 = arith.mulf %get3A_960, %mul3A_961 : vector<16xf32>
          %add3A_963 = arith.addf %add3A_921, %mul3A_962 : vector<16xf32>
          %add3A_964 = arith.constant 3 : i32
          %add3A_965 = arith.addi %mul3A_794, %add3A_964 : i32
          %get3A_966 = arith.index_cast %rem3A_520 : i32 to index
          %get3A_967 = arith.index_cast %add3A_965 : i32 to index
          %get3A_968 = arith.constant 32 : index
          %get3A_969 = tpu.vector_load %arg8[%get3A_966, %get3A_967, %get3A_968] {strides = array<i32>} : memref<2x640x64xf32, #tpu.memory_space<vmem>>, vector<1x1x16xf32>,
          %get3A_970 = vector.shape_cast %get3A_969 : vector<1x1x16xf32> to vector<16xf32>
          %mul3A_971 = vector.broadcast %squeeze3A_943 : f32 to vector<16xf32>
          %mul3A_972 = arith.mulf %get3A_970, %mul3A_971 : vector<16xf32>
          %add3A_973 = arith.addf %add3A_931, %mul3A_972 : vector<16xf32>
          %add3A_974 = arith.constant 3 : i32
          %add3A_975 = arith.addi %mul3A_794, %add3A_974 : i32
          %get3A_976 = arith.index_cast %rem3A_520 : i32 to index
          %get3A_977 = arith.index_cast %add3A_975 : i32 to index
          %get3A_978 = arith.constant 48 : index
          %get3A_979 = tpu.vector_load %arg8[%get3A_976, %get3A_977, %get3A_978] {strides = array<i32>} : memref<2x640x64xf32, #tpu.memory_space<vmem>>, vector<1x1x16xf32>,
          %get3A_980 = vector.shape_cast %get3A_979 : vector<1x1x16xf32> to vector<16xf32>
          %mul3A_981 = vector.broadcast %squeeze3A_943 : f32 to vector<16xf32>
          %mul3A_982 = arith.mulf %get3A_980, %mul3A_981 : vector<16xf32>
          %add3A_983 = arith.addf %add3A_941, %mul3A_982 : vector<16xf32>
          %slice3A_984 = vector.extract_strided_slice %get3A_802 {offsets = [4], sizes = [1], strides = [1]} : vector<16xf32> to vector<1xf32>
          %squeeze3A_985 = vector.extract %slice3A_984[0] : f32 from vector<1xf32>
          %add3A_986 = arith.constant 4 : i32
          %add3A_987 = arith.addi %mul3A_794, %add3A_986 : i32
          %get3A_988 = arith.index_cast %rem3A_520 : i32 to index
          %get3A_989 = arith.index_cast %add3A_987 : i32 to index
          %get3A_990 = arith.constant 0 : index
          %get3A_991 = tpu.vector_load %arg8[%get3A_988, %get3A_989, %get3A_990] {strides = array<i32>} : memref<2x640x64xf32, #tpu.memory_space<vmem>>, vector<1x1x16xf32>,
          %get3A_992 = vector.shape_cast %get3A_991 : vector<1x1x16xf32> to vector<16xf32>
          %mul3A_993 = vector.broadcast %squeeze3A_985 : f32 to vector<16xf32>
          %mul3A_994 = arith.mulf %get3A_992, %mul3A_993 : vector<16xf32>
          %add3A_995 = arith.addf %add3A_953, %mul3A_994 : vector<16xf32>
          %add3A_996 = arith.constant 4 : i32
          %add3A_997 = arith.addi %mul3A_794, %add3A_996 : i32
          %get3A_998 = arith.index_cast %rem3A_520 : i32 to index
          %get3A_999 = arith.index_cast %add3A_997 : i32 to index
          %get3A_1000 = arith.constant 16 : index
          %get3A_1001 = tpu.vector_load %arg8[%get3A_998, %get3A_999, %get3A_1000] {strides = array<i32>} : memref<2x640x64xf32, #tpu.memory_space<vmem>>, vector<1x1x16xf32>,
          %get3A_1002 = vector.shape_cast %get3A_1001 : vector<1x1x16xf32> to vector<16xf32>
          %mul3A_1003 = vector.broadcast %squeeze3A_985 : f32 to vector<16xf32>
          %mul3A_1004 = arith.mulf %get3A_1002, %mul3A_1003 : vector<16xf32>
          %add3A_1005 = arith.addf %add3A_963, %mul3A_1004 : vector<16xf32>
          %add3A_1006 = arith.constant 4 : i32
          %add3A_1007 = arith.addi %mul3A_794, %add3A_1006 : i32
          %get3A_1008 = arith.index_cast %rem3A_520 : i32 to index
          %get3A_1009 = arith.index_cast %add3A_1007 : i32 to index
          %get3A_1010 = arith.constant 32 : index
          %get3A_1011 = tpu.vector_load %arg8[%get3A_1008, %get3A_1009, %get3A_1010] {strides = array<i32>} : memref<2x640x64xf32, #tpu.memory_space<vmem>>, vector<1x1x16xf32>,
          %get3A_1012 = vector.shape_cast %get3A_1011 : vector<1x1x16xf32> to vector<16xf32>
          %mul3A_1013 = vector.broadcast %squeeze3A_985 : f32 to vector<16xf32>
          %mul3A_1014 = arith.mulf %get3A_1012, %mul3A_1013 : vector<16xf32>
          %add3A_1015 = arith.addf %add3A_973, %mul3A_1014 : vector<16xf32>
          %add3A_1016 = arith.constant 4 : i32
          %add3A_1017 = arith.addi %mul3A_794, %add3A_1016 : i32
          %get3A_1018 = arith.index_cast %rem3A_520 : i32 to index
          %get3A_1019 = arith.index_cast %add3A_1017 : i32 to index
          %get3A_1020 = arith.constant 48 : index
          %get3A_1021 = tpu.vector_load %arg8[%get3A_1018, %get3A_1019, %get3A_1020] {strides = array<i32>} : memref<2x640x64xf32, #tpu.memory_space<vmem>>, vector<1x1x16xf32>,
          %get3A_1022 = vector.shape_cast %get3A_1021 : vector<1x1x16xf32> to vector<16xf32>
          %mul3A_1023 = vector.broadcast %squeeze3A_985 : f32 to vector<16xf32>
          %mul3A_1024 = arith.mulf %get3A_1022, %mul3A_1023 : vector<16xf32>
          %add3A_1025 = arith.addf %add3A_983, %mul3A_1024 : vector<16xf32>
          %slice3A_1026 = vector.extract_strided_slice %get3A_802 {offsets = [5], sizes = [1], strides = [1]} : vector<16xf32> to vector<1xf32>
          %squeeze3A_1027 = vector.extract %slice3A_1026[0] : f32 from vector<1xf32>
          %add3A_1028 = arith.constant 5 : i32
          %add3A_1029 = arith.addi %mul3A_794, %add3A_1028 : i32
          %get3A_1030 = arith.index_cast %rem3A_520 : i32 to index
          %get3A_1031 = arith.index_cast %add3A_1029 : i32 to index
          %get3A_1032 = arith.constant 0 : index
          %get3A_1033 = tpu.vector_load %arg8[%get3A_1030, %get3A_1031, %get3A_1032] {strides = array<i32>} : memref<2x640x64xf32, #tpu.memory_space<vmem>>, vector<1x1x16xf32>,
          %get3A_1034 = vector.shape_cast %get3A_1033 : vector<1x1x16xf32> to vector<16xf32>
          %mul3A_1035 = vector.broadcast %squeeze3A_1027 : f32 to vector<16xf32>
          %mul3A_1036 = arith.mulf %get3A_1034, %mul3A_1035 : vector<16xf32>
          %add3A_1037 = arith.addf %add3A_995, %mul3A_1036 : vector<16xf32>
          %add3A_1038 = arith.constant 5 : i32
          %add3A_1039 = arith.addi %mul3A_794, %add3A_1038 : i32
          %get3A_1040 = arith.index_cast %rem3A_520 : i32 to index
          %get3A_1041 = arith.index_cast %add3A_1039 : i32 to index
          %get3A_1042 = arith.constant 16 : index
          %get3A_1043 = tpu.vector_load %arg8[%get3A_1040, %get3A_1041, %get3A_1042] {strides = array<i32>} : memref<2x640x64xf32, #tpu.memory_space<vmem>>, vector<1x1x16xf32>,
          %get3A_1044 = vector.shape_cast %get3A_1043 : vector<1x1x16xf32> to vector<16xf32>
          %mul3A_1045 = vector.broadcast %squeeze3A_1027 : f32 to vector<16xf32>
          %mul3A_1046 = arith.mulf %get3A_1044, %mul3A_1045 : vector<16xf32>
          %add3A_1047 = arith.addf %add3A_1005, %mul3A_1046 : vector<16xf32>
          %add3A_1048 = arith.constant 5 : i32
          %add3A_1049 = arith.addi %mul3A_794, %add3A_1048 : i32
          %get3A_1050 = arith.index_cast %rem3A_520 : i32 to index
          %get3A_1051 = arith.index_cast %add3A_1049 : i32 to index
          %get3A_1052 = arith.constant 32 : index
          %get3A_1053 = tpu.vector_load %arg8[%get3A_1050, %get3A_1051, %get3A_1052] {strides = array<i32>} : memref<2x640x64xf32, #tpu.memory_space<vmem>>, vector<1x1x16xf32>,
          %get3A_1054 = vector.shape_cast %get3A_1053 : vector<1x1x16xf32> to vector<16xf32>
          %mul3A_1055 = vector.broadcast %squeeze3A_1027 : f32 to vector<16xf32>
          %mul3A_1056 = arith.mulf %get3A_1054, %mul3A_1055 : vector<16xf32>
          %add3A_1057 = arith.addf %add3A_1015, %mul3A_1056 : vector<16xf32>
          %add3A_1058 = arith.constant 5 : i32
          %add3A_1059 = arith.addi %mul3A_794, %add3A_1058 : i32
          %get3A_1060 = arith.index_cast %rem3A_520 : i32 to index
          %get3A_1061 = arith.index_cast %add3A_1059 : i32 to index
          %get3A_1062 = arith.constant 48 : index
          %get3A_1063 = tpu.vector_load %arg8[%get3A_1060, %get3A_1061, %get3A_1062] {strides = array<i32>} : memref<2x640x64xf32, #tpu.memory_space<vmem>>, vector<1x1x16xf32>,
          %get3A_1064 = vector.shape_cast %get3A_1063 : vector<1x1x16xf32> to vector<16xf32>
          %mul3A_1065 = vector.broadcast %squeeze3A_1027 : f32 to vector<16xf32>
          %mul3A_1066 = arith.mulf %get3A_1064, %mul3A_1065 : vector<16xf32>
          %add3A_1067 = arith.addf %add3A_1025, %mul3A_1066 : vector<16xf32>
          %slice3A_1068 = vector.extract_strided_slice %get3A_802 {offsets = [6], sizes = [1], strides = [1]} : vector<16xf32> to vector<1xf32>
          %squeeze3A_1069 = vector.extract %slice3A_1068[0] : f32 from vector<1xf32>
          %add3A_1070 = arith.constant 6 : i32
          %add3A_1071 = arith.addi %mul3A_794, %add3A_1070 : i32
          %get3A_1072 = arith.index_cast %rem3A_520 : i32 to index
          %get3A_1073 = arith.index_cast %add3A_1071 : i32 to index
          %get3A_1074 = arith.constant 0 : index
          %get3A_1075 = tpu.vector_load %arg8[%get3A_1072, %get3A_1073, %get3A_1074] {strides = array<i32>} : memref<2x640x64xf32, #tpu.memory_space<vmem>>, vector<1x1x16xf32>,
          %get3A_1076 = vector.shape_cast %get3A_1075 : vector<1x1x16xf32> to vector<16xf32>
          %mul3A_1077 = vector.broadcast %squeeze3A_1069 : f32 to vector<16xf32>
          %mul3A_1078 = arith.mulf %get3A_1076, %mul3A_1077 : vector<16xf32>
          %add3A_1079 = arith.addf %add3A_1037, %mul3A_1078 : vector<16xf32>
          %add3A_1080 = arith.constant 6 : i32
          %add3A_1081 = arith.addi %mul3A_794, %add3A_1080 : i32
          %get3A_1082 = arith.index_cast %rem3A_520 : i32 to index
          %get3A_1083 = arith.index_cast %add3A_1081 : i32 to index
          %get3A_1084 = arith.constant 16 : index
          %get3A_1085 = tpu.vector_load %arg8[%get3A_1082, %get3A_1083, %get3A_1084] {strides = array<i32>} : memref<2x640x64xf32, #tpu.memory_space<vmem>>, vector<1x1x16xf32>,
          %get3A_1086 = vector.shape_cast %get3A_1085 : vector<1x1x16xf32> to vector<16xf32>
          %mul3A_1087 = vector.broadcast %squeeze3A_1069 : f32 to vector<16xf32>
          %mul3A_1088 = arith.mulf %get3A_1086, %mul3A_1087 : vector<16xf32>
          %add3A_1089 = arith.addf %add3A_1047, %mul3A_1088 : vector<16xf32>
          %add3A_1090 = arith.constant 6 : i32
          %add3A_1091 = arith.addi %mul3A_794, %add3A_1090 : i32
          %get3A_1092 = arith.index_cast %rem3A_520 : i32 to index
          %get3A_1093 = arith.index_cast %add3A_1091 : i32 to index
          %get3A_1094 = arith.constant 32 : index
          %get3A_1095 = tpu.vector_load %arg8[%get3A_1092, %get3A_1093, %get3A_1094] {strides = array<i32>} : memref<2x640x64xf32, #tpu.memory_space<vmem>>, vector<1x1x16xf32>,
          %get3A_1096 = vector.shape_cast %get3A_1095 : vector<1x1x16xf32> to vector<16xf32>
          %mul3A_1097 = vector.broadcast %squeeze3A_1069 : f32 to vector<16xf32>
          %mul3A_1098 = arith.mulf %get3A_1096, %mul3A_1097 : vector<16xf32>
          %add3A_1099 = arith.addf %add3A_1057, %mul3A_1098 : vector<16xf32>
          %add3A_1100 = arith.constant 6 : i32
          %add3A_1101 = arith.addi %mul3A_794, %add3A_1100 : i32
          %get3A_1102 = arith.index_cast %rem3A_520 : i32 to index
          %get3A_1103 = arith.index_cast %add3A_1101 : i32 to index
          %get3A_1104 = arith.constant 48 : index
          %get3A_1105 = tpu.vector_load %arg8[%get3A_1102, %get3A_1103, %get3A_1104] {strides = array<i32>} : memref<2x640x64xf32, #tpu.memory_space<vmem>>, vector<1x1x16xf32>,
          %get3A_1106 = vector.shape_cast %get3A_1105 : vector<1x1x16xf32> to vector<16xf32>
          %mul3A_1107 = vector.broadcast %squeeze3A_1069 : f32 to vector<16xf32>
          %mul3A_1108 = arith.mulf %get3A_1106, %mul3A_1107 : vector<16xf32>
          %add3A_1109 = arith.addf %add3A_1067, %mul3A_1108 : vector<16xf32>
          %slice3A_1110 = vector.extract_strided_slice %get3A_802 {offsets = [7], sizes = [1], strides = [1]} : vector<16xf32> to vector<1xf32>
          %squeeze3A_1111 = vector.extract %slice3A_1110[0] : f32 from vector<1xf32>
          %add3A_1112 = arith.constant 7 : i32
          %add3A_1113 = arith.addi %mul3A_794, %add3A_1112 : i32
          %get3A_1114 = arith.index_cast %rem3A_520 : i32 to index
          %get3A_1115 = arith.index_cast %add3A_1113 : i32 to index
          %get3A_1116 = arith.constant 0 : index
          %get3A_1117 = tpu.vector_load %arg8[%get3A_1114, %get3A_1115, %get3A_1116] {strides = array<i32>} : memref<2x640x64xf32, #tpu.memory_space<vmem>>, vector<1x1x16xf32>,
          %get3A_1118 = vector.shape_cast %get3A_1117 : vector<1x1x16xf32> to vector<16xf32>
          %mul3A_1119 = vector.broadcast %squeeze3A_1111 : f32 to vector<16xf32>
          %mul3A_1120 = arith.mulf %get3A_1118, %mul3A_1119 : vector<16xf32>
          %add3A_1121 = arith.addf %add3A_1079, %mul3A_1120 : vector<16xf32>
          %add3A_1122 = arith.constant 7 : i32
          %add3A_1123 = arith.addi %mul3A_794, %add3A_1122 : i32
          %get3A_1124 = arith.index_cast %rem3A_520 : i32 to index
          %get3A_1125 = arith.index_cast %add3A_1123 : i32 to index
          %get3A_1126 = arith.constant 16 : index
          %get3A_1127 = tpu.vector_load %arg8[%get3A_1124, %get3A_1125, %get3A_1126] {strides = array<i32>} : memref<2x640x64xf32, #tpu.memory_space<vmem>>, vector<1x1x16xf32>,
          %get3A_1128 = vector.shape_cast %get3A_1127 : vector<1x1x16xf32> to vector<16xf32>
          %mul3A_1129 = vector.broadcast %squeeze3A_1111 : f32 to vector<16xf32>
          %mul3A_1130 = arith.mulf %get3A_1128, %mul3A_1129 : vector<16xf32>
          %add3A_1131 = arith.addf %add3A_1089, %mul3A_1130 : vector<16xf32>
          %add3A_1132 = arith.constant 7 : i32
          %add3A_1133 = arith.addi %mul3A_794, %add3A_1132 : i32
          %get3A_1134 = arith.index_cast %rem3A_520 : i32 to index
          %get3A_1135 = arith.index_cast %add3A_1133 : i32 to index
          %get3A_1136 = arith.constant 32 : index
          %get3A_1137 = tpu.vector_load %arg8[%get3A_1134, %get3A_1135, %get3A_1136] {strides = array<i32>} : memref<2x640x64xf32, #tpu.memory_space<vmem>>, vector<1x1x16xf32>,
          %get3A_1138 = vector.shape_cast %get3A_1137 : vector<1x1x16xf32> to vector<16xf32>
          %mul3A_1139 = vector.broadcast %squeeze3A_1111 : f32 to vector<16xf32>
          %mul3A_1140 = arith.mulf %get3A_1138, %mul3A_1139 : vector<16xf32>
          %add3A_1141 = arith.addf %add3A_1099, %mul3A_1140 : vector<16xf32>
          %add3A_1142 = arith.constant 7 : i32
          %add3A_1143 = arith.addi %mul3A_794, %add3A_1142 : i32
          %get3A_1144 = arith.index_cast %rem3A_520 : i32 to index
          %get3A_1145 = arith.index_cast %add3A_1143 : i32 to index
          %get3A_1146 = arith.constant 48 : index
          %get3A_1147 = tpu.vector_load %arg8[%get3A_1144, %get3A_1145, %get3A_1146] {strides = array<i32>} : memref<2x640x64xf32, #tpu.memory_space<vmem>>, vector<1x1x16xf32>,
          %get3A_1148 = vector.shape_cast %get3A_1147 : vector<1x1x16xf32> to vector<16xf32>
          %mul3A_1149 = vector.broadcast %squeeze3A_1111 : f32 to vector<16xf32>
          %mul3A_1150 = arith.mulf %get3A_1148, %mul3A_1149 : vector<16xf32>
          %add3A_1151 = arith.addf %add3A_1109, %mul3A_1150 : vector<16xf32>
          %slice3A_1152 = vector.extract_strided_slice %get3A_802 {offsets = [8], sizes = [1], strides = [1]} : vector<16xf32> to vector<1xf32>
          %squeeze3A_1153 = vector.extract %slice3A_1152[0] : f32 from vector<1xf32>
          %add3A_1154 = arith.constant 8 : i32
          %add3A_1155 = arith.addi %mul3A_794, %add3A_1154 : i32
          %get3A_1156 = arith.index_cast %rem3A_520 : i32 to index
          %get3A_1157 = arith.index_cast %add3A_1155 : i32 to index
          %get3A_1158 = arith.constant 0 : index
          %get3A_1159 = tpu.vector_load %arg8[%get3A_1156, %get3A_1157, %get3A_1158] {strides = array<i32>} : memref<2x640x64xf32, #tpu.memory_space<vmem>>, vector<1x1x16xf32>,
          %get3A_1160 = vector.shape_cast %get3A_1159 : vector<1x1x16xf32> to vector<16xf32>
          %mul3A_1161 = vector.broadcast %squeeze3A_1153 : f32 to vector<16xf32>
          %mul3A_1162 = arith.mulf %get3A_1160, %mul3A_1161 : vector<16xf32>
          %add3A_1163 = arith.addf %add3A_1121, %mul3A_1162 : vector<16xf32>
          %add3A_1164 = arith.constant 8 : i32
          %add3A_1165 = arith.addi %mul3A_794, %add3A_1164 : i32
          %get3A_1166 = arith.index_cast %rem3A_520 : i32 to index
          %get3A_1167 = arith.index_cast %add3A_1165 : i32 to index
          %get3A_1168 = arith.constant 16 : index
          %get3A_1169 = tpu.vector_load %arg8[%get3A_1166, %get3A_1167, %get3A_1168] {strides = array<i32>} : memref<2x640x64xf32, #tpu.memory_space<vmem>>, vector<1x1x16xf32>,
          %get3A_1170 = vector.shape_cast %get3A_1169 : vector<1x1x16xf32> to vector<16xf32>
          %mul3A_1171 = vector.broadcast %squeeze3A_1153 : f32 to vector<16xf32>
          %mul3A_1172 = arith.mulf %get3A_1170, %mul3A_1171 : vector<16xf32>
          %add3A_1173 = arith.addf %add3A_1131, %mul3A_1172 : vector<16xf32>
          %add3A_1174 = arith.constant 8 : i32
          %add3A_1175 = arith.addi %mul3A_794, %add3A_1174 : i32
          %get3A_1176 = arith.index_cast %rem3A_520 : i32 to index
          %get3A_1177 = arith.index_cast %add3A_1175 : i32 to index
          %get3A_1178 = arith.constant 32 : index
          %get3A_1179 = tpu.vector_load %arg8[%get3A_1176, %get3A_1177, %get3A_1178] {strides = array<i32>} : memref<2x640x64xf32, #tpu.memory_space<vmem>>, vector<1x1x16xf32>,
          %get3A_1180 = vector.shape_cast %get3A_1179 : vector<1x1x16xf32> to vector<16xf32>
          %mul3A_1181 = vector.broadcast %squeeze3A_1153 : f32 to vector<16xf32>
          %mul3A_1182 = arith.mulf %get3A_1180, %mul3A_1181 : vector<16xf32>
          %add3A_1183 = arith.addf %add3A_1141, %mul3A_1182 : vector<16xf32>
          %add3A_1184 = arith.constant 8 : i32
          %add3A_1185 = arith.addi %mul3A_794, %add3A_1184 : i32
          %get3A_1186 = arith.index_cast %rem3A_520 : i32 to index
          %get3A_1187 = arith.index_cast %add3A_1185 : i32 to index
          %get3A_1188 = arith.constant 48 : index
          %get3A_1189 = tpu.vector_load %arg8[%get3A_1186, %get3A_1187, %get3A_1188] {strides = array<i32>} : memref<2x640x64xf32, #tpu.memory_space<vmem>>, vector<1x1x16xf32>,
          %get3A_1190 = vector.shape_cast %get3A_1189 : vector<1x1x16xf32> to vector<16xf32>
          %mul3A_1191 = vector.broadcast %squeeze3A_1153 : f32 to vector<16xf32>
          %mul3A_1192 = arith.mulf %get3A_1190, %mul3A_1191 : vector<16xf32>
          %add3A_1193 = arith.addf %add3A_1151, %mul3A_1192 : vector<16xf32>
          %slice3A_1194 = vector.extract_strided_slice %get3A_802 {offsets = [9], sizes = [1], strides = [1]} : vector<16xf32> to vector<1xf32>
          %squeeze3A_1195 = vector.extract %slice3A_1194[0] : f32 from vector<1xf32>
          %add3A_1196 = arith.constant 9 : i32
          %add3A_1197 = arith.addi %mul3A_794, %add3A_1196 : i32
          %get3A_1198 = arith.index_cast %rem3A_520 : i32 to index
          %get3A_1199 = arith.index_cast %add3A_1197 : i32 to index
          %get3A_1200 = arith.constant 0 : index
          %get3A_1201 = tpu.vector_load %arg8[%get3A_1198, %get3A_1199, %get3A_1200] {strides = array<i32>} : memref<2x640x64xf32, #tpu.memory_space<vmem>>, vector<1x1x16xf32>,
          %get3A_1202 = vector.shape_cast %get3A_1201 : vector<1x1x16xf32> to vector<16xf32>
          %mul3A_1203 = vector.broadcast %squeeze3A_1195 : f32 to vector<16xf32>
          %mul3A_1204 = arith.mulf %get3A_1202, %mul3A_1203 : vector<16xf32>
          %add3A_1205 = arith.addf %add3A_1163, %mul3A_1204 : vector<16xf32>
          %add3A_1206 = arith.constant 9 : i32
          %add3A_1207 = arith.addi %mul3A_794, %add3A_1206 : i32
          %get3A_1208 = arith.index_cast %rem3A_520 : i32 to index
          %get3A_1209 = arith.index_cast %add3A_1207 : i32 to index
          %get3A_1210 = arith.constant 16 : index
          %get3A_1211 = tpu.vector_load %arg8[%get3A_1208, %get3A_1209, %get3A_1210] {strides = array<i32>} : memref<2x640x64xf32, #tpu.memory_space<vmem>>, vector<1x1x16xf32>,
          %get3A_1212 = vector.shape_cast %get3A_1211 : vector<1x1x16xf32> to vector<16xf32>
          %mul3A_1213 = vector.broadcast %squeeze3A_1195 : f32 to vector<16xf32>
          %mul3A_1214 = arith.mulf %get3A_1212, %mul3A_1213 : vector<16xf32>
          %add3A_1215 = arith.addf %add3A_1173, %mul3A_1214 : vector<16xf32>
          %add3A_1216 = arith.constant 9 : i32
          %add3A_1217 = arith.addi %mul3A_794, %add3A_1216 : i32
          %get3A_1218 = arith.index_cast %rem3A_520 : i32 to index
          %get3A_1219 = arith.index_cast %add3A_1217 : i32 to index
          %get3A_1220 = arith.constant 32 : index
          %get3A_1221 = tpu.vector_load %arg8[%get3A_1218, %get3A_1219, %get3A_1220] {strides = array<i32>} : memref<2x640x64xf32, #tpu.memory_space<vmem>>, vector<1x1x16xf32>,
          %get3A_1222 = vector.shape_cast %get3A_1221 : vector<1x1x16xf32> to vector<16xf32>
          %mul3A_1223 = vector.broadcast %squeeze3A_1195 : f32 to vector<16xf32>
          %mul3A_1224 = arith.mulf %get3A_1222, %mul3A_1223 : vector<16xf32>
          %add3A_1225 = arith.addf %add3A_1183, %mul3A_1224 : vector<16xf32>
          %add3A_1226 = arith.constant 9 : i32
          %add3A_1227 = arith.addi %mul3A_794, %add3A_1226 : i32
          %get3A_1228 = arith.index_cast %rem3A_520 : i32 to index
          %get3A_1229 = arith.index_cast %add3A_1227 : i32 to index
          %get3A_1230 = arith.constant 48 : index
          %get3A_1231 = tpu.vector_load %arg8[%get3A_1228, %get3A_1229, %get3A_1230] {strides = array<i32>} : memref<2x640x64xf32, #tpu.memory_space<vmem>>, vector<1x1x16xf32>,
          %get3A_1232 = vector.shape_cast %get3A_1231 : vector<1x1x16xf32> to vector<16xf32>
          %mul3A_1233 = vector.broadcast %squeeze3A_1195 : f32 to vector<16xf32>
          %mul3A_1234 = arith.mulf %get3A_1232, %mul3A_1233 : vector<16xf32>
          %add3A_1235 = arith.addf %add3A_1193, %mul3A_1234 : vector<16xf32>
          %slice3A_1236 = vector.extract_strided_slice %get3A_802 {offsets = [10], sizes = [1], strides = [1]} : vector<16xf32> to vector<1xf32>
          %squeeze3A_1237 = vector.extract %slice3A_1236[0] : f32 from vector<1xf32>
          %add3A_1238 = arith.constant 10 : i32
          %add3A_1239 = arith.addi %mul3A_794, %add3A_1238 : i32
          %get3A_1240 = arith.index_cast %rem3A_520 : i32 to index
          %get3A_1241 = arith.index_cast %add3A_1239 : i32 to index
          %get3A_1242 = arith.constant 0 : index
          %get3A_1243 = tpu.vector_load %arg8[%get3A_1240, %get3A_1241, %get3A_1242] {strides = array<i32>} : memref<2x640x64xf32, #tpu.memory_space<vmem>>, vector<1x1x16xf32>,
          %get3A_1244 = vector.shape_cast %get3A_1243 : vector<1x1x16xf32> to vector<16xf32>
          %mul3A_1245 = vector.broadcast %squeeze3A_1237 : f32 to vector<16xf32>
          %mul3A_1246 = arith.mulf %get3A_1244, %mul3A_1245 : vector<16xf32>
          %add3A_1247 = arith.addf %add3A_1205, %mul3A_1246 : vector<16xf32>
          %add3A_1248 = arith.constant 10 : i32
          %add3A_1249 = arith.addi %mul3A_794, %add3A_1248 : i32
          %get3A_1250 = arith.index_cast %rem3A_520 : i32 to index
          %get3A_1251 = arith.index_cast %add3A_1249 : i32 to index
          %get3A_1252 = arith.constant 16 : index
          %get3A_1253 = tpu.vector_load %arg8[%get3A_1250, %get3A_1251, %get3A_1252] {strides = array<i32>} : memref<2x640x64xf32, #tpu.memory_space<vmem>>, vector<1x1x16xf32>,
          %get3A_1254 = vector.shape_cast %get3A_1253 : vector<1x1x16xf32> to vector<16xf32>
          %mul3A_1255 = vector.broadcast %squeeze3A_1237 : f32 to vector<16xf32>
          %mul3A_1256 = arith.mulf %get3A_1254, %mul3A_1255 : vector<16xf32>
          %add3A_1257 = arith.addf %add3A_1215, %mul3A_1256 : vector<16xf32>
          %add3A_1258 = arith.constant 10 : i32
          %add3A_1259 = arith.addi %mul3A_794, %add3A_1258 : i32
          %get3A_1260 = arith.index_cast %rem3A_520 : i32 to index
          %get3A_1261 = arith.index_cast %add3A_1259 : i32 to index
          %get3A_1262 = arith.constant 32 : index
          %get3A_1263 = tpu.vector_load %arg8[%get3A_1260, %get3A_1261, %get3A_1262] {strides = array<i32>} : memref<2x640x64xf32, #tpu.memory_space<vmem>>, vector<1x1x16xf32>,
          %get3A_1264 = vector.shape_cast %get3A_1263 : vector<1x1x16xf32> to vector<16xf32>
          %mul3A_1265 = vector.broadcast %squeeze3A_1237 : f32 to vector<16xf32>
          %mul3A_1266 = arith.mulf %get3A_1264, %mul3A_1265 : vector<16xf32>
          %add3A_1267 = arith.addf %add3A_1225, %mul3A_1266 : vector<16xf32>
          %add3A_1268 = arith.constant 10 : i32
          %add3A_1269 = arith.addi %mul3A_794, %add3A_1268 : i32
          %get3A_1270 = arith.index_cast %rem3A_520 : i32 to index
          %get3A_1271 = arith.index_cast %add3A_1269 : i32 to index
          %get3A_1272 = arith.constant 48 : index
          %get3A_1273 = tpu.vector_load %arg8[%get3A_1270, %get3A_1271, %get3A_1272] {strides = array<i32>} : memref<2x640x64xf32, #tpu.memory_space<vmem>>, vector<1x1x16xf32>,
          %get3A_1274 = vector.shape_cast %get3A_1273 : vector<1x1x16xf32> to vector<16xf32>
          %mul3A_1275 = vector.broadcast %squeeze3A_1237 : f32 to vector<16xf32>
          %mul3A_1276 = arith.mulf %get3A_1274, %mul3A_1275 : vector<16xf32>
          %add3A_1277 = arith.addf %add3A_1235, %mul3A_1276 : vector<16xf32>
          %slice3A_1278 = vector.extract_strided_slice %get3A_802 {offsets = [11], sizes = [1], strides = [1]} : vector<16xf32> to vector<1xf32>
          %squeeze3A_1279 = vector.extract %slice3A_1278[0] : f32 from vector<1xf32>
          %add3A_1280 = arith.constant 11 : i32
          %add3A_1281 = arith.addi %mul3A_794, %add3A_1280 : i32
          %get3A_1282 = arith.index_cast %rem3A_520 : i32 to index
          %get3A_1283 = arith.index_cast %add3A_1281 : i32 to index
          %get3A_1284 = arith.constant 0 : index
          %get3A_1285 = tpu.vector_load %arg8[%get3A_1282, %get3A_1283, %get3A_1284] {strides = array<i32>} : memref<2x640x64xf32, #tpu.memory_space<vmem>>, vector<1x1x16xf32>,
          %get3A_1286 = vector.shape_cast %get3A_1285 : vector<1x1x16xf32> to vector<16xf32>
          %mul3A_1287 = vector.broadcast %squeeze3A_1279 : f32 to vector<16xf32>
          %mul3A_1288 = arith.mulf %get3A_1286, %mul3A_1287 : vector<16xf32>
          %add3A_1289 = arith.addf %add3A_1247, %mul3A_1288 : vector<16xf32>
          %add3A_1290 = arith.constant 11 : i32
          %add3A_1291 = arith.addi %mul3A_794, %add3A_1290 : i32
          %get3A_1292 = arith.index_cast %rem3A_520 : i32 to index
          %get3A_1293 = arith.index_cast %add3A_1291 : i32 to index
          %get3A_1294 = arith.constant 16 : index
          %get3A_1295 = tpu.vector_load %arg8[%get3A_1292, %get3A_1293, %get3A_1294] {strides = array<i32>} : memref<2x640x64xf32, #tpu.memory_space<vmem>>, vector<1x1x16xf32>,
          %get3A_1296 = vector.shape_cast %get3A_1295 : vector<1x1x16xf32> to vector<16xf32>
          %mul3A_1297 = vector.broadcast %squeeze3A_1279 : f32 to vector<16xf32>
          %mul3A_1298 = arith.mulf %get3A_1296, %mul3A_1297 : vector<16xf32>
          %add3A_1299 = arith.addf %add3A_1257, %mul3A_1298 : vector<16xf32>
          %add3A_1300 = arith.constant 11 : i32
          %add3A_1301 = arith.addi %mul3A_794, %add3A_1300 : i32
          %get3A_1302 = arith.index_cast %rem3A_520 : i32 to index
          %get3A_1303 = arith.index_cast %add3A_1301 : i32 to index
          %get3A_1304 = arith.constant 32 : index
          %get3A_1305 = tpu.vector_load %arg8[%get3A_1302, %get3A_1303, %get3A_1304] {strides = array<i32>} : memref<2x640x64xf32, #tpu.memory_space<vmem>>, vector<1x1x16xf32>,
          %get3A_1306 = vector.shape_cast %get3A_1305 : vector<1x1x16xf32> to vector<16xf32>
          %mul3A_1307 = vector.broadcast %squeeze3A_1279 : f32 to vector<16xf32>
          %mul3A_1308 = arith.mulf %get3A_1306, %mul3A_1307 : vector<16xf32>
          %add3A_1309 = arith.addf %add3A_1267, %mul3A_1308 : vector<16xf32>
          %add3A_1310 = arith.constant 11 : i32
          %add3A_1311 = arith.addi %mul3A_794, %add3A_1310 : i32
          %get3A_1312 = arith.index_cast %rem3A_520 : i32 to index
          %get3A_1313 = arith.index_cast %add3A_1311 : i32 to index
          %get3A_1314 = arith.constant 48 : index
          %get3A_1315 = tpu.vector_load %arg8[%get3A_1312, %get3A_1313, %get3A_1314] {strides = array<i32>} : memref<2x640x64xf32, #tpu.memory_space<vmem>>, vector<1x1x16xf32>,
          %get3A_1316 = vector.shape_cast %get3A_1315 : vector<1x1x16xf32> to vector<16xf32>
          %mul3A_1317 = vector.broadcast %squeeze3A_1279 : f32 to vector<16xf32>
          %mul3A_1318 = arith.mulf %get3A_1316, %mul3A_1317 : vector<16xf32>
          %add3A_1319 = arith.addf %add3A_1277, %mul3A_1318 : vector<16xf32>
          %slice3A_1320 = vector.extract_strided_slice %get3A_802 {offsets = [12], sizes = [1], strides = [1]} : vector<16xf32> to vector<1xf32>
          %squeeze3A_1321 = vector.extract %slice3A_1320[0] : f32 from vector<1xf32>
          %add3A_1322 = arith.constant 12 : i32
          %add3A_1323 = arith.addi %mul3A_794, %add3A_1322 : i32
          %get3A_1324 = arith.index_cast %rem3A_520 : i32 to index
          %get3A_1325 = arith.index_cast %add3A_1323 : i32 to index
          %get3A_1326 = arith.constant 0 : index
          %get3A_1327 = tpu.vector_load %arg8[%get3A_1324, %get3A_1325, %get3A_1326] {strides = array<i32>} : memref<2x640x64xf32, #tpu.memory_space<vmem>>, vector<1x1x16xf32>,
          %get3A_1328 = vector.shape_cast %get3A_1327 : vector<1x1x16xf32> to vector<16xf32>
          %mul3A_1329 = vector.broadcast %squeeze3A_1321 : f32 to vector<16xf32>
          %mul3A_1330 = arith.mulf %get3A_1328, %mul3A_1329 : vector<16xf32>
          %add3A_1331 = arith.addf %add3A_1289, %mul3A_1330 : vector<16xf32>
          %add3A_1332 = arith.constant 12 : i32
          %add3A_1333 = arith.addi %mul3A_794, %add3A_1332 : i32
          %get3A_1334 = arith.index_cast %rem3A_520 : i32 to index
          %get3A_1335 = arith.index_cast %add3A_1333 : i32 to index
          %get3A_1336 = arith.constant 16 : index
          %get3A_1337 = tpu.vector_load %arg8[%get3A_1334, %get3A_1335, %get3A_1336] {strides = array<i32>} : memref<2x640x64xf32, #tpu.memory_space<vmem>>, vector<1x1x16xf32>,
          %get3A_1338 = vector.shape_cast %get3A_1337 : vector<1x1x16xf32> to vector<16xf32>
          %mul3A_1339 = vector.broadcast %squeeze3A_1321 : f32 to vector<16xf32>
          %mul3A_1340 = arith.mulf %get3A_1338, %mul3A_1339 : vector<16xf32>
          %add3A_1341 = arith.addf %add3A_1299, %mul3A_1340 : vector<16xf32>
          %add3A_1342 = arith.constant 12 : i32
          %add3A_1343 = arith.addi %mul3A_794, %add3A_1342 : i32
          %get3A_1344 = arith.index_cast %rem3A_520 : i32 to index
          %get3A_1345 = arith.index_cast %add3A_1343 : i32 to index
          %get3A_1346 = arith.constant 32 : index
          %get3A_1347 = tpu.vector_load %arg8[%get3A_1344, %get3A_1345, %get3A_1346] {strides = array<i32>} : memref<2x640x64xf32, #tpu.memory_space<vmem>>, vector<1x1x16xf32>,
          %get3A_1348 = vector.shape_cast %get3A_1347 : vector<1x1x16xf32> to vector<16xf32>
          %mul3A_1349 = vector.broadcast %squeeze3A_1321 : f32 to vector<16xf32>
          %mul3A_1350 = arith.mulf %get3A_1348, %mul3A_1349 : vector<16xf32>
          %add3A_1351 = arith.addf %add3A_1309, %mul3A_1350 : vector<16xf32>
          %add3A_1352 = arith.constant 12 : i32
          %add3A_1353 = arith.addi %mul3A_794, %add3A_1352 : i32
          %get3A_1354 = arith.index_cast %rem3A_520 : i32 to index
          %get3A_1355 = arith.index_cast %add3A_1353 : i32 to index
          %get3A_1356 = arith.constant 48 : index
          %get3A_1357 = tpu.vector_load %arg8[%get3A_1354, %get3A_1355, %get3A_1356] {strides = array<i32>} : memref<2x640x64xf32, #tpu.memory_space<vmem>>, vector<1x1x16xf32>,
          %get3A_1358 = vector.shape_cast %get3A_1357 : vector<1x1x16xf32> to vector<16xf32>
          %mul3A_1359 = vector.broadcast %squeeze3A_1321 : f32 to vector<16xf32>
          %mul3A_1360 = arith.mulf %get3A_1358, %mul3A_1359 : vector<16xf32>
          %add3A_1361 = arith.addf %add3A_1319, %mul3A_1360 : vector<16xf32>
          %slice3A_1362 = vector.extract_strided_slice %get3A_802 {offsets = [13], sizes = [1], strides = [1]} : vector<16xf32> to vector<1xf32>
          %squeeze3A_1363 = vector.extract %slice3A_1362[0] : f32 from vector<1xf32>
          %add3A_1364 = arith.constant 13 : i32
          %add3A_1365 = arith.addi %mul3A_794, %add3A_1364 : i32
          %get3A_1366 = arith.index_cast %rem3A_520 : i32 to index
          %get3A_1367 = arith.index_cast %add3A_1365 : i32 to index
          %get3A_1368 = arith.constant 0 : index
          %get3A_1369 = tpu.vector_load %arg8[%get3A_1366, %get3A_1367, %get3A_1368] {strides = array<i32>} : memref<2x640x64xf32, #tpu.memory_space<vmem>>, vector<1x1x16xf32>,
          %get3A_1370 = vector.shape_cast %get3A_1369 : vector<1x1x16xf32> to vector<16xf32>
          %mul3A_1371 = vector.broadcast %squeeze3A_1363 : f32 to vector<16xf32>
          %mul3A_1372 = arith.mulf %get3A_1370, %mul3A_1371 : vector<16xf32>
          %add3A_1373 = arith.addf %add3A_1331, %mul3A_1372 : vector<16xf32>
          %add3A_1374 = arith.constant 13 : i32
          %add3A_1375 = arith.addi %mul3A_794, %add3A_1374 : i32
          %get3A_1376 = arith.index_cast %rem3A_520 : i32 to index
          %get3A_1377 = arith.index_cast %add3A_1375 : i32 to index
          %get3A_1378 = arith.constant 16 : index
          %get3A_1379 = tpu.vector_load %arg8[%get3A_1376, %get3A_1377, %get3A_1378] {strides = array<i32>} : memref<2x640x64xf32, #tpu.memory_space<vmem>>, vector<1x1x16xf32>,
          %get3A_1380 = vector.shape_cast %get3A_1379 : vector<1x1x16xf32> to vector<16xf32>
          %mul3A_1381 = vector.broadcast %squeeze3A_1363 : f32 to vector<16xf32>
          %mul3A_1382 = arith.mulf %get3A_1380, %mul3A_1381 : vector<16xf32>
          %add3A_1383 = arith.addf %add3A_1341, %mul3A_1382 : vector<16xf32>
          %add3A_1384 = arith.constant 13 : i32
          %add3A_1385 = arith.addi %mul3A_794, %add3A_1384 : i32
          %get3A_1386 = arith.index_cast %rem3A_520 : i32 to index
          %get3A_1387 = arith.index_cast %add3A_1385 : i32 to index
          %get3A_1388 = arith.constant 32 : index
          %get3A_1389 = tpu.vector_load %arg8[%get3A_1386, %get3A_1387, %get3A_1388] {strides = array<i32>} : memref<2x640x64xf32, #tpu.memory_space<vmem>>, vector<1x1x16xf32>,
          %get3A_1390 = vector.shape_cast %get3A_1389 : vector<1x1x16xf32> to vector<16xf32>
          %mul3A_1391 = vector.broadcast %squeeze3A_1363 : f32 to vector<16xf32>
          %mul3A_1392 = arith.mulf %get3A_1390, %mul3A_1391 : vector<16xf32>
          %add3A_1393 = arith.addf %add3A_1351, %mul3A_1392 : vector<16xf32>
          %add3A_1394 = arith.constant 13 : i32
          %add3A_1395 = arith.addi %mul3A_794, %add3A_1394 : i32
          %get3A_1396 = arith.index_cast %rem3A_520 : i32 to index
          %get3A_1397 = arith.index_cast %add3A_1395 : i32 to index
          %get3A_1398 = arith.constant 48 : index
          %get3A_1399 = tpu.vector_load %arg8[%get3A_1396, %get3A_1397, %get3A_1398] {strides = array<i32>} : memref<2x640x64xf32, #tpu.memory_space<vmem>>, vector<1x1x16xf32>,
          %get3A_1400 = vector.shape_cast %get3A_1399 : vector<1x1x16xf32> to vector<16xf32>
          %mul3A_1401 = vector.broadcast %squeeze3A_1363 : f32 to vector<16xf32>
          %mul3A_1402 = arith.mulf %get3A_1400, %mul3A_1401 : vector<16xf32>
          %add3A_1403 = arith.addf %add3A_1361, %mul3A_1402 : vector<16xf32>
          %slice3A_1404 = vector.extract_strided_slice %get3A_802 {offsets = [14], sizes = [1], strides = [1]} : vector<16xf32> to vector<1xf32>
          %squeeze3A_1405 = vector.extract %slice3A_1404[0] : f32 from vector<1xf32>
          %add3A_1406 = arith.constant 14 : i32
          %add3A_1407 = arith.addi %mul3A_794, %add3A_1406 : i32
          %get3A_1408 = arith.index_cast %rem3A_520 : i32 to index
          %get3A_1409 = arith.index_cast %add3A_1407 : i32 to index
          %get3A_1410 = arith.constant 0 : index
          %get3A_1411 = tpu.vector_load %arg8[%get3A_1408, %get3A_1409, %get3A_1410] {strides = array<i32>} : memref<2x640x64xf32, #tpu.memory_space<vmem>>, vector<1x1x16xf32>,
          %get3A_1412 = vector.shape_cast %get3A_1411 : vector<1x1x16xf32> to vector<16xf32>
          %mul3A_1413 = vector.broadcast %squeeze3A_1405 : f32 to vector<16xf32>
          %mul3A_1414 = arith.mulf %get3A_1412, %mul3A_1413 : vector<16xf32>
          %add3A_1415 = arith.addf %add3A_1373, %mul3A_1414 : vector<16xf32>
          %add3A_1416 = arith.constant 14 : i32
          %add3A_1417 = arith.addi %mul3A_794, %add3A_1416 : i32
          %get3A_1418 = arith.index_cast %rem3A_520 : i32 to index
          %get3A_1419 = arith.index_cast %add3A_1417 : i32 to index
          %get3A_1420 = arith.constant 16 : index
          %get3A_1421 = tpu.vector_load %arg8[%get3A_1418, %get3A_1419, %get3A_1420] {strides = array<i32>} : memref<2x640x64xf32, #tpu.memory_space<vmem>>, vector<1x1x16xf32>,
          %get3A_1422 = vector.shape_cast %get3A_1421 : vector<1x1x16xf32> to vector<16xf32>
          %mul3A_1423 = vector.broadcast %squeeze3A_1405 : f32 to vector<16xf32>
          %mul3A_1424 = arith.mulf %get3A_1422, %mul3A_1423 : vector<16xf32>
          %add3A_1425 = arith.addf %add3A_1383, %mul3A_1424 : vector<16xf32>
          %add3A_1426 = arith.constant 14 : i32
          %add3A_1427 = arith.addi %mul3A_794, %add3A_1426 : i32
          %get3A_1428 = arith.index_cast %rem3A_520 : i32 to index
          %get3A_1429 = arith.index_cast %add3A_1427 : i32 to index
          %get3A_1430 = arith.constant 32 : index
          %get3A_1431 = tpu.vector_load %arg8[%get3A_1428, %get3A_1429, %get3A_1430] {strides = array<i32>} : memref<2x640x64xf32, #tpu.memory_space<vmem>>, vector<1x1x16xf32>,
          %get3A_1432 = vector.shape_cast %get3A_1431 : vector<1x1x16xf32> to vector<16xf32>
          %mul3A_1433 = vector.broadcast %squeeze3A_1405 : f32 to vector<16xf32>
          %mul3A_1434 = arith.mulf %get3A_1432, %mul3A_1433 : vector<16xf32>
          %add3A_1435 = arith.addf %add3A_1393, %mul3A_1434 : vector<16xf32>
          %add3A_1436 = arith.constant 14 : i32
          %add3A_1437 = arith.addi %mul3A_794, %add3A_1436 : i32
          %get3A_1438 = arith.index_cast %rem3A_520 : i32 to index
          %get3A_1439 = arith.index_cast %add3A_1437 : i32 to index
          %get3A_1440 = arith.constant 48 : index
          %get3A_1441 = tpu.vector_load %arg8[%get3A_1438, %get3A_1439, %get3A_1440] {strides = array<i32>} : memref<2x640x64xf32, #tpu.memory_space<vmem>>, vector<1x1x16xf32>,
          %get3A_1442 = vector.shape_cast %get3A_1441 : vector<1x1x16xf32> to vector<16xf32>
          %mul3A_1443 = vector.broadcast %squeeze3A_1405 : f32 to vector<16xf32>
          %mul3A_1444 = arith.mulf %get3A_1442, %mul3A_1443 : vector<16xf32>
          %add3A_1445 = arith.addf %add3A_1403, %mul3A_1444 : vector<16xf32>
          %slice3A_1446 = vector.extract_strided_slice %get3A_802 {offsets = [15], sizes = [1], strides = [1]} : vector<16xf32> to vector<1xf32>
          %squeeze3A_1447 = vector.extract %slice3A_1446[0] : f32 from vector<1xf32>
          %add3A_1448 = arith.constant 15 : i32
          %add3A_1449 = arith.addi %mul3A_794, %add3A_1448 : i32
          %get3A_1450 = arith.index_cast %rem3A_520 : i32 to index
          %get3A_1451 = arith.index_cast %add3A_1449 : i32 to index
          %get3A_1452 = arith.constant 0 : index
          %get3A_1453 = tpu.vector_load %arg8[%get3A_1450, %get3A_1451, %get3A_1452] {strides = array<i32>} : memref<2x640x64xf32, #tpu.memory_space<vmem>>, vector<1x1x16xf32>,
          %get3A_1454 = vector.shape_cast %get3A_1453 : vector<1x1x16xf32> to vector<16xf32>
          %mul3A_1455 = vector.broadcast %squeeze3A_1447 : f32 to vector<16xf32>
          %mul3A_1456 = arith.mulf %get3A_1454, %mul3A_1455 : vector<16xf32>
          %add3A_1457 = arith.addf %add3A_1415, %mul3A_1456 : vector<16xf32>
          %add3A_1458 = arith.constant 15 : i32
          %add3A_1459 = arith.addi %mul3A_794, %add3A_1458 : i32
          %get3A_1460 = arith.index_cast %rem3A_520 : i32 to index
          %get3A_1461 = arith.index_cast %add3A_1459 : i32 to index
          %get3A_1462 = arith.constant 16 : index
          %get3A_1463 = tpu.vector_load %arg8[%get3A_1460, %get3A_1461, %get3A_1462] {strides = array<i32>} : memref<2x640x64xf32, #tpu.memory_space<vmem>>, vector<1x1x16xf32>,
          %get3A_1464 = vector.shape_cast %get3A_1463 : vector<1x1x16xf32> to vector<16xf32>
          %mul3A_1465 = vector.broadcast %squeeze3A_1447 : f32 to vector<16xf32>
          %mul3A_1466 = arith.mulf %get3A_1464, %mul3A_1465 : vector<16xf32>
          %add3A_1467 = arith.addf %add3A_1425, %mul3A_1466 : vector<16xf32>
          %add3A_1468 = arith.constant 15 : i32
          %add3A_1469 = arith.addi %mul3A_794, %add3A_1468 : i32
          %get3A_1470 = arith.index_cast %rem3A_520 : i32 to index
          %get3A_1471 = arith.index_cast %add3A_1469 : i32 to index
          %get3A_1472 = arith.constant 32 : index
          %get3A_1473 = tpu.vector_load %arg8[%get3A_1470, %get3A_1471, %get3A_1472] {strides = array<i32>} : memref<2x640x64xf32, #tpu.memory_space<vmem>>, vector<1x1x16xf32>,
          %get3A_1474 = vector.shape_cast %get3A_1473 : vector<1x1x16xf32> to vector<16xf32>
          %mul3A_1475 = vector.broadcast %squeeze3A_1447 : f32 to vector<16xf32>
          %mul3A_1476 = arith.mulf %get3A_1474, %mul3A_1475 : vector<16xf32>
          %add3A_1477 = arith.addf %add3A_1435, %mul3A_1476 : vector<16xf32>
          %add3A_1478 = arith.constant 15 : i32
          %add3A_1479 = arith.addi %mul3A_794, %add3A_1478 : i32
          %get3A_1480 = arith.index_cast %rem3A_520 : i32 to index
          %get3A_1481 = arith.index_cast %add3A_1479 : i32 to index
          %get3A_1482 = arith.constant 48 : index
          %get3A_1483 = tpu.vector_load %arg8[%get3A_1480, %get3A_1481, %get3A_1482] {strides = array<i32>} : memref<2x640x64xf32, #tpu.memory_space<vmem>>, vector<1x1x16xf32>,
          %get3A_1484 = vector.shape_cast %get3A_1483 : vector<1x1x16xf32> to vector<16xf32>
          %mul3A_1485 = vector.broadcast %squeeze3A_1447 : f32 to vector<16xf32>
          %mul3A_1486 = arith.mulf %get3A_1484, %mul3A_1485 : vector<16xf32>
          %add3A_1487 = arith.addf %add3A_1445, %mul3A_1486 : vector<16xf32>
          %slice3A_1488 = vector.extract_strided_slice %get3A_810 {offsets = [0], sizes = [1], strides = [1]} : vector<16xf32> to vector<1xf32>
          %squeeze3A_1489 = vector.extract %slice3A_1488[0] : f32 from vector<1xf32>
          %add3A_1490 = arith.constant 16 : i32
          %add3A_1491 = arith.addi %mul3A_794, %add3A_1490 : i32
          %get3A_1492 = arith.index_cast %rem3A_520 : i32 to index
          %get3A_1493 = arith.index_cast %add3A_1491 : i32 to index
          %get3A_1494 = arith.constant 0 : index
          %get3A_1495 = tpu.vector_load %arg8[%get3A_1492, %get3A_1493, %get3A_1494] {strides = array<i32>} : memref<2x640x64xf32, #tpu.memory_space<vmem>>, vector<1x1x16xf32>,
          %get3A_1496 = vector.shape_cast %get3A_1495 : vector<1x1x16xf32> to vector<16xf32>
          %mul3A_1497 = vector.broadcast %squeeze3A_1489 : f32 to vector<16xf32>
          %mul3A_1498 = arith.mulf %get3A_1496, %mul3A_1497 : vector<16xf32>
          %add3A_1499 = arith.addf %add3A_1457, %mul3A_1498 : vector<16xf32>
          %add3A_1500 = arith.constant 16 : i32
          %add3A_1501 = arith.addi %mul3A_794, %add3A_1500 : i32
          %get3A_1502 = arith.index_cast %rem3A_520 : i32 to index
          %get3A_1503 = arith.index_cast %add3A_1501 : i32 to index
          %get3A_1504 = arith.constant 16 : index
          %get3A_1505 = tpu.vector_load %arg8[%get3A_1502, %get3A_1503, %get3A_1504] {strides = array<i32>} : memref<2x640x64xf32, #tpu.memory_space<vmem>>, vector<1x1x16xf32>,
          %get3A_1506 = vector.shape_cast %get3A_1505 : vector<1x1x16xf32> to vector<16xf32>
          %mul3A_1507 = vector.broadcast %squeeze3A_1489 : f32 to vector<16xf32>
          %mul3A_1508 = arith.mulf %get3A_1506, %mul3A_1507 : vector<16xf32>
          %add3A_1509 = arith.addf %add3A_1467, %mul3A_1508 : vector<16xf32>
          %add3A_1510 = arith.constant 16 : i32
          %add3A_1511 = arith.addi %mul3A_794, %add3A_1510 : i32
          %get3A_1512 = arith.index_cast %rem3A_520 : i32 to index
          %get3A_1513 = arith.index_cast %add3A_1511 : i32 to index
          %get3A_1514 = arith.constant 32 : index
          %get3A_1515 = tpu.vector_load %arg8[%get3A_1512, %get3A_1513, %get3A_1514] {strides = array<i32>} : memref<2x640x64xf32, #tpu.memory_space<vmem>>, vector<1x1x16xf32>,
          %get3A_1516 = vector.shape_cast %get3A_1515 : vector<1x1x16xf32> to vector<16xf32>
          %mul3A_1517 = vector.broadcast %squeeze3A_1489 : f32 to vector<16xf32>
          %mul3A_1518 = arith.mulf %get3A_1516, %mul3A_1517 : vector<16xf32>
          %add3A_1519 = arith.addf %add3A_1477, %mul3A_1518 : vector<16xf32>
          %add3A_1520 = arith.constant 16 : i32
          %add3A_1521 = arith.addi %mul3A_794, %add3A_1520 : i32
          %get3A_1522 = arith.index_cast %rem3A_520 : i32 to index
          %get3A_1523 = arith.index_cast %add3A_1521 : i32 to index
          %get3A_1524 = arith.constant 48 : index
          %get3A_1525 = tpu.vector_load %arg8[%get3A_1522, %get3A_1523, %get3A_1524] {strides = array<i32>} : memref<2x640x64xf32, #tpu.memory_space<vmem>>, vector<1x1x16xf32>,
          %get3A_1526 = vector.shape_cast %get3A_1525 : vector<1x1x16xf32> to vector<16xf32>
          %mul3A_1527 = vector.broadcast %squeeze3A_1489 : f32 to vector<16xf32>
          %mul3A_1528 = arith.mulf %get3A_1526, %mul3A_1527 : vector<16xf32>
          %add3A_1529 = arith.addf %add3A_1487, %mul3A_1528 : vector<16xf32>
          %slice3A_1530 = vector.extract_strided_slice %get3A_810 {offsets = [1], sizes = [1], strides = [1]} : vector<16xf32> to vector<1xf32>
          %squeeze3A_1531 = vector.extract %slice3A_1530[0] : f32 from vector<1xf32>
          %add3A_1532 = arith.constant 17 : i32
          %add3A_1533 = arith.addi %mul3A_794, %add3A_1532 : i32
          %get3A_1534 = arith.index_cast %rem3A_520 : i32 to index
          %get3A_1535 = arith.index_cast %add3A_1533 : i32 to index
          %get3A_1536 = arith.constant 0 : index
          %get3A_1537 = tpu.vector_load %arg8[%get3A_1534, %get3A_1535, %get3A_1536] {strides = array<i32>} : memref<2x640x64xf32, #tpu.memory_space<vmem>>, vector<1x1x16xf32>,
          %get3A_1538 = vector.shape_cast %get3A_1537 : vector<1x1x16xf32> to vector<16xf32>
          %mul3A_1539 = vector.broadcast %squeeze3A_1531 : f32 to vector<16xf32>
          %mul3A_1540 = arith.mulf %get3A_1538, %mul3A_1539 : vector<16xf32>
          %add3A_1541 = arith.addf %add3A_1499, %mul3A_1540 : vector<16xf32>
          %add3A_1542 = arith.constant 17 : i32
          %add3A_1543 = arith.addi %mul3A_794, %add3A_1542 : i32
          %get3A_1544 = arith.index_cast %rem3A_520 : i32 to index
          %get3A_1545 = arith.index_cast %add3A_1543 : i32 to index
          %get3A_1546 = arith.constant 16 : index
          %get3A_1547 = tpu.vector_load %arg8[%get3A_1544, %get3A_1545, %get3A_1546] {strides = array<i32>} : memref<2x640x64xf32, #tpu.memory_space<vmem>>, vector<1x1x16xf32>,
          %get3A_1548 = vector.shape_cast %get3A_1547 : vector<1x1x16xf32> to vector<16xf32>
          %mul3A_1549 = vector.broadcast %squeeze3A_1531 : f32 to vector<16xf32>
          %mul3A_1550 = arith.mulf %get3A_1548, %mul3A_1549 : vector<16xf32>
          %add3A_1551 = arith.addf %add3A_1509, %mul3A_1550 : vector<16xf32>
          %add3A_1552 = arith.constant 17 : i32
          %add3A_1553 = arith.addi %mul3A_794, %add3A_1552 : i32
          %get3A_1554 = arith.index_cast %rem3A_520 : i32 to index
          %get3A_1555 = arith.index_cast %add3A_1553 : i32 to index
          %get3A_1556 = arith.constant 32 : index
          %get3A_1557 = tpu.vector_load %arg8[%get3A_1554, %get3A_1555, %get3A_1556] {strides = array<i32>} : memref<2x640x64xf32, #tpu.memory_space<vmem>>, vector<1x1x16xf32>,
          %get3A_1558 = vector.shape_cast %get3A_1557 : vector<1x1x16xf32> to vector<16xf32>
          %mul3A_1559 = vector.broadcast %squeeze3A_1531 : f32 to vector<16xf32>
          %mul3A_1560 = arith.mulf %get3A_1558, %mul3A_1559 : vector<16xf32>
          %add3A_1561 = arith.addf %add3A_1519, %mul3A_1560 : vector<16xf32>
          %add3A_1562 = arith.constant 17 : i32
          %add3A_1563 = arith.addi %mul3A_794, %add3A_1562 : i32
          %get3A_1564 = arith.index_cast %rem3A_520 : i32 to index
          %get3A_1565 = arith.index_cast %add3A_1563 : i32 to index
          %get3A_1566 = arith.constant 48 : index
          %get3A_1567 = tpu.vector_load %arg8[%get3A_1564, %get3A_1565, %get3A_1566] {strides = array<i32>} : memref<2x640x64xf32, #tpu.memory_space<vmem>>, vector<1x1x16xf32>,
          %get3A_1568 = vector.shape_cast %get3A_1567 : vector<1x1x16xf32> to vector<16xf32>
          %mul3A_1569 = vector.broadcast %squeeze3A_1531 : f32 to vector<16xf32>
          %mul3A_1570 = arith.mulf %get3A_1568, %mul3A_1569 : vector<16xf32>
          %add3A_1571 = arith.addf %add3A_1529, %mul3A_1570 : vector<16xf32>
          %slice3A_1572 = vector.extract_strided_slice %get3A_810 {offsets = [2], sizes = [1], strides = [1]} : vector<16xf32> to vector<1xf32>
          %squeeze3A_1573 = vector.extract %slice3A_1572[0] : f32 from vector<1xf32>
          %add3A_1574 = arith.constant 18 : i32
          %add3A_1575 = arith.addi %mul3A_794, %add3A_1574 : i32
          %get3A_1576 = arith.index_cast %rem3A_520 : i32 to index
          %get3A_1577 = arith.index_cast %add3A_1575 : i32 to index
          %get3A_1578 = arith.constant 0 : index
          %get3A_1579 = tpu.vector_load %arg8[%get3A_1576, %get3A_1577, %get3A_1578] {strides = array<i32>} : memref<2x640x64xf32, #tpu.memory_space<vmem>>, vector<1x1x16xf32>,
          %get3A_1580 = vector.shape_cast %get3A_1579 : vector<1x1x16xf32> to vector<16xf32>
          %mul3A_1581 = vector.broadcast %squeeze3A_1573 : f32 to vector<16xf32>
          %mul3A_1582 = arith.mulf %get3A_1580, %mul3A_1581 : vector<16xf32>
          %add3A_1583 = arith.addf %add3A_1541, %mul3A_1582 : vector<16xf32>
          %add3A_1584 = arith.constant 18 : i32
          %add3A_1585 = arith.addi %mul3A_794, %add3A_1584 : i32
          %get3A_1586 = arith.index_cast %rem3A_520 : i32 to index
          %get3A_1587 = arith.index_cast %add3A_1585 : i32 to index
          %get3A_1588 = arith.constant 16 : index
          %get3A_1589 = tpu.vector_load %arg8[%get3A_1586, %get3A_1587, %get3A_1588] {strides = array<i32>} : memref<2x640x64xf32, #tpu.memory_space<vmem>>, vector<1x1x16xf32>,
          %get3A_1590 = vector.shape_cast %get3A_1589 : vector<1x1x16xf32> to vector<16xf32>
          %mul3A_1591 = vector.broadcast %squeeze3A_1573 : f32 to vector<16xf32>
          %mul3A_1592 = arith.mulf %get3A_1590, %mul3A_1591 : vector<16xf32>
          %add3A_1593 = arith.addf %add3A_1551, %mul3A_1592 : vector<16xf32>
          %add3A_1594 = arith.constant 18 : i32
          %add3A_1595 = arith.addi %mul3A_794, %add3A_1594 : i32
          %get3A_1596 = arith.index_cast %rem3A_520 : i32 to index
          %get3A_1597 = arith.index_cast %add3A_1595 : i32 to index
          %get3A_1598 = arith.constant 32 : index
          %get3A_1599 = tpu.vector_load %arg8[%get3A_1596, %get3A_1597, %get3A_1598] {strides = array<i32>} : memref<2x640x64xf32, #tpu.memory_space<vmem>>, vector<1x1x16xf32>,
          %get3A_1600 = vector.shape_cast %get3A_1599 : vector<1x1x16xf32> to vector<16xf32>
          %mul3A_1601 = vector.broadcast %squeeze3A_1573 : f32 to vector<16xf32>
          %mul3A_1602 = arith.mulf %get3A_1600, %mul3A_1601 : vector<16xf32>
          %add3A_1603 = arith.addf %add3A_1561, %mul3A_1602 : vector<16xf32>
          %add3A_1604 = arith.constant 18 : i32
          %add3A_1605 = arith.addi %mul3A_794, %add3A_1604 : i32
          %get3A_1606 = arith.index_cast %rem3A_520 : i32 to index
          %get3A_1607 = arith.index_cast %add3A_1605 : i32 to index
          %get3A_1608 = arith.constant 48 : index
          %get3A_1609 = tpu.vector_load %arg8[%get3A_1606, %get3A_1607, %get3A_1608] {strides = array<i32>} : memref<2x640x64xf32, #tpu.memory_space<vmem>>, vector<1x1x16xf32>,
          %get3A_1610 = vector.shape_cast %get3A_1609 : vector<1x1x16xf32> to vector<16xf32>
          %mul3A_1611 = vector.broadcast %squeeze3A_1573 : f32 to vector<16xf32>
          %mul3A_1612 = arith.mulf %get3A_1610, %mul3A_1611 : vector<16xf32>
          %add3A_1613 = arith.addf %add3A_1571, %mul3A_1612 : vector<16xf32>
          %slice3A_1614 = vector.extract_strided_slice %get3A_810 {offsets = [3], sizes = [1], strides = [1]} : vector<16xf32> to vector<1xf32>
          %squeeze3A_1615 = vector.extract %slice3A_1614[0] : f32 from vector<1xf32>
          %add3A_1616 = arith.constant 19 : i32
          %add3A_1617 = arith.addi %mul3A_794, %add3A_1616 : i32
          %get3A_1618 = arith.index_cast %rem3A_520 : i32 to index
          %get3A_1619 = arith.index_cast %add3A_1617 : i32 to index
          %get3A_1620 = arith.constant 0 : index
          %get3A_1621 = tpu.vector_load %arg8[%get3A_1618, %get3A_1619, %get3A_1620] {strides = array<i32>} : memref<2x640x64xf32, #tpu.memory_space<vmem>>, vector<1x1x16xf32>,
          %get3A_1622 = vector.shape_cast %get3A_1621 : vector<1x1x16xf32> to vector<16xf32>
          %mul3A_1623 = vector.broadcast %squeeze3A_1615 : f32 to vector<16xf32>
          %mul3A_1624 = arith.mulf %get3A_1622, %mul3A_1623 : vector<16xf32>
          %add3A_1625 = arith.addf %add3A_1583, %mul3A_1624 : vector<16xf32>
          %add3A_1626 = arith.constant 19 : i32
          %add3A_1627 = arith.addi %mul3A_794, %add3A_1626 : i32
          %get3A_1628 = arith.index_cast %rem3A_520 : i32 to index
          %get3A_1629 = arith.index_cast %add3A_1627 : i32 to index
          %get3A_1630 = arith.constant 16 : index
          %get3A_1631 = tpu.vector_load %arg8[%get3A_1628, %get3A_1629, %get3A_1630] {strides = array<i32>} : memref<2x640x64xf32, #tpu.memory_space<vmem>>, vector<1x1x16xf32>,
          %get3A_1632 = vector.shape_cast %get3A_1631 : vector<1x1x16xf32> to vector<16xf32>
          %mul3A_1633 = vector.broadcast %squeeze3A_1615 : f32 to vector<16xf32>
          %mul3A_1634 = arith.mulf %get3A_1632, %mul3A_1633 : vector<16xf32>
          %add3A_1635 = arith.addf %add3A_1593, %mul3A_1634 : vector<16xf32>
          %add3A_1636 = arith.constant 19 : i32
          %add3A_1637 = arith.addi %mul3A_794, %add3A_1636 : i32
          %get3A_1638 = arith.index_cast %rem3A_520 : i32 to index
          %get3A_1639 = arith.index_cast %add3A_1637 : i32 to index
          %get3A_1640 = arith.constant 32 : index
          %get3A_1641 = tpu.vector_load %arg8[%get3A_1638, %get3A_1639, %get3A_1640] {strides = array<i32>} : memref<2x640x64xf32, #tpu.memory_space<vmem>>, vector<1x1x16xf32>,
          %get3A_1642 = vector.shape_cast %get3A_1641 : vector<1x1x16xf32> to vector<16xf32>
          %mul3A_1643 = vector.broadcast %squeeze3A_1615 : f32 to vector<16xf32>
          %mul3A_1644 = arith.mulf %get3A_1642, %mul3A_1643 : vector<16xf32>
          %add3A_1645 = arith.addf %add3A_1603, %mul3A_1644 : vector<16xf32>
          %add3A_1646 = arith.constant 19 : i32
          %add3A_1647 = arith.addi %mul3A_794, %add3A_1646 : i32
          %get3A_1648 = arith.index_cast %rem3A_520 : i32 to index
          %get3A_1649 = arith.index_cast %add3A_1647 : i32 to index
          %get3A_1650 = arith.constant 48 : index
          %get3A_1651 = tpu.vector_load %arg8[%get3A_1648, %get3A_1649, %get3A_1650] {strides = array<i32>} : memref<2x640x64xf32, #tpu.memory_space<vmem>>, vector<1x1x16xf32>,
          %get3A_1652 = vector.shape_cast %get3A_1651 : vector<1x1x16xf32> to vector<16xf32>
          %mul3A_1653 = vector.broadcast %squeeze3A_1615 : f32 to vector<16xf32>
          %mul3A_1654 = arith.mulf %get3A_1652, %mul3A_1653 : vector<16xf32>
          %add3A_1655 = arith.addf %add3A_1613, %mul3A_1654 : vector<16xf32>
          %rem3A_1656 = arith.constant 2 : i32
          %rem3A_1657 = arith.remsi %add3A_792, %rem3A_1656 : i32
          %mul3A_1658 = arith.constant 64 : i32
          %mul3A_1659 = arith.muli %rem3A_1657, %mul3A_1658 : i32
          %div3A = arith.constant 2 : i32
          %div3A_1660 = arith.divsi %add3A_792, %div3A : i32
          %add3A_1661 = arith.constant 0 : i32
          %add3A_1662 = arith.addi %mul3A_1659, %add3A_1661 : i32
          %swap3A_1663 = arith.constant 0 : i32
          %swap3A_1664 = arith.constant 0 : i32
          %swap3A_1665 = tpu.memref_slice %run_scoped3A_24[%rem3A_516, %swap3A_1663, %swap3A_1664] : memref<2x16x128xf32, #tpu.memory_space<vmem>> -> memref<1x16x128xf32, #tpu.memory_space<vmem>>
          %swap3A_1666 = tpu.memref_squeeze %swap3A_1665 : memref<1x16x128xf32, #tpu.memory_space<vmem>> -> memref<16x128xf32, #tpu.memory_space<vmem>>
          %swap3A_1667 = arith.index_cast %div3A_1660 : i32 to index
          %swap3A_1668 = arith.index_cast %add3A_1662 : i32 to index
          %swap3A_1669 = tpu.vector_load %swap3A_1666[%swap3A_1667, %swap3A_1668] {strides = array<i32>} : memref<16x128xf32, #tpu.memory_space<vmem>>, vector<1x16xf32>,
          %swap3A_1670 = vector.shape_cast %swap3A_1669 : vector<1x16xf32> to vector<16xf32>
          %swap3A_1671 = vector.shape_cast %add3A_1625 : vector<16xf32> to vector<1x16xf32>
          tpu.vector_store %swap3A_1666[%swap3A_1667, %swap3A_1668], %swap3A_1671 {strides = array<i32>} : memref<16x128xf32, #tpu.memory_space<vmem>>, vector<1x16xf32>,
          %div3A_1672 = arith.constant 2 : i32
          %div3A_1673 = arith.divsi %add3A_792, %div3A_1672 : i32
          %add3A_1674 = arith.constant 16 : i32
          %add3A_1675 = arith.addi %mul3A_1659, %add3A_1674 : i32
          %swap3A_1676 = arith.constant 0 : i32
          %swap3A_1677 = arith.constant 0 : i32
          %swap3A_1678 = tpu.memref_slice %run_scoped3A_24[%rem3A_516, %swap3A_1676, %swap3A_1677] : memref<2x16x128xf32, #tpu.memory_space<vmem>> -> memref<1x16x128xf32, #tpu.memory_space<vmem>>
          %swap3A_1679 = tpu.memref_squeeze %swap3A_1678 : memref<1x16x128xf32, #tpu.memory_space<vmem>> -> memref<16x128xf32, #tpu.memory_space<vmem>>
          %swap3A_1680 = arith.index_cast %div3A_1673 : i32 to index
          %swap3A_1681 = arith.index_cast %add3A_1675 : i32 to index
          %swap3A_1682 = tpu.vector_load %swap3A_1679[%swap3A_1680, %swap3A_1681] {strides = array<i32>} : memref<16x128xf32, #tpu.memory_space<vmem>>, vector<1x16xf32>,
          %swap3A_1683 = vector.shape_cast %swap3A_1682 : vector<1x16xf32> to vector<16xf32>
          %swap3A_1684 = vector.shape_cast %add3A_1635 : vector<16xf32> to vector<1x16xf32>
          tpu.vector_store %swap3A_1679[%swap3A_1680, %swap3A_1681], %swap3A_1684 {strides = array<i32>} : memref<16x128xf32, #tpu.memory_space<vmem>>, vector<1x16xf32>,
          %div3A_1685 = arith.constant 2 : i32
          %div3A_1686 = arith.divsi %add3A_792, %div3A_1685 : i32
          %add3A_1687 = arith.constant 32 : i32
          %add3A_1688 = arith.addi %mul3A_1659, %add3A_1687 : i32
          %swap3A_1689 = arith.constant 0 : i32
          %swap3A_1690 = arith.constant 0 : i32
          %swap3A_1691 = tpu.memref_slice %run_scoped3A_24[%rem3A_516, %swap3A_1689, %swap3A_1690] : memref<2x16x128xf32, #tpu.memory_space<vmem>> -> memref<1x16x128xf32, #tpu.memory_space<vmem>>
          %swap3A_1692 = tpu.memref_squeeze %swap3A_1691 : memref<1x16x128xf32, #tpu.memory_space<vmem>> -> memref<16x128xf32, #tpu.memory_space<vmem>>
          %swap3A_1693 = arith.index_cast %div3A_1686 : i32 to index
          %swap3A_1694 = arith.index_cast %add3A_1688 : i32 to index
          %swap3A_1695 = tpu.vector_load %swap3A_1692[%swap3A_1693, %swap3A_1694] {strides = array<i32>} : memref<16x128xf32, #tpu.memory_space<vmem>>, vector<1x16xf32>,
          %swap3A_1696 = vector.shape_cast %swap3A_1695 : vector<1x16xf32> to vector<16xf32>
          %swap3A_1697 = vector.shape_cast %add3A_1645 : vector<16xf32> to vector<1x16xf32>
          tpu.vector_store %swap3A_1692[%swap3A_1693, %swap3A_1694], %swap3A_1697 {strides = array<i32>} : memref<16x128xf32, #tpu.memory_space<vmem>>, vector<1x16xf32>,
          %div3A_1698 = arith.constant 2 : i32
          %div3A_1699 = arith.divsi %add3A_792, %div3A_1698 : i32
          %add3A_1700 = arith.constant 48 : i32
          %add3A_1701 = arith.addi %mul3A_1659, %add3A_1700 : i32
          %swap3A_1702 = arith.constant 0 : i32
          %swap3A_1703 = arith.constant 0 : i32
          %swap3A_1704 = tpu.memref_slice %run_scoped3A_24[%rem3A_516, %swap3A_1702, %swap3A_1703] : memref<2x16x128xf32, #tpu.memory_space<vmem>> -> memref<1x16x128xf32, #tpu.memory_space<vmem>>
          %swap3A_1705 = tpu.memref_squeeze %swap3A_1704 : memref<1x16x128xf32, #tpu.memory_space<vmem>> -> memref<16x128xf32, #tpu.memory_space<vmem>>
          %swap3A_1706 = arith.index_cast %div3A_1699 : i32 to index
          %swap3A_1707 = arith.index_cast %add3A_1701 : i32 to index
          %swap3A_1708 = tpu.vector_load %swap3A_1705[%swap3A_1706, %swap3A_1707] {strides = array<i32>} : memref<16x128xf32, #tpu.memory_space<vmem>>, vector<1x16xf32>,
          %swap3A_1709 = vector.shape_cast %swap3A_1708 : vector<1x16xf32> to vector<16xf32>
          %swap3A_1710 = vector.shape_cast %add3A_1655 : vector<16xf32> to vector<1x16xf32>
          tpu.vector_store %swap3A_1705[%swap3A_1706, %swap3A_1707], %swap3A_1710 {strides = array<i32>} : memref<16x128xf32, #tpu.memory_space<vmem>>, vector<1x16xf32>,
        }
        %scan3A_547 = arith.constant 32 : i32
        %add3A_548 = arith.constant 1 : i32
        %add3A_549 = arith.addi %get3A_518, %add3A_548 : i32
        %swap3A_550 = arith.constant 0 : i32
        %swap3A_551 = arith.index_cast %swap3A_550 : i32 to index
        %swap3A_552 = memref.load %arg10[%swap3A_551] : memref<1xi32, #tpu.memory_space<smem>>
        memref.store %add3A_549, %arg10[%swap3A_551] : memref<1xi32, #tpu.memory_space<smem>>
        "tpu.trace_stop"() : () -> ()
        %mul3A_553 = arith.constant 50 : i32
        %mul3A_554 = arith.muli %add3A_292, %mul3A_553 : i32
        %add3A_555 = arith.addi %mul3A_554, %add3A_294 : i32
        %mul3A_556 = arith.constant 50 : i32
        %mul3A_557 = arith.muli %add3A_330, %mul3A_556 : i32
        %add3A_558 = arith.addi %mul3A_557, %add3A_332 : i32
        %ne3A_559 = arith.cmpi ne, %add3A_555, %add3A_558 : i32
        %or3A_560 = arith.constant false
        %or3A_561 = arith.ori %or3A_560, %ne3A_559 : i1
        %or3A_562 = arith.constant false
        %or3A_563 = arith.ori %or3A_561, %or3A_562 : i1
        %or3A_564 = arith.ori %or3A_563, %eq3A_290 : i1
        %convert_element_type3A_565 = arith.extui %or3A_564 : i1 to i32
        %cond3A_566 = arith.constant 0 : i32
        %cond3A_567 = arith.cmpi ne, %convert_element_type3A_565, %cond3A_566 : i32
        scf.if %cond3A_567 {
        } else {
        }
        %and3A_568 = arith.constant false
        %and3A_569 = arith.andi %or3A_564, %and3A_568 : i1
        %mul3A_570 = arith.constant 50 : i32
        %mul3A_571 = arith.muli %add3A_292, %mul3A_570 : i32
        %add3A_572 = arith.constant 1 : i32
        %add3A_573 = arith.addi %add3A_294, %add3A_572 : i32
        %min3A_574 = arith.constant 49 : i32
        %min3A_575 = arith.minsi %add3A_573, %min3A_574 : i32
        %add3A_576 = arith.addi %mul3A_571, %min3A_575 : i32
        %mul3A_577 = arith.constant 50 : i32
        %mul3A_578 = arith.muli %add3A_330, %mul3A_577 : i32
        %add3A_579 = arith.constant 1 : i32
        %add3A_580 = arith.addi %add3A_332, %add3A_579 : i32
        %min3A_581 = arith.constant 49 : i32
        %min3A_582 = arith.minsi %add3A_580, %min3A_581 : i32
        %add3A_583 = arith.addi %mul3A_578, %min3A_582 : i32
        %ne3A_584 = arith.cmpi ne, %add3A_576, %add3A_583 : i32
        %or3A_585 = arith.constant false
        %or3A_586 = arith.ori %or3A_585, %ne3A_584 : i1
        %or3A_587 = arith.constant false
        %or3A_588 = arith.ori %or3A_586, %or3A_587 : i1
        %or3A_589 = arith.ori %or3A_588, %eq3A_290 : i1
        %convert_element_type3A_590 = arith.extui %or3A_589 : i1 to i32
        %cond3A_591 = arith.constant 0 : i32
        %cond3A_592 = arith.cmpi ne, %convert_element_type3A_590, %cond3A_591 : i32
        scf.if %cond3A_592 {
        } else {
        }
        %and3A_593 = arith.constant false
        %and3A_594 = arith.andi %or3A_589, %and3A_593 : i1
        %mul3A_595 = arith.constant 50 : i32
        %mul3A_596 = arith.muli %add3A_292, %mul3A_595 : i32
        %add3A_597 = arith.addi %mul3A_596, %add3A_294 : i32
        %mul3A_598 = arith.constant 50 : i32
        %mul3A_599 = arith.muli %add3A_330, %mul3A_598 : i32
        %add3A_600 = arith.addi %mul3A_599, %add3A_332 : i32
        %ne3A_601 = arith.cmpi ne, %add3A_597, %add3A_600 : i32
        %or3A_602 = arith.constant false
        %or3A_603 = arith.ori %or3A_602, %ne3A_601 : i1
        %or3A_604 = arith.constant false
        %or3A_605 = arith.ori %or3A_603, %or3A_604 : i1
        %or3A_606 = arith.ori %or3A_605, %eq3A_290 : i1
        %convert_element_type3A_607 = arith.extui %or3A_606 : i1 to i32
        %cond3A_608 = arith.constant 0 : i32
        %cond3A_609 = arith.cmpi ne, %convert_element_type3A_607, %cond3A_608 : i32
        scf.if %cond3A_609 {
        } else {
        }
        %and3A_610 = arith.constant false
        %and3A_611 = arith.andi %or3A_606, %and3A_610 : i1
        %mul3A_612 = arith.constant 50 : i32
        %mul3A_613 = arith.muli %add3A_292, %mul3A_612 : i32
        %add3A_614 = arith.addi %mul3A_613, %add3A_294 : i32
        %mul3A_615 = arith.constant 50 : i32
        %mul3A_616 = arith.muli %add3A_330, %mul3A_615 : i32
        %add3A_617 = arith.addi %mul3A_616, %add3A_332 : i32
        %ne3A_618 = arith.cmpi ne, %add3A_614, %add3A_617 : i32
        %or3A_619 = arith.constant false
        %or3A_620 = arith.ori %or3A_619, %ne3A_618 : i1
        %or3A_621 = arith.constant false
        %or3A_622 = arith.ori %or3A_620, %or3A_621 : i1
        %or3A_623 = arith.ori %or3A_622, %eq3A_290 : i1
        %convert_element_type3A_624 = arith.extui %or3A_623 : i1 to i32
        %cond3A_625 = arith.constant 0 : i32
        %cond3A_626 = arith.cmpi ne, %convert_element_type3A_624, %cond3A_625 : i32
        scf.if %cond3A_626 {
          "tpu.trace_start"() <{level = 10 : i32, message = "ep_copy_out"}> : () -> ()
          %rem3A_788 = arith.constant 2 : i32
          %rem3A_789 = arith.remui %scan3A_283, %rem3A_788 : i32
          %mul3A_790 = arith.constant 50 : i32
          %mul3A_791 = arith.muli %add3A_292, %mul3A_790 : i32
          %add3A_792 = arith.addi %mul3A_791, %add3A_294 : i32
          %mul3A_793 = arith.constant 16 : i32
          %mul3A_794 = arith.muli %mul3A_793, %add3A_792 : i32
          %dma_start3A_795 = arith.constant 0 : i32
          %dma_start3A_796 = arith.constant 0 : i32
          %dma_start3A_797 = tpu.memref_slice %run_scoped3A_24[%rem3A_789, %dma_start3A_795, %dma_start3A_796] : memref<2x16x128xf32, #tpu.memory_space<vmem>> -> memref<1x16x128xf32, #tpu.memory_space<vmem>>
          %dma_start3A_798 = tpu.memref_squeeze %dma_start3A_797 : memref<1x16x128xf32, #tpu.memory_space<vmem>> -> memref<16x128xf32, #tpu.memory_space<vmem>>
          %dma_start3A_799 = arith.constant 0 : i32
          %dma_start3A_800 = tpu.memref_slice %arg7[%mul3A_794, %dma_start3A_799] : memref<25600x128xf32, #tpu.memory_space<hbm>> -> memref<16x128xf32, #tpu.memory_space<hbm>>
          %dma_start3A_801 = tpu.memref_slice %run_scoped3A_25[%rem3A_789] : memref<2x!tpu.dma_semaphore, #tpu.memory_space<semaphore_mem>> -> memref<1x!tpu.dma_semaphore, #tpu.memory_space<semaphore_mem>>
          %dma_start3A_802 = tpu.memref_squeeze %dma_start3A_801 : memref<1x!tpu.dma_semaphore, #tpu.memory_space<semaphore_mem>> -> memref<!tpu.dma_semaphore, #tpu.memory_space<semaphore_mem>>
          %dma_start3A_803 = arith.constant 0 : i32
          %dma_start3A_804 = tpu.memref_slice %arg7[%mul3A_794, %dma_start3A_803] : memref<25600x128xf32, #tpu.memory_space<hbm>> -> memref<16x128xf32, #tpu.memory_space<hbm>>
          %dma_start3A_805 = arith.constant 0 : i32
          %dma_start3A_806 = arith.constant 0 : i32
          %dma_start3A_807 = tpu.memref_slice %run_scoped3A_24[%rem3A_789, %dma_start3A_805, %dma_start3A_806] : memref<2x16x128xf32, #tpu.memory_space<vmem>> -> memref<1x16x128xf32, #tpu.memory_space<vmem>>
          %dma_start3A_808 = tpu.memref_squeeze %dma_start3A_807 : memref<1x16x128xf32, #tpu.memory_space<vmem>> -> memref<16x128xf32, #tpu.memory_space<vmem>>
          tpu.enqueue_dma source(%dma_start3A_808 : memref<16x128xf32, #tpu.memory_space<vmem>>) target(%dma_start3A_804 : memref<16x128xf32, #tpu.memory_space<hbm>>) target_semaphore(%dma_start3A_802 : memref<!tpu.dma_semaphore, #tpu.memory_space<semaphore_mem>>)
          "tpu.trace_stop"() : () -> ()
        } else {
        }
        %and3A_627 = arith.constant true
        %and3A_628 = arith.andi %or3A_623, %and3A_627 : i1
        %add3A_629 = arith.constant 1 : i32
        %add3A_630 = arith.addi %scan3A_283, %add3A_629 : i32
        %select_n3A_631 = arith.select %and3A_628, %add3A_630, %scan3A_283 : i32
        %mul3A_632 = arith.constant 50 : i32
        %mul3A_633 = arith.muli %add3A_292, %mul3A_632 : i32
        %add3A_634 = arith.addi %mul3A_633, %add3A_294 : i32
        %mul3A_635 = arith.constant 50 : i32
        %mul3A_636 = arith.muli %add3A_311, %mul3A_635 : i32
        %add3A_637 = arith.addi %mul3A_636, %add3A_313 : i32
        %ne3A_638 = arith.cmpi ne, %add3A_634, %add3A_637 : i32
        %or3A_639 = arith.constant false
        %or3A_640 = arith.ori %or3A_639, %ne3A_638 : i1
        %or3A_641 = arith.constant false
        %or3A_642 = arith.ori %or3A_640, %or3A_641 : i1
        %not3A_643 = arith.constant true
        %not3A_644 = arith.xori %eq3A_288, %not3A_643 : i1
        %and3A_645 = arith.andi %or3A_642, %not3A_644 : i1
        %convert_element_type3A_646 = arith.extui %and3A_645 : i1 to i32
        %cond3A_647 = arith.constant 0 : i32
        %cond3A_648 = arith.cmpi ne, %convert_element_type3A_646, %cond3A_647 : i32
        scf.if %cond3A_648 {
        } else {
        }
        %and3A_649 = arith.constant false
        %and3A_650 = arith.andi %and3A_645, %and3A_649 : i1
        %mul3A_651 = arith.constant 50 : i32
        %mul3A_652 = arith.muli %add3A_292, %mul3A_651 : i32
        %add3A_653 = arith.constant 1 : i32
        %add3A_654 = arith.addi %add3A_294, %add3A_653 : i32
        %min3A_655 = arith.constant 49 : i32
        %min3A_656 = arith.minsi %add3A_654, %min3A_655 : i32
        %add3A_657 = arith.addi %mul3A_652, %min3A_656 : i32
        %mul3A_658 = arith.constant 50 : i32
        %mul3A_659 = arith.muli %add3A_311, %mul3A_658 : i32
        %add3A_660 = arith.constant 1 : i32
        %add3A_661 = arith.addi %add3A_313, %add3A_660 : i32
        %min3A_662 = arith.constant 49 : i32
        %min3A_663 = arith.minsi %add3A_661, %min3A_662 : i32
        %add3A_664 = arith.addi %mul3A_659, %min3A_663 : i32
        %ne3A_665 = arith.cmpi ne, %add3A_657, %add3A_664 : i32
        %or3A_666 = arith.constant false
        %or3A_667 = arith.ori %or3A_666, %ne3A_665 : i1
        %or3A_668 = arith.constant false
        %or3A_669 = arith.ori %or3A_667, %or3A_668 : i1
        %not3A_670 = arith.constant true
        %not3A_671 = arith.xori %eq3A_288, %not3A_670 : i1
        %and3A_672 = arith.andi %or3A_669, %not3A_671 : i1
        %convert_element_type3A_673 = arith.extui %and3A_672 : i1 to i32
        %cond3A_674 = arith.constant 0 : i32
        %cond3A_675 = arith.cmpi ne, %convert_element_type3A_673, %cond3A_674 : i32
        scf.if %cond3A_675 {
        } else {
        }
        %and3A_676 = arith.constant false
        %and3A_677 = arith.andi %and3A_672, %and3A_676 : i1
        %mul3A_678 = arith.constant 50 : i32
        %mul3A_679 = arith.muli %add3A_292, %mul3A_678 : i32
        %add3A_680 = arith.addi %mul3A_679, %add3A_294 : i32
        %mul3A_681 = arith.constant 50 : i32
        %mul3A_682 = arith.muli %add3A_311, %mul3A_681 : i32
        %add3A_683 = arith.addi %mul3A_682, %add3A_313 : i32
        %ne3A_684 = arith.cmpi ne, %add3A_680, %add3A_683 : i32
        %or3A_685 = arith.constant false
        %or3A_686 = arith.ori %or3A_685, %ne3A_684 : i1
        %or3A_687 = arith.constant false
        %or3A_688 = arith.ori %or3A_686, %or3A_687 : i1
        %not3A_689 = arith.constant true
        %not3A_690 = arith.xori %eq3A_288, %not3A_689 : i1
        %and3A_691 = arith.andi %or3A_688, %not3A_690 : i1
        %convert_element_type3A_692 = arith.extui %and3A_691 : i1 to i32
        %cond3A_693 = arith.constant 0 : i32
        %cond3A_694 = arith.cmpi ne, %convert_element_type3A_692, %cond3A_693 : i32
        scf.if %cond3A_694 {
        } else {
        }
        %and3A_695 = arith.constant false
        %and3A_696 = arith.andi %and3A_691, %and3A_695 : i1
        %mul3A_697 = arith.constant 50 : i32
        %mul3A_698 = arith.muli %add3A_292, %mul3A_697 : i32
        %add3A_699 = arith.addi %mul3A_698, %add3A_294 : i32
        %mul3A_700 = arith.constant 50 : i32
        %mul3A_701 = arith.muli %add3A_311, %mul3A_700 : i32
        %add3A_702 = arith.addi %mul3A_701, %add3A_313 : i32
        %ne3A_703 = arith.cmpi ne, %add3A_699, %add3A_702 : i32
        %or3A_704 = arith.constant false
        %or3A_705 = arith.ori %or3A_704, %ne3A_703 : i1
        %or3A_706 = arith.constant false
        %or3A_707 = arith.ori %or3A_705, %or3A_706 : i1
        %not3A_708 = arith.constant true
        %not3A_709 = arith.xori %eq3A_288, %not3A_708 : i1
        %and3A_710 = arith.andi %or3A_707, %not3A_709 : i1
        %convert_element_type3A_711 = arith.extui %and3A_710 : i1 to i32
        %cond3A_712 = arith.constant 0 : i32
        %cond3A_713 = arith.cmpi ne, %convert_element_type3A_711, %cond3A_712 : i32
        scf.if %cond3A_713 {
          "tpu.trace_start"() <{level = 10 : i32, message = "ep_wait_out"}> : () -> ()
          %rem3A_788 = arith.constant 2 : i32
          %rem3A_789 = arith.remui %scan3A_284, %rem3A_788 : i32
          %mul3A_790 = arith.constant 50 : i32
          %mul3A_791 = arith.muli %add3A_311, %mul3A_790 : i32
          %add3A_792 = arith.addi %mul3A_791, %add3A_313 : i32
          %mul3A_793 = arith.constant 16 : i32
          %mul3A_794 = arith.muli %mul3A_793, %add3A_792 : i32
          %dma_wait3A_795 = arith.constant 0 : i32
          %dma_wait3A_796 = arith.constant 0 : i32
          %dma_wait3A_797 = tpu.memref_slice %run_scoped3A_24[%rem3A_789, %dma_wait3A_795, %dma_wait3A_796] : memref<2x16x128xf32, #tpu.memory_space<vmem>> -> memref<1x16x128xf32, #tpu.memory_space<vmem>>
          %dma_wait3A_798 = tpu.memref_squeeze %dma_wait3A_797 : memref<1x16x128xf32, #tpu.memory_space<vmem>> -> memref<16x128xf32, #tpu.memory_space<vmem>>
          %dma_wait3A_799 = arith.constant 0 : i32
          %dma_wait3A_800 = tpu.memref_slice %arg7[%mul3A_794, %dma_wait3A_799] : memref<25600x128xf32, #tpu.memory_space<hbm>> -> memref<16x128xf32, #tpu.memory_space<hbm>>
          %dma_wait3A_801 = tpu.memref_slice %run_scoped3A_25[%rem3A_789] : memref<2x!tpu.dma_semaphore, #tpu.memory_space<semaphore_mem>> -> memref<1x!tpu.dma_semaphore, #tpu.memory_space<semaphore_mem>>
          %dma_wait3A_802 = tpu.memref_squeeze %dma_wait3A_801 : memref<1x!tpu.dma_semaphore, #tpu.memory_space<semaphore_mem>> -> memref<!tpu.dma_semaphore, #tpu.memory_space<semaphore_mem>>
          %dma_wait3A_803 = arith.constant 0 : i32
          %dma_wait3A_804 = tpu.memref_slice %arg7[%mul3A_794, %dma_wait3A_803] : memref<25600x128xf32, #tpu.memory_space<hbm>> -> memref<16x128xf32, #tpu.memory_space<hbm>>
          %dma_wait3A_805 = arith.constant 0 : i32
          %dma_wait3A_806 = arith.constant 0 : i32
          %dma_wait3A_807 = tpu.memref_slice %run_scoped3A_24[%rem3A_789, %dma_wait3A_805, %dma_wait3A_806] : memref<2x16x128xf32, #tpu.memory_space<vmem>> -> memref<1x16x128xf32, #tpu.memory_space<vmem>>
          %dma_wait3A_808 = tpu.memref_squeeze %dma_wait3A_807 : memref<1x16x128xf32, #tpu.memory_space<vmem>> -> memref<16x128xf32, #tpu.memory_space<vmem>>
          tpu.wait_dma2 semaphore(%dma_wait3A_802 : memref<!tpu.dma_semaphore, #tpu.memory_space<semaphore_mem>>) src(%dma_wait3A_808 : memref<16x128xf32, #tpu.memory_space<vmem>>) dst(%dma_wait3A_804 : memref<16x128xf32, #tpu.memory_space<hbm>>)
          "tpu.trace_stop"() : () -> ()
        } else {
        }
        %and3A_714 = arith.constant true
        %and3A_715 = arith.andi %and3A_710, %and3A_714 : i1
        %add3A_716 = arith.constant 1 : i32
        %add3A_717 = arith.addi %scan3A_284, %add3A_716 : i32
        %select_n3A_718 = arith.select %and3A_715, %add3A_717, %scan3A_284 : i32
        %mul3A_719 = arith.constant 50 : i32
        %mul3A_720 = arith.muli %add3A_292, %mul3A_719 : i32
        %add3A_721 = arith.addi %mul3A_720, %add3A_294 : i32
        %mul3A_722 = arith.constant 50 : i32
        %mul3A_723 = arith.muli %add3A_330, %mul3A_722 : i32
        %add3A_724 = arith.addi %mul3A_723, %add3A_332 : i32
        %ne3A_725 = arith.cmpi ne, %add3A_721, %add3A_724 : i32
        %or3A_726 = arith.constant false
        %or3A_727 = arith.ori %or3A_726, %ne3A_725 : i1
        %or3A_728 = arith.constant false
        %or3A_729 = arith.ori %or3A_727, %or3A_728 : i1
        %or3A_730 = arith.ori %or3A_729, %eq3A_290 : i1
        %add3A_731 = arith.constant 1 : i32
        %add3A_732 = arith.addi %scan3A_278, %add3A_731 : i32
        %select_n3A_733 = arith.select %or3A_730, %add3A_732, %scan3A_278 : i32
        %mul3A_734 = arith.constant 50 : i32
        %mul3A_735 = arith.muli %add3A_292, %mul3A_734 : i32
        %add3A_736 = arith.constant 1 : i32
        %add3A_737 = arith.addi %add3A_294, %add3A_736 : i32
        %min3A_738 = arith.constant 49 : i32
        %min3A_739 = arith.minsi %add3A_737, %min3A_738 : i32
        %add3A_740 = arith.addi %mul3A_735, %min3A_739 : i32
        %mul3A_741 = arith.constant 50 : i32
        %mul3A_742 = arith.muli %add3A_330, %mul3A_741 : i32
        %add3A_743 = arith.constant 1 : i32
        %add3A_744 = arith.addi %add3A_332, %add3A_743 : i32
        %min3A_745 = arith.constant 49 : i32
        %min3A_746 = arith.minsi %add3A_744, %min3A_745 : i32
        %add3A_747 = arith.addi %mul3A_742, %min3A_746 : i32
        %ne3A_748 = arith.cmpi ne, %add3A_740, %add3A_747 : i32
        %or3A_749 = arith.constant false
        %or3A_750 = arith.ori %or3A_749, %ne3A_748 : i1
        %or3A_751 = arith.constant false
        %or3A_752 = arith.ori %or3A_750, %or3A_751 : i1
        %or3A_753 = arith.ori %or3A_752, %eq3A_290 : i1
        %add3A_754 = arith.constant 1 : i32
        %add3A_755 = arith.addi %scan3A_280, %add3A_754 : i32
        %select_n3A_756 = arith.select %or3A_753, %add3A_755, %scan3A_280 : i32
        %mul3A_757 = arith.constant 50 : i32
        %mul3A_758 = arith.muli %add3A_292, %mul3A_757 : i32
        %add3A_759 = arith.addi %mul3A_758, %add3A_294 : i32
        %mul3A_760 = arith.constant 50 : i32
        %mul3A_761 = arith.muli %add3A_330, %mul3A_760 : i32
        %add3A_762 = arith.addi %mul3A_761, %add3A_332 : i32
        %ne3A_763 = arith.cmpi ne, %add3A_759, %add3A_762 : i32
        %or3A_764 = arith.constant false
        %or3A_765 = arith.ori %or3A_764, %ne3A_763 : i1
        %or3A_766 = arith.constant false
        %or3A_767 = arith.ori %or3A_765, %or3A_766 : i1
        %or3A_768 = arith.ori %or3A_767, %eq3A_290 : i1
        %add3A_769 = arith.constant 1 : i32
        %add3A_770 = arith.addi %scan3A_282, %add3A_769 : i32
        %select_n3A_771 = arith.select %or3A_768, %add3A_770, %scan3A_282 : i32
        %add3A_772 = arith.constant 1 : i32
        %add3A_773 = arith.addi %scan3A_286, %add3A_772 : i32
        %select_n3A_774 = arith.constant true
        %select_n3A_775 = arith.select %select_n3A_774, %add3A_773, %scan3A_286 : i32
        %eq3A_776 = arith.constant 50 : i32
        %eq3A_777 = arith.cmpi eq, %select_n3A_775, %eq3A_776 : i32
        %select_n3A_778 = arith.constant 0 : i32
        %select_n3A_779 = arith.select %eq3A_777, %select_n3A_778, %select_n3A_775 : i32
        %select_n3A_780 = arith.constant 0 : i32
        %select_n3A_781 = arith.constant 1 : i32
        %select_n3A_782 = arith.select %eq3A_777, %select_n3A_781, %select_n3A_780 : i32
        %eq3A_783 = arith.constant 1 : i32
        %eq3A_784 = arith.cmpi eq, %select_n3A_782, %eq3A_783 : i32
        %select_n3A_785 = arith.constant 0 : i32
        %select_n3A_786 = arith.select %eq3A_784, %select_n3A_785, %select_n3A_782 : i32
        %scan3A_787 = arith.constant 0 : i32
        scf.yield %select_n3A_368, %select_n3A_733, %select_n3A_400, %select_n3A_756, %select_n3A_424, %select_n3A_771, %select_n3A_631, %select_n3A_718, %scan3A_787, %select_n3A_779 : i32, i32, i32, i32, i32, i32, i32, i32, i32, i32
      }
      %scan3A_180 = arith.constant 50 : i32
      %sub3A = arith.constant 1 : i32
      %sub3A_181 = arith.subi %scan3A_179#9, %sub3A : i32
      %select_n3A_182 = arith.constant true
      %select_n3A_183 = arith.select %select_n3A_182, %sub3A_181, %scan3A_179#9 : i32
      %eq3A_184 = arith.constant -1 : i32
      %eq3A_185 = arith.cmpi eq, %select_n3A_183, %eq3A_184 : i32
      %select_n3A_186 = arith.constant 49 : i32
      %select_n3A_187 = arith.select %eq3A_185, %select_n3A_186, %select_n3A_183 : i32
      %sub3A_188 = arith.constant 1 : i32
      %sub3A_189 = arith.subi %scan3A_179#8, %sub3A_188 : i32
      %select_n3A_190 = arith.select %eq3A_185, %sub3A_189, %scan3A_179#8 : i32
      %eq3A_191 = arith.constant -1 : i32
      %eq3A_192 = arith.cmpi eq, %select_n3A_190, %eq3A_191 : i32
      %select_n3A_193 = arith.constant 0 : i32
      %select_n3A_194 = arith.select %eq3A_192, %select_n3A_193, %select_n3A_190 : i32
      %add3A_195 = arith.constant 0 : i32
      %add3A_196 = arith.addi %add3A_195, %mul3A_18 : i32
      %add3A_197 = arith.constant 0 : i32
      %add3A_198 = arith.addi %select_n3A_187, %add3A_197 : i32
      %sub3A_199 = arith.constant 1 : i32
      %sub3A_200 = arith.subi %select_n3A_187, %sub3A_199 : i32
      %select_n3A_201 = arith.constant true
      %select_n3A_202 = arith.select %select_n3A_201, %sub3A_200, %select_n3A_187 : i32
      %eq3A_203 = arith.constant -1 : i32
      %eq3A_204 = arith.cmpi eq, %select_n3A_202, %eq3A_203 : i32
      %select_n3A_205 = arith.constant 49 : i32
      %select_n3A_206 = arith.select %eq3A_204, %select_n3A_205, %select_n3A_202 : i32
      %select_n3A_207 = arith.constant 0 : i32
      %select_n3A_208 = arith.constant -1 : i32
      %select_n3A_209 = arith.select %eq3A_204, %select_n3A_208, %select_n3A_207 : i32
      %eq3A_210 = arith.constant -1 : i32
      %eq3A_211 = arith.cmpi eq, %select_n3A_209, %eq3A_210 : i32
      %select_n3A_212 = arith.constant 0 : i32
      %select_n3A_213 = arith.select %eq3A_211, %select_n3A_212, %select_n3A_209 : i32
      %add3A_214 = arith.constant 0 : i32
      %add3A_215 = arith.addi %add3A_214, %mul3A_18 : i32
      %add3A_216 = arith.constant 0 : i32
      %add3A_217 = arith.addi %select_n3A_206, %add3A_216 : i32
      %add3A_218 = arith.constant 1 : i32
      %add3A_219 = arith.addi %select_n3A_187, %add3A_218 : i32
      %select_n3A_220 = arith.constant true
      %select_n3A_221 = arith.select %select_n3A_220, %add3A_219, %select_n3A_187 : i32
      %eq3A_222 = arith.constant 50 : i32
      %eq3A_223 = arith.cmpi eq, %select_n3A_221, %eq3A_222 : i32
      %select_n3A_224 = arith.constant 0 : i32
      %select_n3A_225 = arith.select %eq3A_223, %select_n3A_224, %select_n3A_221 : i32
      %select_n3A_226 = arith.constant 0 : i32
      %select_n3A_227 = arith.constant 1 : i32
      %select_n3A_228 = arith.select %eq3A_223, %select_n3A_227, %select_n3A_226 : i32
      %eq3A_229 = arith.constant 1 : i32
      %eq3A_230 = arith.cmpi eq, %select_n3A_228, %eq3A_229 : i32
      %select_n3A_231 = arith.constant 0 : i32
      %select_n3A_232 = arith.select %eq3A_230, %select_n3A_231, %select_n3A_228 : i32
      %add3A_233 = arith.constant 0 : i32
      %add3A_234 = arith.addi %add3A_233, %mul3A_18 : i32
      %add3A_235 = arith.constant 0 : i32
      %add3A_236 = arith.addi %select_n3A_225, %add3A_235 : i32
      %add3A_237 = arith.constant 1 : i32
      %add3A_238 = arith.addi %select_n3A_225, %add3A_237 : i32
      %select_n3A_239 = arith.constant true
      %select_n3A_240 = arith.select %select_n3A_239, %add3A_238, %select_n3A_225 : i32
      %eq3A_241 = arith.constant 50 : i32
      %eq3A_242 = arith.cmpi eq, %select_n3A_240, %eq3A_241 : i32
      %select_n3A_243 = arith.constant 0 : i32
      %select_n3A_244 = arith.select %eq3A_242, %select_n3A_243, %select_n3A_240 : i32
      %select_n3A_245 = arith.constant 0 : i32
      %select_n3A_246 = arith.constant 1 : i32
      %select_n3A_247 = arith.select %eq3A_242, %select_n3A_246, %select_n3A_245 : i32
      %eq3A_248 = arith.constant 1 : i32
      %eq3A_249 = arith.cmpi eq, %select_n3A_247, %eq3A_248 : i32
      %select_n3A_250 = arith.constant 0 : i32
      %select_n3A_251 = arith.select %eq3A_249, %select_n3A_250, %select_n3A_247 : i32
      %add3A_252 = arith.constant 0 : i32
      %add3A_253 = arith.addi %add3A_252, %mul3A_18 : i32
      %add3A_254 = arith.constant 0 : i32
      %add3A_255 = arith.addi %select_n3A_244, %add3A_254 : i32
      "tpu.trace_start"() <{level = 10 : i32, message = "ep_finalize"}> : () -> ()
      %rem3A_256 = arith.constant 2 : i32
      %rem3A_257 = arith.remui %scan3A_179#7, %rem3A_256 : i32
      %mul3A_258 = arith.constant 50 : i32
      %mul3A_259 = arith.muli %add3A_196, %mul3A_258 : i32
      %add3A_260 = arith.addi %mul3A_259, %add3A_198 : i32
      %mul3A_261 = arith.constant 16 : i32
      %mul3A_262 = arith.muli %mul3A_261, %add3A_260 : i32
      %dma_wait3A = arith.constant 0 : i32
      %dma_wait3A_263 = arith.constant 0 : i32
      %dma_wait3A_264 = tpu.memref_slice %run_scoped3A_24[%rem3A_257, %dma_wait3A, %dma_wait3A_263] : memref<2x16x128xf32, #tpu.memory_space<vmem>> -> memref<1x16x128xf32, #tpu.memory_space<vmem>>
      %dma_wait3A_265 = tpu.memref_squeeze %dma_wait3A_264 : memref<1x16x128xf32, #tpu.memory_space<vmem>> -> memref<16x128xf32, #tpu.memory_space<vmem>>
      %dma_wait3A_266 = arith.constant 0 : i32
      %dma_wait3A_267 = tpu.memref_slice %arg7[%mul3A_262, %dma_wait3A_266] : memref<25600x128xf32, #tpu.memory_space<hbm>> -> memref<16x128xf32, #tpu.memory_space<hbm>>
      %dma_wait3A_268 = tpu.memref_slice %run_scoped3A_25[%rem3A_257] : memref<2x!tpu.dma_semaphore, #tpu.memory_space<semaphore_mem>> -> memref<1x!tpu.dma_semaphore, #tpu.memory_space<semaphore_mem>>
      %dma_wait3A_269 = tpu.memref_squeeze %dma_wait3A_268 : memref<1x!tpu.dma_semaphore, #tpu.memory_space<semaphore_mem>> -> memref<!tpu.dma_semaphore, #tpu.memory_space<semaphore_mem>>
      %dma_wait3A_270 = arith.constant 0 : i32
      %dma_wait3A_271 = tpu.memref_slice %arg7[%mul3A_262, %dma_wait3A_270] : memref<25600x128xf32, #tpu.memory_space<hbm>> -> memref<16x128xf32, #tpu.memory_space<hbm>>
      %dma_wait3A_272 = arith.constant 0 : i32
      %dma_wait3A_273 = arith.constant 0 : i32
      %dma_wait3A_274 = tpu.memref_slice %run_scoped3A_24[%rem3A_257, %dma_wait3A_272, %dma_wait3A_273] : memref<2x16x128xf32, #tpu.memory_space<vmem>> -> memref<1x16x128xf32, #tpu.memory_space<vmem>>
      %dma_wait3A_275 = tpu.memref_squeeze %dma_wait3A_274 : memref<1x16x128xf32, #tpu.memory_space<vmem>> -> memref<16x128xf32, #tpu.memory_space<vmem>>
      tpu.wait_dma2 semaphore(%dma_wait3A_269 : memref<!tpu.dma_semaphore, #tpu.memory_space<semaphore_mem>>) src(%dma_wait3A_275 : memref<16x128xf32, #tpu.memory_space<vmem>>) dst(%dma_wait3A_271 : memref<16x128xf32, #tpu.memory_space<hbm>>)
      "tpu.trace_stop"() : () -> ()
      tpu.yield
    }) : () -> ()
    return
  }
}

</mosaic_0001>

<sc_bundles>
// kernel: kernel.3.cloned.1.call-start
scs
__scs_entry_jumppad:
0x0: {  	(pc) =	sbr.rel $0x88, $3  }
0x1: {  	(tag) =	ssettag $0x0;
	lr =	simm.s32 $0x1  }
0x2: {  	[smem:$0x3F9D] =	sst lr;
	_ =	strace $0xD0000000  }
0x3: {  	_ = 	snop  }
0x4: {  	_ = 	snop  }
0x5: {  	_ = 	snop  }
0x6: {  	_ = 	snop  }
0x7: {  	_ = 	snop  }
__scs_overlays_trampoline_lowered:
0x8: {  	[smem:$0x3FAC] =	sst s0  }
0x9: {  	[smem:$0x3FAD] =	sst s1  }
0xa: {  	[smem:$0x3FAE] =	sst s2  }
0xb: {  	[smem:$0x3FAF] =	sst s3  }
0xc: {  	[smem:$0x3FB0] =	sst s4  }
0xd: {  	[smem:$0x3FB1] =	sst s5  }
0xe: {  	[smem:$0x3FB2] =	sst s6  }
0xf: {  	[smem:$0x3FB3] =	sst s7  }
0x10: {  	[smem:$0x3FB4] =	sst s8  }
0x11: {  	[smem:$0x3FB5] =	sst s9;
	s0 =	simm.s32 @!p0 $0x0  }
0x12: {  	s1 =	sld [smem:$0x3F9B];
	s0 =	simm.s32 @p0 $0x1  }
0x13: {  	[smem:$0x3FB6] =	sst s0;
	s0 =	simm.s32 @!p1 $0x0  }
0x14: {  	s2 =	sld [smem:$0x3F9A];
	s0 =	simm.s32 @p1 $0x1  }
0x15: {  	[smem:$0x3FB7] =	sst s0;
	s0 =	simm.s32 @!p2 $0x0  }
0x16: {  	s3 =	sld [smem:$0x3FDB];
	s0 =	simm.s32 @p2 $0x1  }
0x17: {  	s4 =	simm.s32 $0x1BF5;
	[smem:$0x3FB9] =	sst s0  }
0x18: {  	s0 =	sld [smem:$0x3F9C];
	_ =	swait.ge [sflag:s4], $0x0  }
0x19: {  	s7 =	sld [smem:$0x3F9D]  }
0x1a: {  	s8 =	sadd.s32 $0xFFFFE003, lr  }
0x1b: {  	s9 =	sadd.s32 $0xFFFFFEF7, lr;
	s5 =	simm.s32 $0xFFFFFFFF;
	p2 =	slt.u32 s8, $0xFFFFF086  }
0x1c: {  	p1 =	slt.u32 s9, $0xF7A;
	s5 =	simm.s32 @!p2 $0x0  }
0x1d: {  	s5 =	simm.s32 @p1 $0x1;
	p0 =	seq.s32 s7, s2  }
0x1e: {  	s7 =	smul.u32 @!p0 $0xF7A, s2;
	p2 =	seq.s32 @!p0 s5, $0x0  }
0x1f: {  	s9 =	smul.u32 $0xF7A, s1;
	s8 =	simm.s32 @!p0 $0x1BF5;
	p2 =	por !p2, p0  }
0x20: {  	[sflag:s8] =	ssyncset.s32 @!p0 $0xFFFFF086;
	s6 =	sadd.s32 @!p0 s3, s7;
	s7 =	simm.s32 @!p0 $0x108  }
0x21: {  	s3 =	sadd.s32 s3, s9;
	s6 =	sadd.s32 @!p0 $0x88, s6;
	s7 =	simm.s32 @p2 $0x1082  }
0x22: {  	[simem:s7], [sflag:s8] =	dma.local @!p0 [hbm:s6], $0xF7A  }
0x23: {  	s9 =	sor.u32 $0xD0000000, s2;
	s6 =	simm.s32 $0x108;
	_ =	swait.ge @!p0 [sflag:s8], $0x0  }
0x24: {  	s3 =	sadd.s32 $0x88, s3;
	s6 =	simm.s32 @!p1 $0x1082;
	[sflag:s4] =	ssyncset.s32 $0xFFFFF086  }
0x25: {  	[simem:s6], [sflag:s4] =	dma.local [hbm:s3], $0xF7A  }
0x26: {  	[smem:$0x3F9D] =	sst s1;
	(tag) =	ssettag s2;
	_ =	strace s9  }
0x27: {  	s1 =	sld [smem:$0x3FAD]  }
0x28: {  	s2 =	sld [smem:$0x3FAE]  }
0x29: {  	s4 =	sld [smem:$0x3FB0]  }
0x2a: {  	p0 =	seq.s32 s5, $0x0;
	s5 =	sld [smem:$0x3FB1]  }
0x2b: {  	s6 =	sld [smem:$0x3FB2]  }
0x2c: {  	s7 =	sld [smem:$0x3FB3]  }
0x2d: {  	s3 =	simm.s32 $0x108;
	s8 =	sld [smem:$0x3FB4]  }
0x2e: {  	s3 =	simm.s32 @!p0 $0x1082;
	s9 =	sld [smem:$0x3FB5]  }
0x2f: {  	lr =	sadd.s32 s0, s3;
	s0 =	sld [smem:$0x3FAC]  }
0x30: {  	s3 =	sld [smem:$0x3FAF]  }
0x31: {  	[smem:$0x3FB8] =	sst s10  }
0x32: {  	s10 =	sld [smem:$0x3FB6];
	_ =	sdelay $0x3  }
0x33: {  	p0 =	seq.s32 s10, $0x1;
	s10 =	sld [smem:$0x3FB8];
	_ =	sdelay $0x3  }
0x34: {  	[smem:$0x3FB8] =	sst s10  }
0x35: {  	s10 =	sld [smem:$0x3FB7];
	_ =	sdelay $0x3  }
0x36: {  	p1 =	seq.s32 s10, $0x1;
	s10 =	sld [smem:$0x3FB8];
	_ =	sdelay $0x3  }
0x37: {  	[smem:$0x3FB8] =	sst s10  }
0x38: {  	s10 =	sld [smem:$0x3FB9]  }
0x39: {  	_ = 	snop;
	(pc) =	sbr.ind lr, $3  }
0x3a: {  	_ = 	snop  }
0x3b: {  	_ = 	snop  }
0x3c: {  	p2 =	seq.s32 s10, $0x1;
	s10 =	sld [smem:$0x3FB8]  }
0x3d: {  	_ =	shalt  }
0x3e: {  	_ =	shalt  }
0x3f: {  	_ =	shalt  }
0x40: {  	_ =	shalt  }
0x41: {  	_ =	shalt  }
0x42: {  	_ =	shalt  }
0x43: {  	_ =	shalt  }
0x44: {  	_ =	shalt  }
0x45: {  	_ =	shalt  }
0x46: {  	_ =	shalt  }
0x47: {  	_ =	shalt  }
0x48: {  	_ =	shalt  }
0x49: {  	_ =	shalt  }
0x4a: {  	_ =	shalt  }
0x4b: {  	_ =	shalt  }
0x4c: {  	_ =	shalt  }
0x4d: {  	_ =	shalt  }
0x4e: {  	_ =	shalt  }
0x4f: {  	_ =	shalt  }
0x50: {  	_ =	shalt  }
0x51: {  	_ =	shalt  }
0x52: {  	_ =	shalt  }
0x53: {  	_ =	shalt  }
0x54: {  	_ =	shalt  }
0x55: {  	_ =	shalt  }
0x56: {  	_ =	shalt  }
0x57: {  	_ =	shalt  }
0x58: {  	_ =	shalt  }
0x59: {  	_ =	shalt  }
0x5a: {  	_ =	shalt  }
0x5b: {  	_ =	shalt  }
0x5c: {  	_ =	shalt  }
0x5d: {  	_ =	shalt  }
0x5e: {  	_ =	shalt  }
0x5f: {  	_ =	shalt  }
0x60: {  	_ =	shalt  }
0x61: {  	_ =	shalt  }
0x62: {  	_ =	shalt  }
0x63: {  	_ =	shalt  }
0x64: {  	_ =	shalt  }
0x65: {  	_ =	shalt  }
0x66: {  	_ =	shalt  }
0x67: {  	_ =	shalt  }
0x68: {  	_ =	shalt  }
0x69: {  	_ =	shalt  }
0x6a: {  	_ =	shalt  }
0x6b: {  	_ =	shalt  }
0x6c: {  	_ =	shalt  }
0x6d: {  	_ =	shalt  }
0x6e: {  	_ =	shalt  }
0x6f: {  	_ =	shalt  }
0x70: {  	_ =	shalt  }
0x71: {  	_ =	shalt  }
0x72: {  	_ =	shalt  }
0x73: {  	_ =	shalt  }
0x74: {  	_ =	shalt  }
0x75: {  	_ =	shalt  }
0x76: {  	_ =	shalt  }
0x77: {  	_ =	shalt  }
0x78: {  	_ =	shalt  }
0x79: {  	_ =	shalt  }
0x7a: {  	_ =	shalt  }
0x7b: {  	_ =	shalt  }
0x7c: {  	_ =	shalt  }
0x7d: {  	_ =	shalt  }
0x7e: {  	_ =	shalt  }
0x7f: {  	_ =	shalt  }
0x80: {  	_ =	shalt  }
0x81: {  	_ =	shalt  }
0x82: {  	_ =	shalt  }
0x83: {  	_ =	shalt  }
0x84: {  	_ =	shalt  }
0x85: {  	_ =	shalt  }
0x86: {  	_ =	shalt  }
0x87: {  	_ =	shalt  }
.Lfunc_end0:
.L_simem_size_0:
called_computation_lowered:
.L_overlay_start_0:
0x88: {  	s2 =	sld [smem:$0x3FD9]  }
0x89: {  	s3 =	sld [smem:$0x3FFE];
	_ =	sdelay $0x1  }
0x8a: {  	s1 =	srdreg.scid  }
0x8b: {  	s0 =	sand.u32 $0x1, s1  }
0x8c: {  	s14 =	sshll.u32 s0, $0xA;
	s2 =	sadd.s32 s3, s2  }
0x8d: {  	s2 =	sadd.s32 s2, s14  }
0x8e: {  	[smem:$0x3FC4] =	sst s2  }
0x8f: {  	_ = 	snop  }
0x90: {  	s2 =	sld [smem:$0x3FD0];
	_ =	sdelay $0x2  }
0x91: {  	s15 =	simm.s32 $0xA;
	s4 =	simm.s32 $0x10  }
0x92: {  	[smem:s4], [sflag:s15] =	dma.local [hbm:s2], $0x1  }
0x93: {  	_ =	swait.eq [sflag:s15], $0x1  }
0x94: {  	[sflag:s15] =	ssyncset.done $0x0  }
0x95: {  	s16 =	sld [smem:$0x10];
	[sflag:s15] =	ssyncadd.s32 $0xFFFFFFFF  }
0x96: {  	s17 =	sld [smem:$0x11];
	(tm) =	ssettm $0x1  }
0x97: {  	s18 =	sld [smem:$0x3FFB];
	_ =	sdelay $0x3  }
0x98: {  	_ =	strace s18  }
0x99: {  	s4 =	sld [smem:$0x3FFC];
	_ =	sdelay $0x3  }
0x9a: {  	_ =	strace s4  }
0x9b: {  	s4 =	sld [smem:$0x3FFD];
	_ =	sdelay $0x3  }
0x9c: {  	_ =	strace s4  }
0x9d: {  	_ =	strace $0x8FFFFFFF  }
0x9e: {  	s19 =	sld [smem:$0x3FDB];
	_ =	sdelay $0x1  }
0x9f: {  	s5 =	simm.s32 $_scs_section_size  }
0xa0: {  	s6 =	simm.s32 $_size__tile_overlayer_lowered;
	s7 =	simm.s32 $_tile_overlayer_lowered  }
0xa1: {  	s22 =	simm.s32 $0x1BFF;
	s21 =	sshll.u32 s7, $0x1;
	s4 =	sadd.s32 s5, s19  }
0xa2: {  	s8 =	simm.s32 $0x0;
	s20 =	sshll.u32 s6, $0x1;
	s6 =	sadd.s32 s21, s4  }
0xa3: {  	[timem:s8], [sflag:s22] =	dma.local [hbm:s6], s20  }
0xa4: {  	_ =	swait.ge [sflag:s22], s20  }
0xa5: {  	s5 =	ssub.s32 $0x0, s20;
	[sflag:s22] =	ssyncset.done $0x0  }
0xa6: {  	[sflag:s22] =	ssyncadd.s32 s5;
	_ =	sdelay $0x1  }
0xa7: {  	s23 =	simm.s32 $0x1B8B  }
0xa8: {  	_ =	swait.ge [sflag:s23], $0x1  }
0xa9: {  	[sflag:s23] =	ssyncset.done $0x0  }
0xaa: {  	s25 =	simm.s32 $0x1B8E;
	s24 =	sld [smem:$0x3FFE];
	[sflag:s23] =	ssyncadd.s32 $0xFFFFFFFF  }
0xab: {  	s26 =	simm.s32 $execute0_lowered;
	[smem:$0x3FD2] =	sst s25  }
0xac: {  	s6 =	sshll.u32 s26, $0x1;
	_ =	strace $0x80000046;
	[dreg:$0x1] =	wrdreg $0xFFFFFFFF  }
0xad: {  	s28 =	simm.s32 $_size_execute0_lowered;
	s4 =	sadd.s32 s4, s6;
	[dreg:$0x0] =	wrdreg $0x0  }
0xae: {  	s6 =	sshll.u32 s28, $0x1;
	[dreg:$0x2] =	wrdreg s4  }
0xaf: {  	[dreg:$0x3] =	wrdreg s6  }
0xb0: {  	[dreg:$0x4] =	wrdreg $0xC0  }
0xb1: {  	_ =	task [dreg:s8], $0x5FFFF  }
0xb2: {  	[dreg:$0x1] =	wrdreg $0xFFFFFFFF  }
0xb3: {  	[dreg:$0x0] =	wrdreg $0x60  }
0xb4: {  	[dreg:$0x2] =	wrdreg s24  }
0xb5: {  	[dreg:$0x3] =	wrdreg s16  }
0xb6: {  	[dreg:$0x4] =	wrdreg s17  }
0xb7: {  	[dreg:$0x5] =	wrdreg $0x9  }
0xb8: {  	_ =	task.clear_ibuf [dreg:s8], $0x6FFFF;
	_ =	strace $0x90000046  }
0xb9: {  	s29 =	simm.s32 $0x9;
	_ =	strace $0x8000005A  }
0xba: {  	_ =	swait.ge [sflag:s29], $0x1  }
0xbb: {  	[sflag:s29] =	ssyncadd.s32 $0xFFFFFFFF  }
0xbc: {  	_ =	strace $0x9000005A  }
0xbd: {  	_ =	sfence  }
0xbe: {  	s30 =	sld [smem:$0x0];
	_ =	sdelay $0x2  }
0xbf: {  	s31 =	sshll.u32 s1, $0xD;
	s1 =	sshrl.u32 s1, $0x2  }
0xc0: {  	s3 =	sand.u32 $0x4000, s31;
	s1 =	sadd.s32 s1, s30  }
0xc1: {  	s0 =	sor.u32 s3, s0;
	s1 =	sshll.u32 s1, $0x11  }
0xc2: {  	s0 =	sor.u32 s1, s0  }
0xc3: {  	s0 =	sadd.s32 $0x8F2B, s0  }
0xc4: {  	[sflag:s0] =	ssyncadd.remote.s32 $0x1  }
0xc5: {  	_ =	sfence.sel $0xFFFF  }
0xc6: {  	[dreg:$0x0] =	wrdreg $0xFFFFFFFF;
	(pc) =	sbr.abs _section_cstart, $3  }
0xc7: {  	[dreg:$0x1] =	wrdreg $0xFFFFFFFF  }
0xc8: {  	_ =	task.clear_ibuf [dreg:s8], $0x2FFFF;
	_ =	strace $0x9FFFFFFF  }
0xc9: {  	(tm) =	ssettm $0x7FFFFFFF  }
tec
execute0_lowered:
.L_overlay_start_1:
0x0: {  	(tag) =	ssettag $0x1  }
0x1: {  	s0 =	rddreg [dreg:$0x0]  }
0x2: {  	s1 =	rddreg [dreg:$0x1];
	s2 =	srdreg.scid;
	s3 =	simm.s32 $0x0  }
0x3: {  	s21 =	stileid.u32;
	s16 =	simm.s32 $0x1;
	s17 =	simm.s32 $0x80  }
0x4: {  	s18 =	simm.s32 $0x6;
	[dreg:$0x4] =	wrdreg s1;
	s2 =	sand.u32 $0x1, s2  }
0x5: {  	[smem:$0x7FF] =	sst s3;
	s6 =	sadd.s32 $0x1600, s0;
	s4 =	sshll.u32 s2, $0x4  }
0x6: {  	s7 =	sadd.s32 $0xC9600, s0;
	s2 =	ssub.s32 $0x2, s2;
	s9 =	sor.u32 s21, s4  }
0x7: {  	s8 =	sadd.s32 $0xF43A00, s0;
	s11 =	sshrl.u32 s2, $0x1;
	s10 =	smul.u32 $0x140, s9  }
0x8: {  	_ =	strace $0x80000047;
	s12 =	smul.u32 $0x7D00, s9;
	s22 =	ssub.s32 s2, s11  }
0x9: {  	s4 =	sadd.s32 $0x20A00, s0;
	s23 =	smul.u32 $0xFA0, s9;
	s0 =	smax.u32 s22, $0x1  }
0xa: {  	s26 =	smul.u32 $0x1900, s9;
	s24 =	sadd.s32 s4, s10;
	[dreg:$0x9] =	wrdreg s0  }
0xb: {  	s25 =	sshrl.u32 s12, $0x3;
	s28 =	sadd.s32 s6, s23;
	[dreg:$0x5] =	wrdreg s24  }
0xc: {  	s31 =	sadd.s32 s7, s26;
	[dreg:$0x6] =	wrdreg s28;
	s29 =	sadd.s32 s6, s25  }
0xd: {  	s5 =	smul.u32 $0xA, s9;
	[dreg:$0x8] =	wrdreg s31;
	s30 =	sadd.s32 $0x50, s29  }
0xe: {  	s1 =	simm.s32 $0x0;
	s11 =	smul.u32 $0x32, s9;
	[dreg:$0x7] =	wrdreg s30  }
.LBB2_1:
0xf: {  	[dreg:$0xa] =	wrdreg s1;
	s1 =	simm.s32 $0x0  }
0x10: {  	s2 =	simm.s32 $0x14500;
	s9 =	simm.s32 $0x1;
	p0 =	por $0x0, $0x0  }
0x11: {  	p5 =	por $0x1, $0x1;
	_ =	strace $0x80000048;
	s9 =	simm.s32 @p0 $0x0  }
0x12: {  	s29 =	simm.s32 $0x0;
	s0 =	rddreg [dreg:$0x5];
	p1 =	sne.s32 s9, $0x0  }
0x13: {  	[tilespmem:s2], [sflag:$0x2] =	stream.linear.gather [hbm4b:s0+s1], $0x100, $0x200038;
	[tilespmem:$0x1C700] =	vst v63  }
0x14: {  	s20 =	sadd.s32 $0x0, s5;
	p4 =	por $0x0, $0x0;
	p0 =	por !p5, !p1  }
0x15: {  	p6 =	por $0x1, $0x1;
	s23 =	simm.s32 $0x1;
	p3 =	por !p0, !p0  }
0x16: {  	s15 =	sand.u32 $0x1, s1;
	_ =	strace $0x90000048;
	s0 =	sadd.s32 @p3 s5, s9  }
0x17: {  	s2 =	sand.u32 @p3 $0x1, s16;
	s12 =	simm.s32 @p3 $0x0;
	s0 =	sshll.u32 @p3 s0, $0x5  }
0x18: {  	_ =	strace @p3 $0x80000049;
	s10 =	sshll.u32 @p3 s2, $0x8;
	s0 =	sand.u32 @p3 $0x1FFFFFE0, s0  }
0x19: {  	s2 =	sor.u32 @p3 $0x2, s2;
	s10 =	sadd.s32 @p3 $0x14500, s10;
	s0 =	sadd.s32 @p3 s4, s0  }
0x1a: {  	[tilespmem:s10], [sflag:s2] =	stream.linear.gather @p3 [hbm4b:s0+s12], $0x100, $0x200038;
	[tilespmem:$0x1C700] =	vst v63  }
0x1b: {  	s30 =	sor.u32 $0x2, s15;
	s31 =	sshll.u32 s15, $0xE;
	_ =	strace @p3 $0x90000049  }
0x1c: {  	s22 =	sadd.s32 $0x14700, s31;
	p0 =	por $0x1, $0x1;
	_ =	strace $0x8000004A  }
0x1d: {  	p5 =	por $0x0, $0x0;
	s13 =	sand.u32 @!p0 $0x1, s1;
	_ =	swait.ge [sflag:s30], $0x100  }
0x1e: {  	p2 =	por p0, p0;
	p0 =	por $0x0, $0x0;
	[sflag:s30] =	ssyncset.done $0x0  }
0x1f: {  	s21 =	sor.u32 @!p2 $0x4, s13;
	s13 =	simm.s32 $0x0;
	[sflag:s30] =	ssyncadd.s32 $0xFFFFFF00  }
0x20: {  	s0 =	simm.s32 $0x9;
	s2 =	sand.u32 $0x100, s29;
	_ =	strace $0x9000004A  }
0x21: {  	s12 =	simm.s32 $0x8;
	s14 =	sadd.s32 $0x14500, s2;
	_ =	strace $0x8000004B  }
0x22: {  	[tilespmem:s22], [sflag:$0x6] =	stream.indirect.gather [hbm4b:s8+s17], $0x40, s14, s17, $0x2000b8;
	[tilespmem:$0x1C700] =	vst v63  }
0x23: {  	s10 =	sadd.s32 $0x16700, s31;
	s14 =	simm.s32 $0x1;
	_ =	swait.ge [sflag:s18], $0x2000  }
0x24: {  	s14 =	simm.s32 @!p5 $0x0;
	p5 =	por p4, p1;
	[sflag:s18] =	ssyncset.done $0x0  }
0x25: {  	s2 =	sadd.s32 $0x14580, s2;
	s25 =	simm.s32 @p5 $0x0;
	[sflag:s18] =	ssyncadd.s32 $0xFFFFE000  }
0x26: {  	[tilespmem:s10], [sflag:$0x6] =	stream.indirect.gather [hbm4b:s8+s17], $0x40, s2, s17, $0x2000b8;
	[tilespmem:$0x1C700] =	vst v63  }
0x27: {  	s10 =	sadd.s32 $0x0, s14;
	s2 =	simm.s32 $0x1;
	s14 =	sadd.s32 $0x1, s9  }
0x28: {  	s2 =	simm.s32 @!p3 $0x0;
	_ =	swait.ge [sflag:s18], $0x2000;
	p3 =	seq.s32 s14, $0xA  }
0x29: {  	s23 =	simm.s32 @!p5 $0x0;
	[sflag:s18] =	ssyncset.done $0x0;
	s14 =	simm.s32 @p3 $0x0  }
0x2a: {  	s19 =	sadd.s32 $0x1, s2;
	[sflag:s18] =	ssyncadd.s32 $0xFFFFE000;
	p1 =	sne.s32 s9, s14  }
0x2b: {  	s2 =	sshll.u32 @p5 s20, $0xB;
	p3 =	por !p6, !p1;
	_ =	strace $0x9000004B  }
0x2c: {  	s20 =	simm.s32 $0x0;
	p3 =	por !p3, !p3;
	_ =	strace @p5 $0x8000004C  }
0x2d: {  	s24 =	sand.u32 @p3 $0x1, s19;
	s28 =	sadd.s32 @p3 s5, s14;
	s26 =	rddreg [dreg:$0x4]  }
.LBB2_2:
0x2e: {  	s29 =	sshll.u32 @p3 s24, $0x8  }
0x2f: {  	s28 =	sshll.u32 @p3 s28, $0x5;
	s30 =	sand.u32 @p5 $0x1FFFF800, s2;
	s2 =	smov.u32 s0  }
0x30: {  	s0 =	smov.u32 s12;
	s31 =	smov.u32 s9;
	s20 =	sadd.s32 s23, s20  }
0x31: {  	s15 =	sor.u32 @p5 $0x4, s15;
	s12 =	sadd.s32 $0xFFFFFFFF, s12;
	s26 =	sadd.s32 @p5 s26, s30  }
0x32: {  	[hbm4b:s26+s25] =	stream.linear.scatter @p5 [tilespmem:s22], [sflag:s15], $0x4000, $0x200038;
	[tilespmem:$0x1C700] =	vst v63  }
0x33: {  	s13 =	sadd.s32 s23, s13;
	s29 =	sadd.s32 @p3 $0x14500, s29;
	_ =	strace @p5 $0x9000004C  }
0x34: {  	s23 =	sand.u32 @!p0 $0x1, s10;
	s9 =	sand.u32 @p3 $0x1FFFFFE0, s28;
	_ =	strace @!p2 $0x8000004D  }
0x35: {  	s28 =	sshll.u32 s20, $0x8;
	p4 =	sne.s32 s12, $0x0;
	_ =	swait.ge @!p2 [sflag:s21], $0x4000  }
0x36: {  	s30 =	sand.u32 $0x1, s20;
	p6 =	sne.s32 s2, $0xA;
	[sflag:s21] =	ssyncset.done @!p2 $0x0  }
0x37: {  	s15 =	sadd.s32 @p3 s4, s9;
	s26 =	sand.u32 $0x100, s28;
	[sflag:s21] =	ssyncadd.s32 @!p2 $0xFFFFC000  }
0x38: {  	s9 =	smov.u32 s14;
	s22 =	simm.s32 @p3 $0x0;
	_ =	strace @!p2 $0x9000004D  }
0x39: {  	s1 =	sor.u32 $0x2, s30;
	s21 =	sor.u32 @p3 $0x2, s24;
	_ =	strace @p3 $0x80000049  }
0x3a: {  	[tilespmem:s29], [sflag:s21] =	stream.linear.gather @p3 [hbm4b:s15+s22], $0x100, $0x200038;
	[tilespmem:$0x1C700] =	vst v63  }
0x3b: {  	s14 =	sadd.s32 $0x1, s14;
	p5 =	seq.s32 s2, $0x1;
	_ =	strace @p3 $0x90000049  }
0x3c: {  	s30 =	sadd.s32 $0x14580, s26;
	s2 =	simm.s32 $0x1;
	_ =	strace $0x8000004A  }
0x3d: {  	s2 =	simm.s32 @!p3 $0x0;
	p5 =	por p5, p1;
	_ =	swait.ge [sflag:s1], $0x100  }
0x3e: {  	s19 =	sadd.s32 s2, s19;
	s25 =	simm.s32 @p5 $0x0;
	[sflag:s1] =	ssyncset.done $0x0  }
0x3f: {  	s24 =	sadd.s32 s5, s31;
	s15 =	sand.u32 $0x1, s13;
	[sflag:s1] =	ssyncadd.s32 $0xFFFFFF00  }
0x40: {  	p2 =	por p0, p0;
	s3 =	sshll.u32 s15, $0xE;
	_ =	strace $0x9000004A  }
0x41: {  	s29 =	sadd.s32 $0x14500, s26;
	s22 =	sadd.s32 $0x14700, s3;
	_ =	strace $0x8000004B  }
0x42: {  	[tilespmem:s22], [sflag:$0x6] =	stream.indirect.gather [hbm4b:s8+s17], $0x40, s29, s17, $0x2000b8;
	[tilespmem:$0x1C700] =	vst v63  }
0x43: {  	p0 =	seq.s32 s0, $0xA;
	s2 =	sshll.u32 @p5 s24, $0xB;
	_ =	swait.ge [sflag:s18], $0x2000  }
0x44: {  	s21 =	sor.u32 @!p2 $0x4, s23;
	s23 =	simm.s32 $0x1;
	[sflag:s18] =	ssyncset.done $0x0  }
0x45: {  	s23 =	simm.s32 @!p6 $0x0;
	s31 =	sadd.s32 $0x16700, s3;
	[sflag:s18] =	ssyncadd.s32 $0xFFFFE000  }
0x46: {  	[tilespmem:s31], [sflag:$0x6] =	stream.indirect.gather [hbm4b:s8+s17], $0x40, s30, s17, $0x2000b8;
	[tilespmem:$0x1C700] =	vst v63  }
0x47: {  	p3 =	seq.s32 s14, $0xA;
	p6 =	sne.s32 s0, $0x1;
	_ =	swait.ge [sflag:s18], $0x2000  }
.Ltmp0:
0x48: {  	s14 =	simm.s32 @p3 $0x0;
	[sflag:s18] =	ssyncset.done $0x0;
	(pc) =	sbr.rel @p4 .LBB2_2-.Ltmp0, $4  }
0x49: {  	s10 =	sadd.s32 s23, s10;
	p1 =	sne.s32 s9, s14;
	[sflag:s18] =	ssyncadd.s32 $0xFFFFE000  }
0x4a: {  	s23 =	simm.s32 $0x1;
	p3 =	por !p6, !p1;
	_ =	strace $0x9000004B  }
0x4b: {  	s23 =	simm.s32 @!p5 $0x0;
	p3 =	por !p3, !p3;
	_ =	strace @p5 $0x8000004C  }
0x4c: {  	s24 =	sand.u32 @p3 $0x1, s19;
	s28 =	sadd.s32 @p3 s5, s14;
	s26 =	rddreg [dreg:$0x4]  }
0x4d: {  	s2 =	sand.u32 @p5 $0x1FFFF800, s2  }
0x4e: {  	s12 =	sor.u32 @p5 $0x4, s15;
	s2 =	sadd.s32 @p5 s26, s2  }
0x4f: {  	[hbm4b:s2+s25] =	stream.linear.scatter @p5 [tilespmem:s22], [sflag:s12], $0x4000, $0x200038;
	[tilespmem:$0x1C700] =	vst v63  }
0x50: {  	_ =	strace @p5 $0x9000004C  }
0x51: {  	_ =	strace @!p2 $0x8000004D  }
0x52: {  	_ =	swait.ge @!p2 [sflag:s21], $0x4000  }
0x53: {  	s14 =	sadd.s32 s23, s20;
	s15 =	sor.u32 @p3 $0x2, s24;
	[sflag:s21] =	ssyncset.done @!p2 $0x0  }
0x54: {  	s19 =	simm.s32 @p3 $0x0;
	s12 =	sshll.u32 @p3 s28, $0x5;
	[sflag:s21] =	ssyncadd.s32 @!p2 $0xFFFFC000  }
0x55: {  	s2 =	sshll.u32 @p3 s24, $0x8;
	s12 =	sand.u32 @p3 $0x1FFFFFE0, s12;
	_ =	strace @!p2 $0x9000004D  }
0x56: {  	s2 =	sadd.s32 @p3 $0x14500, s2;
	s12 =	sadd.s32 @p3 s4, s12;
	_ =	strace @p3 $0x80000049  }
0x57: {  	[tilespmem:s2], [sflag:s15] =	stream.linear.gather @p3 [hbm4b:s12+s19], $0x100, $0x200038;
	[tilespmem:$0x1C700] =	vst v63  }
0x58: {  	s19 =	sand.u32 $0x1, s14;
	_ =	strace @p3 $0x90000049  }
0x59: {  	s2 =	sor.u32 $0x2, s19;
	_ =	strace $0x8000004A  }
0x5a: {  	_ =	swait.ge [sflag:s2], $0x100  }
0x5b: {  	s20 =	sadd.s32 s23, s13;
	[sflag:s2] =	ssyncset.done $0x0  }
0x5c: {  	s21 =	sshll.u32 s14, $0x8;
	s12 =	sand.u32 $0x1, s20;
	[sflag:s2] =	ssyncadd.s32 $0xFFFFFF00  }
0x5d: {  	s22 =	sand.u32 $0x100, s21;
	s23 =	sshll.u32 s12, $0xE;
	_ =	strace $0x9000004A  }
0x5e: {  	s24 =	sadd.s32 $0x14500, s22;
	s14 =	sadd.s32 $0x14700, s23;
	_ =	strace $0x8000004B  }
0x5f: {  	[tilespmem:s14], [sflag:$0x6] =	stream.indirect.gather [hbm4b:s8+s17], $0x40, s24, s17, $0x2000b8;
	[tilespmem:$0x1C700] =	vst v63  }
0x60: {  	_ =	swait.ge [sflag:s18], $0x2000  }
0x61: {  	[sflag:s18] =	ssyncset.done $0x0  }
0x62: {  	s13 =	sadd.s32 $0x16700, s23;
	s2 =	sadd.s32 $0x14580, s22;
	[sflag:s18] =	ssyncadd.s32 $0xFFFFE000  }
0x63: {  	[tilespmem:s13], [sflag:$0x6] =	stream.indirect.gather [hbm4b:s8+s17], $0x40, s2, s17, $0x2000b8;
	[tilespmem:$0x1C700] =	vst v63  }
0x64: {  	_ =	swait.ge [sflag:s18], $0x2000  }
0x65: {  	[sflag:s18] =	ssyncset.done $0x0  }
0x66: {  	p6 =	seq.s32 s0, $0x1;
	[sflag:s18] =	ssyncadd.s32 $0xFFFFE000  }
0x67: {  	s0 =	sadd.s32 s5, s9;
	p1 =	por p6, p1;
	_ =	strace $0x9000004B  }
0x68: {  	s0 =	sshll.u32 @p1 s0, $0xB;
	_ =	strace @p1 $0x8000004C  }
0x69: {  	s0 =	sand.u32 @p1 $0x1FFFF800, s0;
	s2 =	rddreg [dreg:$0x4]  }
0x6a: {  	s9 =	simm.s32 @p1 $0x0;
	s12 =	sor.u32 @p1 $0x4, s12;
	s0 =	sadd.s32 @p1 s2, s0  }
0x6b: {  	[hbm4b:s0+s9] =	stream.linear.scatter @p1 [tilespmem:s14], [sflag:s12], $0x4000, $0x200038;
	[tilespmem:$0x1C700] =	vst v63  }
0x6c: {  	s0 =	sand.u32 @!p0 $0x1, s10;
	p0 =	por p0, p0;
	_ =	strace @p1 $0x9000004C  }
0x6d: {  	s0 =	sor.u32 @!p0 $0x4, s0;
	_ =	strace @!p0 $0x8000004D  }
0x6e: {  	_ =	swait.ge @!p0 [sflag:s0], $0x4000  }
0x6f: {  	[sflag:s0] =	ssyncset.done @!p0 $0x0  }
0x70: {  	[sflag:s0] =	ssyncadd.s32 @!p0 $0xFFFFC000  }
0x71: {  	_ =	strace @!p0 $0x9000004D  }
0x72: {  	s25 =	simm.s32 $0x5;
	_ =	strace $0x8000004E  }
0x73: {  	_ =	swait.ge [sflag:s25], $0x4000  }
0x74: {  	[sflag:s25] =	ssyncset.done $0x0  }
0x75: {  	s29 =	simm.s32 $0x14A00;
	s0 =	simm.s32 $0x0;
	[sflag:s25] =	ssyncadd.s32 $0xFFFFC000  }
0x76: {  	s31 =	simm.s32 $0x14F00;
	_ =	strace $0x9000004E;
	[smem:$0x0] =	sst s0  }
0x77: {  	s26 =	simm.s32 $0x14500;
	s21 =	simm.s32 $0x0;
	_ =	strace $0x8000004F  }
0x78: {  	s20 =	simm.s32 $0x1;
	s15 =	simm.s32 $0x0;
	s1 =	rddreg [dreg:$0x6]  }
0x79: {  	[tilespmem:s26], [sflag:$0x2] =	stream.linear.gather [hbm4b:s1+s0], $0x280, $0x200038;
	[tilespmem:$0x1C700] =	vst v63  }
0x7a: {  	s19 =	simm.s32 $0x0;
	s13 =	simm.s32 $0x0;
	s28 =	rddreg [dreg:$0x7]  }
0x7b: {  	[tilespmem:s29], [sflag:$0x4] =	stream.linear.gather [hbm4b:s28+s0], $0x280, $0x200038;
	[tilespmem:$0x1C700] =	vst v63  }
0x7c: {  	s9 =	simm.s32 $0x0;
	s10 =	simm.s32 $0x0;
	s30 =	rddreg [dreg:$0x8]  }
0x7d: {  	[tilespmem:s31], [sflag:$0x6] =	stream.linear.gather [hbm4b:s30+s0], $0x400, $0x200038;
	[tilespmem:$0x1C700] =	vst v63  }
0x7e: {  	s12 =	simm.s32 $0x1;
	s14 =	simm.s32 $0x1;
	_ =	strace $0x9000004F  }
.LBB2_4:
0x7f: {  	s2 =	sadd.s32 $0x1, s0  }
0x80: {  	p0 =	seq.s32 s2, $0x32;
	s25 =	smov.u32 s2  }
0x81: {  	s25 =	simm.s32 @p0 $0x0  }
0x82: {  	p2 =	sne.s32 s19, $0x31;
	p1 =	sne.s32 s0, s25  }
0x83: {  	p6 =	por !p2, !p1  }
0x84: {  	s23 =	sadd.s32 s11, s25;
	p3 =	por !p6, !p6  }
0x85: {  	s22 =	sand.u32 @p3 $0x1, s14;
	s26 =	smul.u32 @p3 $0x280, s23  }
0x86: {  	s24 =	smul.u32 @p3 $0xA00, s22  }
0x87: {  	_ =	strace @p3 $0x80000050  }
0x88: {  	s28 =	simm.s32 @p3 $0x0;
	s26 =	sshrl.u32 @p3 s26, $0x3;
	s24 =	sshrl.u32 @p3 s24, $0x2  }
0x89: {  	s22 =	sor.u32 @p3 $0x2, s22;
	s26 =	sadd.s32 @p3 s6, s26;
	s24 =	sadd.s32 @p3 $0x14500, s24  }
0x8a: {  	[tilespmem:s24], [sflag:s22] =	stream.linear.gather @p3 [hbm4b:s26+s28], $0x280, $0x200038;
	[tilespmem:$0x1C700] =	vst v63  }
0x8b: {  	s22 =	sadd.s32 $0x1, s25  }
0x8c: {  	p0 =	slt.s32 s2, $0x31;
	p4 =	slt.s32 s22, $0x31  }
0x8d: {  	s2 =	simm.s32 @!p0 $0x31;
	s22 =	simm.s32 @!p4 $0x31  }
0x8e: {  	p0 =	sne.s32 s2, s22  }
0x8f: {  	p2 =	por !p2, !p0  }
0x90: {  	p4 =	por !p2, !p2  }
0x91: {  	s24 =	sand.u32 @p4 $0x1, s12  }
0x92: {  	s22 =	sadd.s32 @p4 s11, s22;
	s26 =	smul.u32 @p4 $0xA00, s24  }
0x93: {  	_ =	strace @p3 $0x90000050;
	s22 =	smul.u32 @p4 $0x280, s22  }
0x94: {  	s23 =	sshll.u32 @p3 s23, $0x7;
	_ =	strace @p4 $0x80000051  }
0x95: {  	s29 =	simm.s32 @p4 $0x0;
	s26 =	sshrl.u32 @p4 s26, $0x2;
	s22 =	sshrl.u32 @p4 s22, $0x3  }
0x96: {  	s24 =	sor.u32 @p4 $0x4, s24;
	s26 =	sadd.s32 @p4 $0x14A00, s26;
	s22 =	sadd.s32 @p4 s6, s22  }
0x97: {  	[tilespmem:s26], [sflag:s24] =	stream.linear.gather @p4 [hbm4b:s22+s29], $0x280, $0x200038;
	[tilespmem:$0x1C700] =	vst v63  }
0x98: {  	s23 =	sand.u32 @p3 $0x1FFFFF80, s23;
	s22 =	sand.u32 @p3 $0x1, s20  }
0x99: {  	s23 =	sadd.s32 @p3 s7, s23;
	_ =	strace @p4 $0x90000051;
	s24 =	sshll.u32 @p3 s22, $0xA  }
0x9a: {  	s22 =	sor.u32 @p3 $0x6, s22;
	_ =	strace @p3 $0x80000052;
	s24 =	sadd.s32 @p3 $0x14F00, s24  }
0x9b: {  	[tilespmem:s24], [sflag:s22] =	stream.linear.gather @p3 [hbm4b:s23+s28], $0x400, $0x200038;
	[tilespmem:$0x1C700] =	vst v63  }
0x9c: {  	p2 =	slt.s32 s0, $0x31;
	s29 =	sand.u32 $0x1, s13;
	_ =	strace @p3 $0x90000052  }
0x9d: {  	s22 =	smov.u32 s0;
	s24 =	sor.u32 $0x2, s29;
	_ =	strace $0x80000053  }
0x9e: {  	p5 =	seq.s32 s0, $0x0;
	s22 =	simm.s32 @!p2 $0x31;
	_ =	swait.ge [sflag:s24], $0x280  }
0x9f: {  	p2 =	seq.s32 s19, $0x0;
	s22 =	simm.s32 @p5 $0x31;
	[sflag:s24] =	ssyncset.done $0x0  }
0xa0: {  	p5 =	seq.s32 @!p2 s2, s22;
	[sflag:s24] =	ssyncadd.s32 $0xFFFFFD80  }
0xa1: {  	s2 =	sand.u32 $0x1, s10;
	p5 =	por p2, !p5;
	_ =	strace $0x90000053  }
0xa2: {  	s22 =	sor.u32 @p5 $0x4, s2;
	_ =	strace @p5 $0x80000054  }
0xa3: {  	_ =	swait.ge @p5 [sflag:s22], $0x280  }
0xa4: {  	[sflag:s22] =	ssyncset.done @p5 $0x0  }
0xa5: {  	[sflag:s22] =	ssyncadd.s32 @p5 $0xFFFFFD80  }
0xa6: {  	s23 =	sand.u32 $0x1, s9;
	_ =	strace @p5 $0x90000054  }
0xa7: {  	s26 =	sor.u32 $0x6, s23;
	_ =	strace $0x80000055  }
0xa8: {  	_ =	swait.ge [sflag:s26], $0x400  }
0xa9: {  	[sflag:s26] =	ssyncset.done $0x0  }
0xaa: {  	[sflag:s26] =	ssyncadd.s32 $0xFFFFFC00  }
0xab: {  	_ =	strace $0x90000055  }
0xac: {  	_ =	strace $0x80000056  }
0xad: {  	s22 =	sld [smem:$0x0];
	_ =	sdelay $0x2  }
0xae: {  	s30 =	sshrl.u32 s22, $0x1F  }
0xaf: {  	p5 =	seq.s32 s2, $0x1;
	s2 =	simm.s32 $0x280;
	s24 =	sadd.s32 s30, s22  }
0xb0: {  	s2 =	simm.s32 @!p5 $0x0;
	s24 =	sand.u32 $0xFFFFFFFE, s24  }
0xb1: {  	v0 =	vld [tilespmem:s2+$0x14A00];
	s24 =	ssub.s32 s22, s24  }
0xb2: {  	s28 =	ssub.s32 $0x1, s24  }
0xb3: {  	s31 =	smul.u32 $0xA00, s28;
	_ =	sdelay $0x1  }
0xb4: {  	s26 =	sshra.s32 s31, $0x2  }
0xb5: {  	[tilespmem:s26+$0x14000] =	vst v0  }
0xb6: {  	v0 =	vld [tilespmem:s2+$0x14A10];
	_ =	sdelay $0x4  }
0xb7: {  	[tilespmem:s26+$0x14010] =	vst v0  }
0xb8: {  	v0 =	vld [tilespmem:s2+$0x14A20];
	_ =	sdelay $0x4  }
0xb9: {  	[tilespmem:s26+$0x14020] =	vst v0  }
0xba: {  	v0 =	vld [tilespmem:s2+$0x14A30];
	_ =	sdelay $0x4  }
0xbb: {  	[tilespmem:s26+$0x14030] =	vst v0  }
0xbc: {  	v0 =	vld [tilespmem:s2+$0x14A40];
	_ =	sdelay $0x4  }
0xbd: {  	[tilespmem:s26+$0x14040] =	vst v0  }
0xbe: {  	v0 =	vld [tilespmem:s2+$0x14A50];
	_ =	sdelay $0x4  }
0xbf: {  	[tilespmem:s26+$0x14050] =	vst v0  }
0xc0: {  	v0 =	vld [tilespmem:s2+$0x14A60];
	_ =	sdelay $0x4  }
0xc1: {  	[tilespmem:s26+$0x14060] =	vst v0  }
0xc2: {  	v0 =	vld [tilespmem:s2+$0x14A70];
	_ =	sdelay $0x4  }
0xc3: {  	[tilespmem:s26+$0x14070] =	vst v0  }
0xc4: {  	v0 =	vld [tilespmem:s2+$0x14A80];
	_ =	sdelay $0x4  }
0xc5: {  	[tilespmem:s26+$0x14080] =	vst v0  }
0xc6: {  	v0 =	vld [tilespmem:s2+$0x14A90];
	_ =	sdelay $0x4  }
0xc7: {  	[tilespmem:s26+$0x14090] =	vst v0  }
0xc8: {  	v0 =	vld [tilespmem:s2+$0x14AA0];
	_ =	sdelay $0x4  }
0xc9: {  	[tilespmem:s26+$0x140A0] =	vst v0  }
0xca: {  	v0 =	vld [tilespmem:s2+$0x14AB0];
	_ =	sdelay $0x4  }
0xcb: {  	[tilespmem:s26+$0x140B0] =	vst v0  }
0xcc: {  	v0 =	vld [tilespmem:s2+$0x14AC0];
	_ =	sdelay $0x4  }
0xcd: {  	[tilespmem:s26+$0x140C0] =	vst v0  }
0xce: {  	v0 =	vld [tilespmem:s2+$0x14AD0];
	_ =	sdelay $0x4  }
0xcf: {  	[tilespmem:s26+$0x140D0] =	vst v0  }
0xd0: {  	v0 =	vld [tilespmem:s2+$0x14AE0];
	_ =	sdelay $0x4  }
0xd1: {  	[tilespmem:s26+$0x140E0] =	vst v0  }
0xd2: {  	v0 =	vld [tilespmem:s2+$0x14AF0];
	_ =	sdelay $0x4  }
0xd3: {  	[tilespmem:s26+$0x140F0] =	vst v0  }
0xd4: {  	v0 =	vld [tilespmem:s2+$0x14B00];
	_ =	sdelay $0x4  }
0xd5: {  	[tilespmem:s26+$0x14100] =	vst v0  }
0xd6: {  	v0 =	vld [tilespmem:s2+$0x14B10];
	_ =	sdelay $0x4  }
0xd7: {  	[tilespmem:s26+$0x14110] =	vst v0  }
0xd8: {  	v0 =	vld [tilespmem:s2+$0x14B20];
	_ =	sdelay $0x4  }
0xd9: {  	[tilespmem:s26+$0x14120] =	vst v0  }
0xda: {  	v0 =	vld [tilespmem:s2+$0x14B30];
	_ =	sdelay $0x4  }
0xdb: {  	[tilespmem:s26+$0x14130] =	vst v0  }
0xdc: {  	v0 =	vld [tilespmem:s2+$0x14B40];
	_ =	sdelay $0x4  }
0xdd: {  	[tilespmem:s26+$0x14140] =	vst v0  }
0xde: {  	v0 =	vld [tilespmem:s2+$0x14B50];
	_ =	sdelay $0x4  }
0xdf: {  	[tilespmem:s26+$0x14150] =	vst v0  }
0xe0: {  	v0 =	vld [tilespmem:s2+$0x14B60];
	_ =	sdelay $0x4  }
0xe1: {  	[tilespmem:s26+$0x14160] =	vst v0  }
0xe2: {  	v0 =	vld [tilespmem:s2+$0x14B70];
	_ =	sdelay $0x4  }
0xe3: {  	[tilespmem:s26+$0x14170] =	vst v0  }
0xe4: {  	v0 =	vld [tilespmem:s2+$0x14B80];
	_ =	sdelay $0x4  }
0xe5: {  	[tilespmem:s26+$0x14180] =	vst v0  }
0xe6: {  	v0 =	vld [tilespmem:s2+$0x14B90];
	_ =	sdelay $0x4  }
0xe7: {  	[tilespmem:s26+$0x14190] =	vst v0  }
0xe8: {  	v0 =	vld [tilespmem:s2+$0x14BA0];
	_ =	sdelay $0x4  }
0xe9: {  	[tilespmem:s26+$0x141A0] =	vst v0  }
0xea: {  	v0 =	vld [tilespmem:s2+$0x14BB0];
	_ =	sdelay $0x4  }
0xeb: {  	[tilespmem:s26+$0x141B0] =	vst v0  }
0xec: {  	v0 =	vld [tilespmem:s2+$0x14BC0];
	_ =	sdelay $0x4  }
0xed: {  	[tilespmem:s26+$0x141C0] =	vst v0  }
0xee: {  	v0 =	vld [tilespmem:s2+$0x14BD0];
	_ =	sdelay $0x4  }
0xef: {  	[tilespmem:s26+$0x141D0] =	vst v0  }
0xf0: {  	v0 =	vld [tilespmem:s2+$0x14BE0];
	_ =	sdelay $0x4  }
0xf1: {  	[tilespmem:s26+$0x141E0] =	vst v0  }
0xf2: {  	v0 =	vld [tilespmem:s2+$0x14BF0];
	_ =	sdelay $0x4  }
0xf3: {  	[tilespmem:s26+$0x141F0] =	vst v0  }
0xf4: {  	v0 =	vld [tilespmem:s2+$0x14C00];
	_ =	sdelay $0x4  }
0xf5: {  	[tilespmem:s26+$0x14200] =	vst v0  }
0xf6: {  	v0 =	vld [tilespmem:s2+$0x14C10];
	_ =	sdelay $0x4  }
0xf7: {  	[tilespmem:s26+$0x14210] =	vst v0  }
0xf8: {  	v0 =	vld [tilespmem:s2+$0x14C20];
	_ =	sdelay $0x4  }
0xf9: {  	[tilespmem:s26+$0x14220] =	vst v0  }
0xfa: {  	v0 =	vld [tilespmem:s2+$0x14C30];
	_ =	sdelay $0x4  }
0xfb: {  	[tilespmem:s26+$0x14230] =	vst v0  }
0xfc: {  	v0 =	vld [tilespmem:s2+$0x14C40];
	_ =	sdelay $0x4  }
0xfd: {  	[tilespmem:s26+$0x14240] =	vst v0  }
0xfe: {  	v0 =	vld [tilespmem:s2+$0x14C50];
	_ =	sdelay $0x4  }
0xff: {  	[tilespmem:s26+$0x14250] =	vst v0  }
0x100: {  	v0 =	vld [tilespmem:s2+$0x14C60];
	_ =	sdelay $0x4  }
0x101: {  	[tilespmem:s26+$0x14260] =	vst v0  }
0x102: {  	p5 =	sne.s32 s22, $0x0;
	v0 =	vld [tilespmem:s2+$0x14C70]  }
.Ltmp1:
0x103: {  	_ = 	snop;
	(pc) =	sbr.rel @!p5 .LBB2_5-.Ltmp1, $2  }
0x104: {  	_ =	sdelay $0x2  }
0x105: {  	[tilespmem:s26+$0x14270] =	vst v0  }
0x106: {  	_ =	swait.ge [sflag:s16], $0x2000  }
0x107: {  	[sflag:s16] =	ssyncset.done $0x0  }
0x108: {  	[sflag:s16] =	ssyncadd.s32 $0xFFFFE000  }
0x109: {  	_ =	swait.ge [sflag:s16], $0x2000  }
0x10a: {  	[sflag:s16] =	ssyncset.done $0x0  }
0x10b: {  	[sflag:s16] =	ssyncadd.s32 $0xFFFFE000  }
0x10c: {  	_ =	swait.ge [sflag:s16], $0x2000  }
0x10d: {  	[sflag:s16] =	ssyncset.done $0x0  }
0x10e: {  	[sflag:s16] =	ssyncadd.s32 $0xFFFFE000  }
0x10f: {  	p5 =	seq.s32 s22, $0x31;
	_ =	swait.ge [sflag:s16], $0x2000  }
.Ltmp2:
0x110: {  	[sflag:s16] =	ssyncset.done $0x0;
	(pc) =	sbr.rel @p5 .LBB2_8-.Ltmp2, $4  }
.Ltmp3:
0x111: {  	[sflag:s16] =	ssyncadd.s32 $0xFFFFE000;
	(pc) =	sbr.rel @!p5 .LBB2_7-.Ltmp3, $4  }
0x112: {  	_ =	swait.ge [sflag:s16], $0x2000  }
0x113: {  	[sflag:s16] =	ssyncset.done $0x0  }
0x114: {  	[sflag:s16] =	ssyncadd.s32 $0xFFFFE000  }
0x115: {  	_ = 	snop  }
.LBB2_5:
0x116: {  	p5 =	seq.s32 s29, $0x1;
	s2 =	simm.s32 $0x280  }
0x117: {  	s2 =	simm.s32 @!p5 $0x0  }
0x118: {  	v0 =	vld [tilespmem:s2+$0x14500];
	_ =	sdelay $0x4  }
0x119: {  	[tilespmem:$0x14000] =	vst v0  }
0x11a: {  	v0 =	vld [tilespmem:s2+$0x14510];
	_ =	sdelay $0x4  }
0x11b: {  	[tilespmem:$0x14010] =	vst v0  }
0x11c: {  	v0 =	vld [tilespmem:s2+$0x14520];
	_ =	sdelay $0x4  }
0x11d: {  	[tilespmem:$0x14020] =	vst v0  }
0x11e: {  	v0 =	vld [tilespmem:s2+$0x14530];
	_ =	sdelay $0x4  }
0x11f: {  	[tilespmem:$0x14030] =	vst v0  }
0x120: {  	v0 =	vld [tilespmem:s2+$0x14540];
	_ =	sdelay $0x4  }
0x121: {  	[tilespmem:$0x14040] =	vst v0  }
0x122: {  	v0 =	vld [tilespmem:s2+$0x14550];
	_ =	sdelay $0x4  }
0x123: {  	[tilespmem:$0x14050] =	vst v0  }
0x124: {  	v0 =	vld [tilespmem:s2+$0x14560];
	_ =	sdelay $0x4  }
0x125: {  	[tilespmem:$0x14060] =	vst v0  }
0x126: {  	v0 =	vld [tilespmem:s2+$0x14570];
	_ =	sdelay $0x4  }
0x127: {  	[tilespmem:$0x14070] =	vst v0  }
0x128: {  	v0 =	vld [tilespmem:s2+$0x14580];
	_ =	sdelay $0x4  }
0x129: {  	[tilespmem:$0x14080] =	vst v0  }
0x12a: {  	v0 =	vld [tilespmem:s2+$0x14590];
	_ =	sdelay $0x4  }
0x12b: {  	[tilespmem:$0x14090] =	vst v0  }
0x12c: {  	v0 =	vld [tilespmem:s2+$0x145A0];
	_ =	sdelay $0x4  }
0x12d: {  	[tilespmem:$0x140A0] =	vst v0  }
0x12e: {  	v0 =	vld [tilespmem:s2+$0x145B0];
	_ =	sdelay $0x4  }
0x12f: {  	[tilespmem:$0x140B0] =	vst v0  }
0x130: {  	v0 =	vld [tilespmem:s2+$0x145C0];
	_ =	sdelay $0x4  }
0x131: {  	[tilespmem:$0x140C0] =	vst v0  }
0x132: {  	v0 =	vld [tilespmem:s2+$0x145D0];
	_ =	sdelay $0x4  }
0x133: {  	[tilespmem:$0x140D0] =	vst v0  }
0x134: {  	v0 =	vld [tilespmem:s2+$0x145E0];
	_ =	sdelay $0x4  }
0x135: {  	[tilespmem:$0x140E0] =	vst v0  }
0x136: {  	v0 =	vld [tilespmem:s2+$0x145F0];
	_ =	sdelay $0x4  }
0x137: {  	[tilespmem:$0x140F0] =	vst v0  }
0x138: {  	v0 =	vld [tilespmem:s2+$0x14600];
	_ =	sdelay $0x4  }
0x139: {  	[tilespmem:$0x14100] =	vst v0  }
0x13a: {  	v0 =	vld [tilespmem:s2+$0x14610];
	_ =	sdelay $0x4  }
0x13b: {  	[tilespmem:$0x14110] =	vst v0  }
0x13c: {  	v0 =	vld [tilespmem:s2+$0x14620];
	_ =	sdelay $0x4  }
0x13d: {  	[tilespmem:$0x14120] =	vst v0  }
0x13e: {  	v0 =	vld [tilespmem:s2+$0x14630];
	_ =	sdelay $0x4  }
0x13f: {  	[tilespmem:$0x14130] =	vst v0  }
0x140: {  	v0 =	vld [tilespmem:s2+$0x14640];
	_ =	sdelay $0x4  }
0x141: {  	[tilespmem:$0x14140] =	vst v0  }
0x142: {  	v0 =	vld [tilespmem:s2+$0x14650];
	_ =	sdelay $0x4  }
0x143: {  	[tilespmem:$0x14150] =	vst v0  }
0x144: {  	v0 =	vld [tilespmem:s2+$0x14660];
	_ =	sdelay $0x4  }
0x145: {  	[tilespmem:$0x14160] =	vst v0  }
0x146: {  	v0 =	vld [tilespmem:s2+$0x14670];
	_ =	sdelay $0x4  }
0x147: {  	[tilespmem:$0x14170] =	vst v0  }
0x148: {  	v0 =	vld [tilespmem:s2+$0x14680];
	_ =	sdelay $0x4  }
0x149: {  	[tilespmem:$0x14180] =	vst v0  }
0x14a: {  	v0 =	vld [tilespmem:s2+$0x14690];
	_ =	sdelay $0x4  }
0x14b: {  	[tilespmem:$0x14190] =	vst v0  }
0x14c: {  	v0 =	vld [tilespmem:s2+$0x146A0];
	_ =	sdelay $0x4  }
0x14d: {  	[tilespmem:$0x141A0] =	vst v0  }
0x14e: {  	v0 =	vld [tilespmem:s2+$0x146B0];
	_ =	sdelay $0x4  }
0x14f: {  	[tilespmem:$0x141B0] =	vst v0  }
0x150: {  	v0 =	vld [tilespmem:s2+$0x146C0];
	_ =	sdelay $0x4  }
0x151: {  	[tilespmem:$0x141C0] =	vst v0  }
0x152: {  	v0 =	vld [tilespmem:s2+$0x146D0];
	_ =	sdelay $0x4  }
0x153: {  	[tilespmem:$0x141D0] =	vst v0  }
0x154: {  	v0 =	vld [tilespmem:s2+$0x146E0];
	_ =	sdelay $0x4  }
0x155: {  	[tilespmem:$0x141E0] =	vst v0  }
0x156: {  	v0 =	vld [tilespmem:s2+$0x146F0];
	_ =	sdelay $0x4  }
0x157: {  	[tilespmem:$0x141F0] =	vst v0  }
0x158: {  	v0 =	vld [tilespmem:s2+$0x14700];
	_ =	sdelay $0x4  }
0x159: {  	[tilespmem:$0x14200] =	vst v0  }
0x15a: {  	v0 =	vld [tilespmem:s2+$0x14710];
	_ =	sdelay $0x4  }
0x15b: {  	[tilespmem:$0x14210] =	vst v0  }
0x15c: {  	v0 =	vld [tilespmem:s2+$0x14720];
	_ =	sdelay $0x4  }
0x15d: {  	[tilespmem:$0x14220] =	vst v0  }
0x15e: {  	v0 =	vld [tilespmem:s2+$0x14730];
	_ =	sdelay $0x4  }
0x15f: {  	[tilespmem:$0x14230] =	vst v0  }
0x160: {  	v0 =	vld [tilespmem:s2+$0x14740];
	_ =	sdelay $0x4  }
0x161: {  	[tilespmem:$0x14240] =	vst v0  }
0x162: {  	v0 =	vld [tilespmem:s2+$0x14750];
	_ =	sdelay $0x4  }
0x163: {  	[tilespmem:$0x14250] =	vst v0  }
0x164: {  	v0 =	vld [tilespmem:s2+$0x14760];
	_ =	sdelay $0x4  }
0x165: {  	[tilespmem:$0x14260] =	vst v0  }
0x166: {  	v0 =	vld [tilespmem:s2+$0x14770];
	_ =	sdelay $0x4  }
0x167: {  	s1 =	simm.s32 $0x0;
	s31 =	simm.s32 $0x14000;
	[tilespmem:$0x14270] =	vst v0  }
0x168: {  	[tilespmem:s1], [sflag:$0x1] =	stream.indirect.gather [hbm4b:s8+s17], $0x40, s31, s17, $0x2000b8;
	[tilespmem:$0x1C700] =	vst v63  }
0x169: {  	_ =	swait.ge [sflag:s16], $0x2000  }
0x16a: {  	[sflag:s16] =	ssyncset.done $0x0  }
0x16b: {  	s3 =	simm.s32 $0x14080;
	s29 =	simm.s32 $0x2000;
	[sflag:s16] =	ssyncadd.s32 $0xFFFFE000  }
0x16c: {  	[tilespmem:s29], [sflag:$0x1] =	stream.indirect.gather [hbm4b:s8+s17], $0x40, s3, s17, $0x2000b8;
	[tilespmem:$0x1C700] =	vst v63  }
0x16d: {  	_ =	swait.ge [sflag:s16], $0x2000  }
0x16e: {  	[sflag:s16] =	ssyncset.done $0x0  }
0x16f: {  	s30 =	simm.s32 $0x14100;
	s31 =	simm.s32 $0x4000;
	[sflag:s16] =	ssyncadd.s32 $0xFFFFE000  }
0x170: {  	[tilespmem:s31], [sflag:$0x1] =	stream.indirect.gather [hbm4b:s8+s17], $0x40, s30, s17, $0x2000b8;
	[tilespmem:$0x1C700] =	vst v63  }
0x171: {  	_ =	swait.ge [sflag:s16], $0x2000  }
0x172: {  	[sflag:s16] =	ssyncset.done $0x0  }
0x173: {  	s3 =	simm.s32 $0x14180;
	s29 =	simm.s32 $0x6000;
	[sflag:s16] =	ssyncadd.s32 $0xFFFFE000  }
0x174: {  	[tilespmem:s29], [sflag:$0x1] =	stream.indirect.gather [hbm4b:s8+s17], $0x40, s3, s17, $0x2000b8;
	[tilespmem:$0x1C700] =	vst v63  }
0x175: {  	_ =	swait.ge [sflag:s16], $0x2000  }
0x176: {  	[sflag:s16] =	ssyncset.done $0x0  }
0x177: {  	s30 =	simm.s32 $0x14200;
	s31 =	simm.s32 $0x8000;
	[sflag:s16] =	ssyncadd.s32 $0xFFFFE000  }
0x178: {  	[tilespmem:s31], [sflag:$0x1] =	stream.indirect.gather [hbm4b:s8+s17], $0x40, s30, s17, $0x2000b8;
	[tilespmem:$0x1C700] =	vst v63  }
0x179: {  	_ =	swait.ge [sflag:s16], $0x2000  }
0x17a: {  	[sflag:s16] =	ssyncset.done $0x0  }
0x17b: {  	[sflag:s16] =	ssyncadd.s32 $0xFFFFE000  }
.LBB2_7:
0x17c: {  	s2 =	smul.u32 $0x28000, s28;
	_ =	sdelay $0x1  }
0x17d: {  	s29 =	sadd.s32 $0x14000, s26;
	s2 =	sshra.s32 s2, $0x2  }
0x17e: {  	[tilespmem:s2], [sflag:$0x1] =	stream.indirect.gather [hbm4b:s8+s17], $0x40, s29, s17, $0x2000b8;
	[tilespmem:$0x1C700] =	vst v63  }
0x17f: {  	s30 =	sadd.s32 $0x14080, s26;
	s29 =	sadd.s32 $0x2000, s2  }
0x180: {  	[tilespmem:s29], [sflag:$0x1] =	stream.indirect.gather [hbm4b:s8+s17], $0x40, s30, s17, $0x2000b8;
	[tilespmem:$0x1C700] =	vst v63  }
0x181: {  	s31 =	sadd.s32 $0x14100, s26;
	s1 =	sadd.s32 $0x4000, s2  }
0x182: {  	[tilespmem:s1], [sflag:$0x1] =	stream.indirect.gather [hbm4b:s8+s17], $0x40, s31, s17, $0x2000b8;
	[tilespmem:$0x1C700] =	vst v63  }
0x183: {  	s3 =	sadd.s32 $0x14180, s26;
	s30 =	sadd.s32 $0x6000, s2  }
0x184: {  	[tilespmem:s30], [sflag:$0x1] =	stream.indirect.gather [hbm4b:s8+s17], $0x40, s3, s17, $0x2000b8;
	[tilespmem:$0x1C700] =	vst v63  }
0x185: {  	s2 =	sadd.s32 $0x8000, s2;
	s31 =	sadd.s32 $0x14200, s26  }
0x186: {  	[tilespmem:s2], [sflag:$0x1] =	stream.indirect.gather [hbm4b:s8+s17], $0x40, s31, s17, $0x2000b8;
	[tilespmem:$0x1C700] =	vst v63  }
.LBB2_8:
0x187: {  	s2 =	smul.u32 $0x28000, s24  }
0x188: {  	s3 =	sshll.u32 s23, $0xA  }
0x189: {  	s24 =	sadd.s32 $0x14F10, s3;
	s2 =	sshra.s32 s2, $0x2  }
0x18a: {  	v7 =	vld [tilespmem:s24+$0xFFFFFFF0];
	s31 =	sor.u32 $0x280, s2  }
0x18b: {  	v3 =	vld [tilespmem:s31+$0x100]  }
0x18c: {  	v0 =	vld [tilespmem:s31+$0x260]  }
0x18d: {  	v1 =	vld [tilespmem:s31+$0x1C0]  }
0x18e: {  	v2 =	vld [tilespmem:s31+$0x1D0]  }
0x18f: {  	v4 =	vld [tilespmem:s31+$0xD0]  }
0x190: {  	v6 =	vld [tilespmem:s31+$0xFFFFFE40]  }
0x191: {  	v10 =	vld [tilespmem:s31+$0xFFFFFFA0]  }
0x192: {  	v16 =	vld [tilespmem:s31+$0xFFFFFEE0]  }
0x193: {  	v8 =	vld [tilespmem:s31+$0x50]  }
0x194: {  	v11 =	vld [tilespmem:s31+$0x40]  }
0x195: {  	v17 =	vld [tilespmem:s31+$0xFFFFFEF0]  }
0x196: {  	v18 =	vld [tilespmem:s31+$0xFFFFFF00]  }
0x197: {  	v19 =	vld [tilespmem:s31+$0xFFFFFEB0]  }
0x198: {  	v20 =	vld [tilespmem:s31+$0xFFFFFE80]  }
0x199: {  	v21 =	vld [tilespmem:s31+$0xFFFFFEA0]  }
0x19a: {  	v13 =	vld [tilespmem:s31+$0x70]  }
0x19b: {  	v22 =	vld [tilespmem:s31+$0xFFFFFD80]  }
0x19c: {  	v23 =	vld [tilespmem:s31+$0xFFFFFDA0]  }
0x19d: {  	v24 =	vld [tilespmem:s31+$0xFFFFFF10]  }
0x19e: {  	v26 =	vld [tilespmem:s31+$0xFFFFFDB0];
	v25 =	vbroadcast v7, $0x0  }
0x19f: {  	v27 =	vld [tilespmem:s31+$0xFFFFFE00];
	v5 =	vbroadcast v7, $0xD;
	v28 =	vbroadcast v7, $0x2  }
0x1a0: {  	v29 =	vld [tilespmem:s31+$0xFFFFFE20];
	v12 =	vbroadcast v7, $0xB;
	v30 =	vbroadcast v7, $0x5  }
0x1a1: {  	v31 =	vld [tilespmem:s31+$0xFFFFFF20];
	v33 =	vbroadcast v7, $0x4;
	v35 =	vbroadcast v7, $0x9  }
0x1a2: {  	v32 =	vld [tilespmem:s31+$0xFFFFFE30];
	v38 =	vbroadcast v7, $0x8;
	v39 =	vbroadcast v7, $0x1  }
0x1a3: {  	v34 =	vld [tilespmem:s31+$0xFFFFFE10];
	v41 =	vbroadcast v7, $0x7;
	v43 =	vbroadcast v7, $0x6  }
0x1a4: {  	v36 =	vld [tilespmem:s31+$0xFFFFFDF0];
	v63 =	vbroadcast v7, $0x3;
	v22 =	vmul.f32 v22, v25  }
0x1a5: {  	v37 =	vld [tilespmem:s31+$0xFFFFFE60];
	v23 =	vmul.f32 v23, v25;
	v8 =	vmul.f32 v8, v12  }
0x1a6: {  	v40 =	vld [tilespmem:s31+$0xFFFFFE70];
	v11 =	vmul.f32 v11, v12;
	v26 =	vmul.f32 v26, v25  }
0x1a7: {  	v42 =	vld [tilespmem:s31+$0xFFFFFEC0];
	v27 =	vmul.f32 v27, v28;
	v13 =	vmul.f32 v13, v12  }
0x1a8: {  	v44 =	vld [tilespmem:s31+$0xFFFFFD90];
	v29 =	vmul.f32 v29, v28;
	v32 =	vmul.f32 v32, v28  }
0x1a9: {  	v45 =	vld [tilespmem:s31+$0xFFFFFDE0];
	v28 =	vmul.f32 v34, v28;
	v21 =	vmul.f32 v21, v33  }
0x1aa: {  	v46 =	vld [tilespmem:s31+$0xFFFFFE90];
	v24 =	vmul.f32 v24, v43;
	v20 =	vmul.f32 v20, v33  }
0x1ab: {  	v47 =	vld [tilespmem:s31+$0xFFFFFDD0];
	v31 =	vmul.f32 v31, v43;
	v19 =	vmul.f32 v19, v33  }
0x1ac: {  	v48 =	vld [tilespmem:s31+$0xFFFFFDC0];
	v18 =	vmul.f32 v18, v43;
	v36 =	vmul.f32 v36, v39  }
0x1ad: {  	v52 =	vld [tilespmem:s31+$0xFFFFFF60];
	v42 =	vmul.f32 v42, v30;
	v25 =	vmul.f32 v44, v25  }
0x1ae: {  	v54 =	vld [tilespmem:s31+$0xFFFFFF70];
	v17 =	vmul.f32 v17, v30;
	v45 =	vmul.f32 v45, v39  }
0x1af: {  	v49 =	vld [tilespmem:s31+$0xFFFFFE50];
	v53 =	vmul.f32 v40, v63;
	v37 =	vmul.f32 v37, v63  }
0x1b0: {  	v15 =	vld [tilespmem:s31+$0xFFFFFF40];
	v33 =	vmul.f32 v46, v33;
	v55 =	vmul.f32 v47, v39  }
0x1b1: {  	v56 =	vld [tilespmem:s31+$0xFFFFFED0];
	v16 =	vmul.f32 v16, v30;
	v39 =	vmul.f32 v48, v39  }
0x1b2: {  	v9 =	vld [tilespmem:s31+$0x60];
	v57 =	vmul.f32 v6, v63;
	v44 =	vmul.f32 v52, v41  }
0x1b3: {  	v58 =	vld [tilespmem:s31+$0xFFFFFF30];
	v47 =	vbroadcast v7, $0xA;
	v59 =	vmul.f32 v54, v41;
	v26 =	vadd.f32 $0.0e+00, v26  }
0x1b4: {  	v50 =	vld [tilespmem:s31+$0xFFFFFFD0];
	v34 =	vmul.f32 v49, v63;
	v22 =	vadd.f32 $0.0e+00, v22;
	v23 =	vadd.f32 $0.0e+00, v23  }
0x1b5: {  	v14 =	vld [tilespmem:s31+$0xFFFFFFE0];
	v61 =	vmul.f32 v15, v41;
	v25 =	vadd.f32 $0.0e+00, v25;
	v26 =	vadd.f32 v36, v26  }
0x1b6: {  	v60 =	vld [tilespmem:s31+$0xFFFFFFC0];
	v30 =	vmul.f32 v56, v30;
	v23 =	vadd.f32 v45, v23;
	v22 =	vadd.f32 v39, v22  }
0x1b7: {  	v6 =	vld [tilespmem:s31+$0xFFFFFF80];
	v62 =	vmul.f32 v10, v38;
	v25 =	vadd.f32 v55, v25;
	v26 =	vadd.f32 v32, v26  }
0x1b8: {  	v46 =	vld [tilespmem:s31+$0xFFFFFF90];
	v48 =	vmul.f32 v58, v43;
	v23 =	vadd.f32 v29, v23;
	v22 =	vadd.f32 v27, v22  }
0x1b9: {  	v49 =	vld [tilespmem:s31+$0xFFFFFFF0];
	v54 =	vmul.f32 v50, v35;
	v25 =	vadd.f32 v28, v25;
	v26 =	vadd.f32 v53, v26  }
0x1ba: {  	v15 =	vld [tilespmem:s31+$0xFFFFFF50];
	v14 =	vmul.f32 v14, v35;
	v23 =	vadd.f32 v37, v23;
	v22 =	vadd.f32 v57, v22  }
0x1bb: {  	v10 =	vld [tilespmem:s31+$0xFFFFFFB0];
	v9 =	vmul.f32 v9, v12;
	v25 =	vadd.f32 v34, v25;
	v19 =	vadd.f32 v19, v26  }
0x1bc: {  	v56 =	vld [tilespmem:s31+$0xB0];
	v63 =	vmul.f32 v6, v38;
	v21 =	vadd.f32 v21, v23;
	v20 =	vadd.f32 v20, v22  }
0x1bd: {  	v55 =	vld [tilespmem:s31+$0x0];
	v51 =	vmul.f32 v46, v38;
	v25 =	vadd.f32 v33, v25;
	v17 =	vadd.f32 v17, v19  }
0x1be: {  	v52 =	vmul.f32 v49, v35;
	v53 =	vld [tilespmem:s31+$0x20];
	v16 =	vadd.f32 v16, v21;
	v20 =	vadd.f32 v42, v20  }
0x1bf: {  	v23 =	vmul.f32 v60, v35;
	v22 =	vld [tilespmem:s31+$0x10];
	v25 =	vadd.f32 v30, v25;
	v17 =	vadd.f32 v48, v17  }
0x1c0: {  	v19 =	vmul.f32 v15, v41;
	v15 =	vld [tilespmem:s31+$0x30];
	v16 =	vadd.f32 v31, v16;
	v18 =	vadd.f32 v18, v20  }
0x1c1: {  	v58 =	vld [tilespmem:s31+$0x80];
	v21 =	vmul.f32 v10, v38;
	v24 =	vadd.f32 v24, v25;
	v17 =	vadd.f32 v59, v17  }
0x1c2: {  	v60 =	vmul.f32 v55, v47;
	v10 =	vld [tilespmem:s31+$0x120];
	v16 =	vadd.f32 v44, v16;
	v18 =	vadd.f32 v61, v18  }
0x1c3: {  	v57 =	vmul.f32 v53, v47;
	v19 =	vadd.f32 v19, v24;
	v61 =	vld [tilespmem:s31+$0x90];
	v17 =	vadd.f32 v21, v17  }
0x1c4: {  	v21 =	vmul.f32 v22, v47;
	v16 =	vadd.f32 v62, v16;
	v22 =	vld [tilespmem:s31+$0xA0];
	v18 =	vadd.f32 v63, v18  }
0x1c5: {  	v20 =	vmul.f32 v15, v47;
	v15 =	vld [tilespmem:s31+$0x130];
	v19 =	vadd.f32 v51, v19;
	v17 =	vadd.f32 v52, v17  }
0x1c6: {  	v59 =	vbroadcast v7, $0xC;
	v14 =	vadd.f32 v14, v16;
	v16 =	vld [tilespmem:s31+$0x170];
	v18 =	vadd.f32 v23, v18  }
0x1c7: {  	v6 =	vbroadcast v7, $0xE;
	v23 =	vld [tilespmem:s31+$0xF0];
	v19 =	vadd.f32 v54, v19;
	v20 =	vadd.f32 v20, v17  }
0x1c8: {  	s0 =	sadd.s32 s11, s0;
	s23 =	simm.s32 $0x1;
	v62 =	vmul.f32 v56, v59;
	v14 =	vadd.f32 v57, v14;
	v17 =	vld [tilespmem:s31+$0xC0];
	v18 =	vadd.f32 v60, v18  }
0x1c9: {  	s26 =	sand.u32 $0x1, s15;
	s29 =	simm.s32 $0x0;
	s23 =	simm.s32 @!p4 $0x0;
	v63 =	vmul.f32 v22, v59;
	v22 =	vadd.f32 v21, v19;
	v20 =	vadd.f32 v13, v20;
	v13 =	vld [tilespmem:s31+$0x150]  }
0x1ca: {  	s12 =	sadd.s32 s23, s12;
	s23 =	sshll.u32 s26, $0xB;
	s2 =	simm.s32 $0x1;
	v12 =	vmul.f32 v58, v59;
	v21 =	vmul.f32 v61, v59;
	v19 =	vld [tilespmem:s31+$0xE0];
	v9 =	vadd.f32 v9, v14  }
0x1cb: {  	s30 =	simm.s32 $0x40;
	s28 =	sor.u32 $0x15700, s23;
	s2 =	simm.s32 @!p3 $0x0;
	v14 =	vadd.f32 v11, v18;
	v18 =	vld [tilespmem:s31+$0x110];
	v11 =	vbroadcast v7, $0xF;
	v22 =	vadd.f32 v8, v22  }
0x1cc: {  	s23 =	smov.u32 s31;
	s14 =	sadd.s32 s2, s14;
	s20 =	sadd.s32 s2, s20;
	v7 =	vld [tilespmem:s24+$0x0];
	v20 =	vadd.f32 v62, v20;
	v8 =	vadd.f32 v63, v9;
	v9 =	vmul.f32 v23, v5  }
.LBB2_9:
0x1cd: {  	p3 =	sne.s32 s30, $0x7C0;
	v17 =	vmul.f32 v17, v5;
	v16 =	vmul.f32 v16, v11;
	v23 =	vld [tilespmem:s31+$0x1F0];
	s24 =	sadd.s32 $0x20, s24;
	s23 =	sadd.s32 $0x500, s23  }
0x1ce: {  	v4 =	vmul.f32 v4, v5;
	s2 =	smov.u32 s30;
	s30 =	sadd.s32 $0x40, s30;
	v21 =	vadd.f32 v21, v22;
	v13 =	vmul.f32 v13, v11;
	v22 =	vld [tilespmem:s31+$0x160]  }
0x1cf: {  	v15 =	vmul.f32 v15, v6;
	v9 =	vadd.f32 v9, v20;
	v5 =	vmul.f32 v19, v5;
	v19 =	vld [tilespmem:s31+$0x140]  }
0x1d0: {  	v12 =	vadd.f32 v12, v14;
	v4 =	vadd.f32 v4, v21;
	v14 =	vmul.f32 v18, v6;
	v18 =	vld [tilespmem:s31+$0x1E0]  }
0x1d1: {  	v5 =	vadd.f32 v5, v8;
	v8 =	vmul.f32 v10, v6;
	v10 =	vld [tilespmem:s31+$0x190];
	v20 =	vbroadcast v7, $0x1  }
0x1d2: {  	v3 =	vmul.f32 v3, v6;
	v6 =	vadd.f32 v15, v9;
	v4 =	vadd.f32 v14, v4;
	v9 =	vld [tilespmem:s31+$0x180]  }
0x1d3: {  	v5 =	vadd.f32 v8, v5;
	v8 =	vmul.f32 v22, v11;
	v14 =	vld [tilespmem:s31+$0x1A0];
	v15 =	vmul.f32 v23, v20  }
0x1d4: {  	v12 =	vadd.f32 v17, v12;
	v11 =	vmul.f32 v19, v11;
	v4 =	vadd.f32 v13, v4;
	v13 =	vld [tilespmem:s31+$0x1B0]  }
0x1d5: {  	v5 =	vadd.f32 v8, v5;
	v8 =	vbroadcast v7, $0x0;
	v17 =	vmul.f32 v18, v20;
	v18 =	vld [tilespmem:s31+$0x220]  }
0x1d6: {  	v6 =	vadd.f32 v16, v6;
	v16 =	vbroadcast v7, $0x2;
	v7 =	vbroadcast v7, $0x3;
	v19 =	vld [tilespmem:s31+$0x230]  }
0x1d7: {  	v3 =	vadd.f32 v3, v12;
	v9 =	vmul.f32 v9, v8;
	v10 =	vmul.f32 v10, v8;
	v12 =	vld [tilespmem:s31+$0x210]  }
0x1d8: {  	v2 =	vmul.f32 v2, v20;
	v14 =	vmul.f32 v14, v8;
	v21 =	vld [tilespmem:s31+$0x200]  }
0x1d9: {  	v1 =	vmul.f32 v1, v20;
	v3 =	vadd.f32 v11, v3;
	v8 =	vmul.f32 v13, v8;
	v11 =	vld [tilespmem:s31+$0x250]  }
0x1da: {  	v0 =	vmul.f32 v0, v7;
	v4 =	vadd.f32 v10, v4;
	v10 =	vmul.f32 v18, v16;
	v13 =	vld [tilespmem:s31+$0x240]  }
0x1db: {  	v3 =	vadd.f32 v9, v3;
	v5 =	vadd.f32 v14, v5;
	v9 =	vmul.f32 v19, v16;
	v14 =	vld [tilespmem:s31+$0x270];
	s31 =	smov.u32 s23  }
0x1dc: {  	v6 =	vadd.f32 v8, v6;
	v2 =	vadd.f32 v2, v4;
	v4 =	vmul.f32 v12, v16  }
0x1dd: {  	v1 =	vadd.f32 v1, v3;
	v3 =	vadd.f32 v17, v5;
	v5 =	vmul.f32 v21, v16  }
0x1de: {  	v6 =	vadd.f32 v15, v6;
	v2 =	vadd.f32 v4, v2;
	v4 =	vmul.f32 v11, v7  }
0x1df: {  	s3 =	sand.u32 $0x780, s29;
	v3 =	vadd.f32 v10, v3;
	v1 =	vadd.f32 v5, v1;
	v5 =	vmul.f32 v13, v7  }
0x1e0: {  	s1 =	sand.u32 $0x40, s29;
	s3 =	sadd.s32 s3, s28;
	s29 =	smov.u32 s2;
	v6 =	vadd.f32 v9, v6;
	v2 =	vadd.f32 v4, v2;
	v4 =	vmul.f32 v14, v7  }
0x1e1: {  	s1 =	sadd.s32 s1, s3;
	v0 =	vadd.f32 v0, v3;
	v1 =	vadd.f32 v5, v1  }
0x1e2: {  	v3 =	vadd.f32 v4, v6;
	[tilespmem:s1+$0x10] =	vst v2  }
0x1e3: {  	[tilespmem:s1+$0x20] =	vst v0  }
0x1e4: {  	[tilespmem:s1+$0x30] =	vst v3  }
0x1e5: {  	[tilespmem:s1+$0x0] =	vst v1  }
0x1e6: {  	v3 =	vld [tilespmem:s23+$0x100]  }
0x1e7: {  	v0 =	vld [tilespmem:s23+$0x260]  }
0x1e8: {  	v1 =	vld [tilespmem:s23+$0x1C0]  }
0x1e9: {  	v2 =	vld [tilespmem:s23+$0x1D0]  }
0x1ea: {  	v4 =	vld [tilespmem:s23+$0xD0]  }
0x1eb: {  	v15 =	vld [tilespmem:s23+$0xFFFFFE40]  }
0x1ec: {  	v6 =	vld [tilespmem:s23+$0xFFFFFFA0]  }
0x1ed: {  	v10 =	vld [tilespmem:s23+$0xFFFFFF40]  }
0x1ee: {  	v17 =	vld [tilespmem:s23+$0xFFFFFEE0]  }
0x1ef: {  	v9 =	vld [tilespmem:s23+$0x50]  }
0x1f0: {  	v11 =	vld [tilespmem:s23+$0x40]  }
0x1f1: {  	v18 =	vld [tilespmem:s23+$0xFFFFFEF0]  }
0x1f2: {  	v19 =	vld [tilespmem:s23+$0xFFFFFF00]  }
0x1f3: {  	v8 =	vld [tilespmem:s23+$0x60]  }
0x1f4: {  	v20 =	vld [tilespmem:s23+$0xFFFFFEB0]  }
0x1f5: {  	v21 =	vld [tilespmem:s23+$0xFFFFFE80]  }
0x1f6: {  	v22 =	vld [tilespmem:s23+$0xFFFFFEA0]  }
0x1f7: {  	v14 =	vld [tilespmem:s23+$0x70]  }
0x1f8: {  	v7 =	vld [tilespmem:s24+$0xFFFFFFF0]  }
0x1f9: {  	v13 =	vld [tilespmem:s23+$0xFFFFFFE0]  }
0x1fa: {  	v16 =	vld [tilespmem:s23+$0xFFFFFD80]  }
0x1fb: {  	v23 =	vld [tilespmem:s23+$0xFFFFFDA0]  }
0x1fc: {  	v24 =	vld [tilespmem:s23+$0xFFFFFF10]  }
0x1fd: {  	v25 =	vbroadcast v7, $0x0;
	v26 =	vld [tilespmem:s23+$0xFFFFFDB0];
	v5 =	vbroadcast v7, $0xD  }
0x1fe: {  	v28 =	vbroadcast v7, $0x2;
	v12 =	vbroadcast v7, $0xB;
	v27 =	vld [tilespmem:s23+$0xFFFFFE00]  }
0x1ff: {  	v30 =	vbroadcast v7, $0x5;
	v16 =	vmul.f32 v16, v25;
	v29 =	vld [tilespmem:s23+$0xFFFFFE20]  }
0x200: {  	v9 =	vmul.f32 v9, v12;
	v23 =	vmul.f32 v23, v25;
	v31 =	vld [tilespmem:s23+$0xFFFFFF20]  }
0x201: {  	v34 =	vbroadcast v7, $0x4;
	v11 =	vmul.f32 v11, v12;
	v32 =	vadd.f32 $0.0e+00, v16;
	v33 =	vld [tilespmem:s23+$0xFFFFFE30]  }
0x202: {  	v16 =	vbroadcast v7, $0x9;
	v23 =	vadd.f32 $0.0e+00, v23;
	v26 =	vmul.f32 v26, v25;
	v35 =	vld [tilespmem:s23+$0xFFFFFE10]  }
0x203: {  	v14 =	vmul.f32 v14, v12;
	v36 =	vld [tilespmem:s23+$0xFFFFFDF0];
	v27 =	vmul.f32 v27, v28  }
0x204: {  	v38 =	vbroadcast v7, $0x8;
	v26 =	vadd.f32 $0.0e+00, v26;
	v29 =	vmul.f32 v29, v28;
	v37 =	vld [tilespmem:s23+$0xFFFFFE60]  }
0x205: {  	v39 =	vbroadcast v7, $0x1;
	v41 =	vbroadcast v7, $0x7;
	v40 =	vld [tilespmem:s23+$0xFFFFFE70]  }
0x206: {  	v43 =	vbroadcast v7, $0x6;
	v33 =	vmul.f32 v33, v28;
	v42 =	vld [tilespmem:s23+$0xFFFFFEC0]  }
0x207: {  	v44 =	vld [tilespmem:s23+$0xFFFFFD90];
	v28 =	vmul.f32 v35, v28;
	v35 =	vbroadcast v7, $0x3  }
0x208: {  	v22 =	vmul.f32 v22, v34;
	v24 =	vmul.f32 v24, v43;
	v45 =	vld [tilespmem:s23+$0xFFFFFDE0]  }
0x209: {  	v21 =	vmul.f32 v21, v34;
	v31 =	vmul.f32 v31, v43;
	v46 =	vld [tilespmem:s23+$0xFFFFFE90]  }
0x20a: {  	v20 =	vmul.f32 v20, v34;
	v19 =	vmul.f32 v19, v43;
	v47 =	vld [tilespmem:s23+$0xFFFFFDD0]  }
0x20b: {  	v36 =	vmul.f32 v36, v39;
	v48 =	vld [tilespmem:s23+$0xFFFFFDC0];
	v42 =	vmul.f32 v42, v30  }
0x20c: {  	v18 =	vmul.f32 v18, v30;
	v25 =	vmul.f32 v44, v25;
	v44 =	vld [tilespmem:s23+$0xFFFFFF60]  }
0x20d: {  	v26 =	vadd.f32 v36, v26;
	v36 =	vmul.f32 v40, v35;
	v45 =	vmul.f32 v45, v39;
	v40 =	vld [tilespmem:s23+$0xFFFFFF70]  }
0x20e: {  	v37 =	vmul.f32 v37, v35;
	v25 =	vadd.f32 $0.0e+00, v25;
	v49 =	vld [tilespmem:s23+$0xFFFFFE50];
	v34 =	vmul.f32 v46, v34  }
0x20f: {  	v17 =	vmul.f32 v17, v30;
	v26 =	vadd.f32 v33, v26;
	v46 =	vmul.f32 v47, v39;
	v33 =	vld [tilespmem:s23+$0xFFFFFED0]  }
0x210: {  	v15 =	vmul.f32 v15, v35;
	v23 =	vadd.f32 v45, v23;
	v39 =	vmul.f32 v48, v39;
	v45 =	vld [tilespmem:s23+$0xFFFFFF80]  }
0x211: {  	v26 =	vadd.f32 v36, v26;
	v47 =	vbroadcast v7, $0xA;
	v36 =	vld [tilespmem:s23+$0xFFFFFF30];
	v44 =	vmul.f32 v44, v41  }
0x212: {  	v25 =	vadd.f32 v46, v25;
	v23 =	vadd.f32 v29, v23;
	v29 =	vmul.f32 v40, v41;
	v40 =	vld [tilespmem:s23+$0xFFFFFFC0]  }
0x213: {  	v32 =	vadd.f32 v39, v32;
	v39 =	vmul.f32 v10, v41;
	v35 =	vmul.f32 v49, v35;
	v10 =	vld [tilespmem:s23+$0xFFFFFF50]  }
0x214: {  	v23 =	vadd.f32 v37, v23;
	v30 =	vmul.f32 v33, v30;
	v33 =	vmul.f32 v6, v38;
	v37 =	vld [tilespmem:s23+$0xFFFFFFB0]  }
0x215: {  	v25 =	vadd.f32 v28, v25;
	v27 =	vadd.f32 v27, v32;
	v28 =	vmul.f32 v45, v38;
	v32 =	vld [tilespmem:s23+$0xFFFFFF90]  }
0x216: {  	v20 =	vadd.f32 v20, v26;
	v6 =	vbroadcast v7, $0xE;
	v26 =	vmul.f32 v36, v43;
	v36 =	vld [tilespmem:s23+$0xFFFFFFF0]  }
0x217: {  	v22 =	vadd.f32 v22, v23;
	v15 =	vadd.f32 v15, v27;
	v23 =	vmul.f32 v40, v16;
	v27 =	vld [tilespmem:s23+$0xFFFFFFD0]  }
0x218: {  	v18 =	vadd.f32 v18, v20;
	v25 =	vadd.f32 v35, v25;
	v20 =	vmul.f32 v10, v41;
	v35 =	vld [tilespmem:s23+$0x30]  }
0x219: {  	v17 =	vadd.f32 v17, v22;
	v15 =	vadd.f32 v21, v15;
	v21 =	vmul.f32 v37, v38;
	v22 =	vld [tilespmem:s23+$0x10]  }
0x21a: {  	v25 =	vadd.f32 v34, v25;
	v18 =	vadd.f32 v26, v18;
	v26 =	vmul.f32 v32, v38;
	v10 =	vld [tilespmem:s23+$0x120]  }
0x21b: {  	v17 =	vadd.f32 v31, v17;
	v15 =	vadd.f32 v42, v15;
	v31 =	vmul.f32 v36, v16;
	v32 =	vld [tilespmem:s23+$0x20]  }
0x21c: {  	v25 =	vadd.f32 v30, v25;
	v18 =	vadd.f32 v29, v18;
	v27 =	vmul.f32 v27, v16;
	v29 =	vld [tilespmem:s23+$0x0]  }
0x21d: {  	v17 =	vadd.f32 v44, v17;
	v19 =	vadd.f32 v19, v15;
	v30 =	vmul.f32 v35, v47;
	v34 =	vld [tilespmem:s23+$0xB0]  }
0x21e: {  	v24 =	vadd.f32 v24, v25;
	v18 =	vadd.f32 v21, v18;
	v21 =	vmul.f32 v22, v47;
	v15 =	vld [tilespmem:s23+$0x130]  }
0x21f: {  	v13 =	vmul.f32 v13, v16;
	v17 =	vadd.f32 v33, v17;
	v19 =	vadd.f32 v39, v19;
	v22 =	vld [tilespmem:s23+$0xA0]  }
0x220: {  	v25 =	vbroadcast v7, $0xC;
	v16 =	vadd.f32 v20, v24;
	v20 =	vmul.f32 v32, v47;
	v24 =	vld [tilespmem:s23+$0x80]  }
0x221: {  	v18 =	vadd.f32 v31, v18;
	v19 =	vadd.f32 v28, v19;
	v28 =	vmul.f32 v29, v47;
	v29 =	vld [tilespmem:s23+$0x90]  }
0x222: {  	v26 =	vadd.f32 v26, v16;
	v13 =	vadd.f32 v13, v17;
	v31 =	vmul.f32 v34, v25;
	v16 =	vld [tilespmem:s23+$0x170]  }
0x223: {  	v8 =	vmul.f32 v8, v12;
	v18 =	vadd.f32 v30, v18;
	v19 =	vadd.f32 v23, v19;
	v23 =	vld [tilespmem:s23+$0xF0]  }
.Ltmp4:
0x224: {  	v26 =	vadd.f32 v27, v26;
	v20 =	vadd.f32 v20, v13;
	v27 =	vmul.f32 v22, v25;
	v17 =	vld [tilespmem:s23+$0xC0];
	(pc) =	sbr.rel @p3 .LBB2_9-.Ltmp4, $4  }
0x225: {  	v18 =	vadd.f32 v14, v18;
	v22 =	vadd.f32 v28, v19;
	v12 =	vmul.f32 v24, v25;
	v13 =	vld [tilespmem:s23+$0x150]  }
0x226: {  	v8 =	vadd.f32 v8, v20;
	v24 =	vadd.f32 v21, v26;
	v21 =	vmul.f32 v29, v25;
	v19 =	vld [tilespmem:s23+$0xE0]  }
0x227: {  	v20 =	vadd.f32 v31, v18;
	v14 =	vadd.f32 v11, v22;
	v11 =	vbroadcast v7, $0xF;
	v18 =	vld [tilespmem:s23+$0x110]  }
0x228: {  	v8 =	vadd.f32 v27, v8;
	v22 =	vadd.f32 v9, v24;
	v7 =	vld [tilespmem:s24+$0x0];
	v9 =	vmul.f32 v23, v5  }
0x229: {  	v23 =	vld [tilespmem:s31+$0x1F0]  }
0x22a: {  	v31 =	vld [tilespmem:s31+$0x160]  }
0x22b: {  	v17 =	vmul.f32 v17, v5;
	v16 =	vmul.f32 v16, v11;
	v33 =	vld [tilespmem:s31+$0x140]  }
0x22c: {  	v4 =	vmul.f32 v4, v5;
	v15 =	vmul.f32 v15, v6;
	v12 =	vadd.f32 v12, v14;
	v35 =	vld [tilespmem:s31+$0x1E0]  }
0x22d: {  	v36 =	vmul.f32 v10, v6;
	v37 =	vld [tilespmem:s31+$0x190];
	v3 =	vmul.f32 v3, v6;
	v21 =	vadd.f32 v21, v22  }
0x22e: {  	v40 =	vld [tilespmem:s31+$0x180];
	v13 =	vmul.f32 v13, v11;
	v9 =	vadd.f32 v9, v20;
	v32 =	vmul.f32 v19, v5  }
0x22f: {  	v42 =	vld [tilespmem:s31+$0x1A0];
	v12 =	vadd.f32 v17, v12;
	v4 =	vadd.f32 v4, v21;
	v34 =	vmul.f32 v18, v6  }
0x230: {  	v45 =	vld [tilespmem:s31+$0x1B0];
	v39 =	vadd.f32 v15, v9;
	v38 =	vbroadcast v7, $0x1;
	v46 =	vbroadcast v7, $0x0  }
0x231: {  	v5 =	vadd.f32 v32, v8;
	v49 =	vbroadcast v7, $0x2;
	v50 =	vbroadcast v7, $0x3  }
0x232: {  	v48 =	vld [tilespmem:s31+$0x220];
	v3 =	vadd.f32 v3, v12;
	v41 =	vmul.f32 v31, v11;
	v44 =	vmul.f32 v33, v11  }
0x233: {  	v51 =	vld [tilespmem:s31+$0x210];
	v4 =	vadd.f32 v34, v4;
	v43 =	vmul.f32 v23, v38;
	v47 =	vmul.f32 v35, v38  }
0x234: {  	v52 =	vld [tilespmem:s31+$0x230];
	v6 =	vadd.f32 v16, v39;
	v9 =	vmul.f32 v40, v46;
	v10 =	vmul.f32 v37, v46  }
0x235: {  	v54 =	vld [tilespmem:s31+$0x200];
	v5 =	vadd.f32 v36, v5;
	v14 =	vmul.f32 v42, v46;
	v8 =	vmul.f32 v45, v46  }
0x236: {  	v56 =	vld [tilespmem:s31+$0x270];
	v2 =	vmul.f32 v2, v38;
	v1 =	vmul.f32 v1, v38;
	v4 =	vadd.f32 v13, v4  }
0x237: {  	v53 =	vld [tilespmem:s31+$0x250];
	v55 =	vmul.f32 v48, v49;
	v3 =	vadd.f32 v44, v3;
	v6 =	vadd.f32 v8, v6  }
0x238: {  	v57 =	vld [tilespmem:s31+$0x240];
	v58 =	vmul.f32 v51, v49;
	v5 =	vadd.f32 v41, v5;
	v4 =	vadd.f32 v10, v4  }
0x239: {  	v59 =	vmul.f32 v52, v49;
	v3 =	vadd.f32 v9, v3;
	v6 =	vadd.f32 v43, v6  }
0x23a: {  	v61 =	vmul.f32 v54, v49;
	v5 =	vadd.f32 v14, v5;
	v2 =	vadd.f32 v2, v4  }
0x23b: {  	v62 =	vmul.f32 v56, v50;
	v1 =	vadd.f32 v1, v3;
	v6 =	vadd.f32 v59, v6  }
0x23c: {  	s1 =	sand.u32 $0x780, s29;
	v60 =	vmul.f32 v53, v50;
	v5 =	vadd.f32 v47, v5;
	v2 =	vadd.f32 v58, v2  }
0x23d: {  	s2 =	sand.u32 $0x40, s29;
	s1 =	sadd.s32 s1, s28;
	v63 =	vmul.f32 v57, v50;
	v1 =	vadd.f32 v61, v1;
	v4 =	vadd.f32 v62, v6  }
0x23e: {  	s1 =	sadd.s32 s2, s1;
	v0 =	vmul.f32 v0, v50;
	v5 =	vadd.f32 v55, v5;
	v2 =	vadd.f32 v60, v2  }
0x23f: {  	v1 =	vadd.f32 v63, v1;
	[tilespmem:s1+$0x30] =	vst v4  }
0x240: {  	v0 =	vadd.f32 v0, v5;
	[tilespmem:s1+$0x10] =	vst v2  }
0x241: {  	s31 =	sadd.s32 $0x1, s22;
	[tilespmem:s1+$0x0] =	vst v1  }
0x242: {  	p3 =	seq.s32 s19, $0x31;
	[smem:$0x0] =	sst s31;
	[tilespmem:s1+$0x20] =	vst v0  }
0x243: {  	p1 =	por p3, p1;
	_ =	strace $0x90000056  }
0x244: {  	s0 =	sshll.u32 @p1 s0, $0x8;
	_ =	strace @p1 $0x80000057  }
0x245: {  	s0 =	sand.u32 @p1 $0x1FFFFF00, s0;
	s2 =	rddreg [dreg:$0x2]  }
0x246: {  	s1 =	sor.u32 @p1 $0x8, s26;
	s0 =	sadd.s32 @p1 s2, s0;
	s2 =	simm.s32 @p1 $0x0  }
0x247: {  	[hbm4b:s0+s2] =	stream.linear.scatter @p1 [tilespmem:s28], [sflag:s1], $0x800, $0x200038;
	[tilespmem:$0x1C700] =	vst v63  }
0x248: {  	p0 =	por p3, p0;
	s0 =	sand.u32 @!p2 $0x1, s21;
	s1 =	simm.s32 $0x1  }
0x249: {  	s2 =	simm.s32 $0x1;
	_ =	strace @p1 $0x90000057;
	s0 =	sor.u32 @!p2 $0x8, s0  }
0x24a: {  	s1 =	simm.s32 @!p1 $0x0;
	p1 =	sne.s32 s19, $0x0;
	s19 =	sadd.s32 $0x1, s19  }
0x24b: {  	s2 =	simm.s32 @!p0 $0x0;
	_ =	strace @!p2 $0x80000058;
	p0 =	sne.s32 s19, $0x32  }
.Ltmp5:
0x24c: {  	_ =	swait.ge @!p2 [sflag:s0], $0x800;
	(pc) =	sbr.rel @p0 .LBB2_4-.Ltmp5, $4  }
0x24d: {  	s15 =	sadd.s32 s1, s15;
	[sflag:s0] =	ssyncset.done @!p2 $0x0  }
0x24e: {  	s13 =	sadd.s32 s1, s13;
	[sflag:s0] =	ssyncadd.s32 @!p2 $0xFFFFF800;
	s0 =	simm.s32 $0x1  }
0x24f: {  	s10 =	sadd.s32 s2, s10;
	s9 =	sadd.s32 s1, s9;
	s0 =	simm.s32 @!p1 $0x0  }
0x250: {  	_ =	strace @!p2 $0x90000058;
	s21 =	sadd.s32 s0, s21;
	s0 =	smov.u32 s25  }
0x251: {  	_ =	strace $0x80000059;
	s0 =	simm.s32 $0x9  }
0x252: {  	_ =	swait.ge [sflag:s0], $0x800  }
0x253: {  	s1 =	rddreg [dreg:$0xa]  }
0x254: {  	s31 =	rddreg [dreg:$0x9];
	s1 =	sadd.s32 $0x1, s1  }
0x255: {  	p0 =	sne.s32 s1, s31  }
.Ltmp6:
0x256: {  	_ = 	snop;
	(pc) =	sbr.rel @p0 .LBB2_1-.Ltmp6, $4  }
0x257: {  	_ = 	snop  }
0x258: {  	[sflag:s0] =	ssyncset.done $0x0  }
0x259: {  	[sflag:s0] =	ssyncadd.s32 $0xFFFFF800  }
0x25a: {  	_ =	strace $0x90000059  }
0x25b: {  	_ =	sfence.sel $0x180000  }
0x25c: {  	[bflag:$0x0] =	sbarrier.arrive $0xFFFF  }
0x25d: {  	_ =	strace $0x90000047  }
0x25e: {  	s0 =	stileid.u32;
	[bflag:$0x2] =	sbarrier.arrive $0xFFFF  }
0x25f: {  	p0 =	sne.s32 s0, $0x0;
	s0 =	rddreg [dreg:$0x3]  }
0x260: {  	s0 =	sadd.s32 @!p0 $0x100000, s0  }
0x261: {  	[sflag:s0] =	ssyncadd.tile.s32 @!p0 $0x1;
	_ =	shalt  }
.Lfunc_end2:
_tile_overlayer_lowered:
.L_overlay_start_2:
0x262: {  	(tag) =	ssettag $0x2  }
0x263: {  	s0 =	rddreg [dreg:$0x0];
	s2 =	stileid.u32  }
0x264: {  	s1 =	rddreg [dreg:$0x1];
	p0 =	sne.s32 s2, $0x0  }
0x265: {  	s3 =	rddreg [dreg:$0x2];
	[bflag:$0x3] =	sbarrier.arrive $0xFFFF;
	s2 =	simm.s32 @!p0 $0x1C02  }
0x266: {  	[timem:s3], [sflag:s2] =	dma.local @!p0 [hbm:s0], s1  }
0x267: {  	s0 =	simm.s32 @!p0 $0x2  }
0x268: {  	_ =	swait.ge @!p0 [sflag:s0], s1  }
0x269: {  	s1 =	ssub.s32 @!p0 $0x0, s1;
	[sflag:s0] =	ssyncset.done @!p0 $0x0  }
0x26a: {  	[sflag:s0] =	ssyncadd.s32 @!p0 s1  }
0x26b: {  	[bflag:$0x3] =	sbarrier.arrive $0xFFFF  }
0x26c: {  	_ =	shalt  }

</sc_bundles>
